<compile_context>
chip_gen: v7x
topology: tpu7x:2x2x1
jax: 0.10.2.dev20260603
libtpu: 0.0.44.dev20260713+nightly
codegen_flags: <defaults>
</compile_context>

<pallas_src>
import jax
import jax.numpy as jnp
from jax import lax
from jax.experimental import pallas as pl
from jax.experimental.pallas import tpu as pltpu
from jax.experimental.pallas import tpu_sc as plsc

N = 10000
E = 320000
D = 128

NC = 2
NS = 16
NW = NC * NS

CHUNK = 128
CPT = 80
EPT = CPT * CHUNK
E_PAD = NW * EPT

RPT = 632
NPAD = RPT * NS

_mesh = plsc.VectorSubcoreMesh(
    core_axis_name="c", subcore_axis_name="s", num_cores=NC, num_subcores=NS
)



HR = NPAD // D


def _deg_body(dst2, out, dst_v, hist_v):
    c = lax.axis_index("c")
    s = lax.axis_index("s")
    wid = c * NS + s

    def zbody(r, carry):
        for j in range(8):
            hist_v[r, pl.ds(j * 16, 16)] = jnp.zeros((16,), jnp.float32)
        return carry

    lax.fori_loop(0, HR, zbody, 0)
    pltpu.sync_copy(dst2.at[pl.ds(wid * CPT, CPT)], dst_v)

    ones = jnp.ones((16,), jnp.float32)

    def body(r, carry):
        for j in range(CHUNK // 16):
            idx = dst_v[r, pl.ds(j * 16, 16)]
            row = lax.shift_right_logical(idx, 7)
            col = lax.bitwise_and(idx, 127)
            plsc.addupdate_scatter(hist_v, [row, col], ones)
        return carry

    lax.fori_loop(0, CPT, body, 0)
    pltpu.sync_copy(hist_v, out.at[wid])


_deg_call = pl.kernel(
    _deg_body,
    out_type=jax.ShapeDtypeStruct((NW, HR, D), jnp.float32),
    mesh=_mesh,
    scratch_types=[
        pltpu.VMEM((CPT, CHUNK), jnp.int32),
        pltpu.VMEM((HR, D), jnp.float32),
    ],
    compiler_params=pltpu.CompilerParams(needs_layout_passes=False),
)


def _edge_body(h, packed, zeros, out, ia, ib, rows_a, rows_b,
               sem_ga, sem_gb, sem_ia, sem_ib, ia2, ib2, sem_ia2, sem_ib2,
               acc):
    c = lax.axis_index("c")
    s = lax.axis_index("s")
    wid = c * NS + s
    r0 = s * RPT
    base = wid * CPT
    pltpu.sync_copy(zeros.at[pl.ds(r0, RPT)], acc.at[pl.ds(r0, RPT)])
    pltpu.sync_copy(packed.at[pl.ds(base, 1)], ia)
    pltpu.sync_copy(packed.at[pl.ds(base + 1, 1)], ib)
    plsc.subcore_barrier()

    pltpu.async_copy(h.at[ia.at[0, 0]], rows_a, sem_ga)
    pltpu.async_copy(packed.at[pl.ds(base + 2, 1)], ia2, sem_ia2)

    def body(i, carry):
        k = 4 * i
        pltpu.async_copy(h.at[ib.at[0, 0]], rows_b, sem_gb)
        pltpu.async_copy(packed.at[pl.ds(base + k + 3, 1)], ib2, sem_ib2)
        pltpu.make_async_copy(h.at[ia.at[0, 0]], rows_a, sem_ga).wait()
        pltpu.sync_copy(rows_a, acc.at[ia.at[0, 1]], add=True)
        pltpu.make_async_copy(packed.at[pl.ds(base, 1)], ia2, sem_ia2).wait()
        pltpu.async_copy(h.at[ia2.at[0, 0]], rows_a, sem_ga)
        pltpu.async_copy(packed.at[pl.ds(base + k + 4, 1)], ia, sem_ia)
        pltpu.make_async_copy(h.at[ib.at[0, 0]], rows_b, sem_gb).wait()
        pltpu.sync_copy(rows_b, acc.at[ib.at[0, 1]], add=True)
        pltpu.make_async_copy(packed.at[pl.ds(base, 1)], ib2, sem_ib2).wait()
        pltpu.async_copy(h.at[ib2.at[0, 0]], rows_b, sem_gb)
        pltpu.async_copy(packed.at[pl.ds(base + k + 5, 1)], ib, sem_ib)
        pltpu.make_async_copy(h.at[ia2.at[0, 0]], rows_a, sem_ga).wait()
        pltpu.sync_copy(rows_a, acc.at[ia2.at[0, 1]], add=True)
        pltpu.make_async_copy(packed.at[pl.ds(base, 1)], ia, sem_ia).wait()
        pltpu.async_copy(h.at[ia.at[0, 0]], rows_a, sem_ga)
        pltpu.async_copy(packed.at[pl.ds(base + k + 6, 1)], ia2, sem_ia2)
        pltpu.make_async_copy(h.at[ib2.at[0, 0]], rows_b, sem_gb).wait()
        pltpu.sync_copy(rows_b, acc.at[ib2.at[0, 1]], add=True)
        pltpu.make_async_copy(packed.at[pl.ds(base, 1)], ib, sem_ib).wait()
        return carry

    lax.fori_loop(0, CPT // 4 - 1, body, 0)
    pltpu.async_copy(h.at[ib.at[0, 0]], rows_b, sem_gb)
    pltpu.make_async_copy(h.at[ia.at[0, 0]], rows_a, sem_ga).wait()
    pltpu.sync_copy(rows_a, acc.at[ia.at[0, 1]], add=True)
    pltpu.make_async_copy(packed.at[pl.ds(base, 1)], ia2, sem_ia2).wait()
    pltpu.async_copy(h.at[ia2.at[0, 0]], rows_a, sem_ga)
    pltpu.make_async_copy(h.at[ib.at[0, 0]], rows_b, sem_gb).wait()
    pltpu.sync_copy(rows_b, acc.at[ib.at[0, 1]], add=True)
    pltpu.sync_copy(packed.at[pl.ds(base + CPT - 1, 1)], ib2)
    pltpu.async_copy(h.at[ib2.at[0, 0]], rows_b, sem_gb)
    pltpu.make_async_copy(h.at[ia2.at[0, 0]], rows_a, sem_ga).wait()
    pltpu.sync_copy(rows_a, acc.at[ia2.at[0, 1]], add=True)
    pltpu.make_async_copy(h.at[ib2.at[0, 0]], rows_b, sem_gb).wait()
    pltpu.sync_copy(rows_b, acc.at[ib2.at[0, 1]], add=True)

    plsc.subcore_barrier()
    pltpu.sync_copy(acc.at[pl.ds(r0, RPT)], out.at[c, pl.ds(r0, RPT)])


_edge_call = pl.kernel(
    _edge_body,
    out_type=jax.ShapeDtypeStruct((NC, NPAD, D), jnp.float32),
    mesh=_mesh,
    scratch_types=[
        pltpu.VMEM((1, 2, CHUNK), jnp.int32),
        pltpu.VMEM((1, 2, CHUNK), jnp.int32),
        pltpu.VMEM((CHUNK, D), jnp.float32),
        pltpu.VMEM((CHUNK, D), jnp.float32),
        pltpu.SemaphoreType.DMA,
        pltpu.SemaphoreType.DMA,
        pltpu.SemaphoreType.DMA,
        pltpu.SemaphoreType.DMA,
        pltpu.VMEM((1, 2, CHUNK), jnp.int32),
        pltpu.VMEM((1, 2, CHUNK), jnp.int32),
        pltpu.SemaphoreType.DMA,
        pltpu.SemaphoreType.DMA,
        pltpu.VMEM_SHARED((NPAD, D), jnp.float32),
    ],
)



def _tc0_body(degp_ref, dis2_ref):
    dsum = degp_ref[0]
    for i in range(1, NW):
        dsum = dsum + degp_ref[i]
    dis2_ref[...] = lax.rsqrt(dsum + 1.0)


_tc0_call = pl.pallas_call(
    _tc0_body,
    out_shape=jax.ShapeDtypeStruct((HR, D), jnp.float32),
)


def _tc1_body(x_ref, w_ref, dis_ref, hp_ref):
    h = jnp.dot(x_ref[...], w_ref[...], preferred_element_type=jnp.float32)
    hp_ref[...] = h * dis_ref[...]


_tc1_call = pl.pallas_call(
    _tc1_body,
    out_shape=jax.ShapeDtypeStruct((N, D), jnp.float32),
)


def _tc2_body(s_ref, hp_ref, dis_ref, b_ref, w_ref, out_ref):
    dis = dis_ref[...]
    t = (s_ref[0, :N] + s_ref[1, :N] + hp_ref[...]) * dis + b_ref[...]
    h1 = jnp.maximum(t, 0.0)
    out_ref[...] = jnp.dot(h1, w_ref[...], preferred_element_type=jnp.float32) * dis


_tc2_call = pl.pallas_call(
    _tc2_body,
    out_shape=jax.ShapeDtypeStruct((N, D), jnp.float32),
)


def _tc3_body(s_ref, hp_ref, dis_ref, b_ref, out_ref):
    t = (s_ref[0, :N] + s_ref[1, :N] + hp_ref[...]) * dis_ref[...] + b_ref[...]
    out_ref[...] = 1.0 / (1.0 + jnp.exp(-t))


_tc3_call = pl.pallas_call(
    _tc3_body,
    out_shape=jax.ShapeDtypeStruct((N, D), jnp.float32),
)



@jax.jit
def kernel(x, edge_index, W0, b0, W1, b1):
    src = edge_index[0]
    dst = edge_index[1]
    pad = E_PAD - E
    iota_pad = jnp.arange(pad, dtype=jnp.int32)
    src_pad = (iota_pad * 131) % N
    dst_pad = N + iota_pad % (NPAD - N)
    src2 = jnp.concatenate([src, src_pad]).reshape(-1, CHUNK)
    dst2 = jnp.concatenate([dst, dst_pad]).reshape(-1, CHUNK)
    packed = jnp.stack([src2, dst2], axis=1)

    zeros = jnp.zeros((NPAD, D), jnp.float32)

    degp = _deg_call(dst2)
    dis = _tc0_call(degp).reshape(NPAD, 1)[:N]
    h0p = _tc1_call(x, W0, dis)

    s1 = _edge_call(h0p, packed, zeros)
    h1p = _tc2_call(s1, h0p, dis, b0.reshape(1, D), W1)

    s2 = _edge_call(h1p, packed, zeros)
    return _tc3_call(s2, h1p, dis, b1.reshape(1, D))

# --- scband reference (transcript-rebuilt; emitter-appended) ---
"""Pipeline reference for scband-gcn-13907104104963 (READ-ONLY COPY).

The authoritative reference and input builder live on the scoring server;
editing this copy changes nothing except your own understanding.
"""

import jax, jax.numpy as jnp
import numpy as np

N = 10000
E = 320000
D_IN = 128
D_HID = 128
D_OUT = 128


def setup_inputs(seed: int = 0) -> dict:
    key = jax.random.key(seed)
    k1, k2, k3, k4, k5, k6 = jax.random.split(key, 6)
    x = jax.random.normal(k1, (N, D_IN), dtype=jnp.float32)
    edge_index = jax.random.randint(k2, (2, E), 0, N, dtype=jnp.int32)
    # Glorot-ish init for the two GCNConv linear weights, zeros for biases (PyG default).
    W0 = jax.random.normal(k3, (D_IN, D_HID), dtype=jnp.float32) * (1.0 / np.sqrt(D_IN))
    b0 = jnp.zeros((D_HID,), dtype=jnp.float32)
    W1 = jax.random.normal(k4, (D_HID, D_OUT), dtype=jnp.float32) * (1.0 / np.sqrt(D_HID))
    b1 = jnp.zeros((D_OUT,), dtype=jnp.float32)
    return {"x": x, "edge_index": edge_index, "W0": W0, "b0": b0, "W1": W1, "b1": b1}


def _gcn_conv(x, edge_index, W, b):
    # PyG GCNConv: linear transform, add self-loops, symmetric normalization, sum-aggregate, bias.
    h = x @ W
    loop = jnp.arange(N, dtype=edge_index.dtype)
    src = jnp.concatenate([edge_index[0], loop])
    dst = jnp.concatenate([edge_index[1], loop])
    deg = jax.ops.segment_sum(jnp.ones_like(dst, dtype=h.dtype), dst, num_segments=N)
    deg_inv_sqrt = jax.lax.rsqrt(jnp.maximum(deg, 1.0))  # deg >= 1 due to self-loops
    norm = deg_inv_sqrt[src] * deg_inv_sqrt[dst]
    msg = h[src] * norm[:, None]
    out = jax.ops.segment_sum(msg, dst, num_segments=N)
    return out + b


def reference(x, edge_index, W0, b0, W1, b1):
    h = _gcn_conv(x, edge_index, W0, b0)
    h = jax.nn.relu(h)
    h = _gcn_conv(h, edge_index, W1, b1)
    return jax.nn.sigmoid(h)

if __name__ == "__main__":
    import jax
    _d = setup_inputs()
    print(jax.jit(kernel)(*tuple(_d.values())))

</pallas_src>

<mosaic_0001>
#map = affine_map<(d0, d1) -> (0, 0)>
#map1 = affine_map<(d0, d1) -> (0, 0, 0)>
module attributes {stable_mosaic.version = 14 : i64} {
  func.func @_deg_body(%arg0: i32, %arg1: i32, %arg2: memref<2560x128xi32, #tpu.memory_space<hbm>>, %arg3: memref<32x79x128xf32, #tpu.memory_space<hbm>>, %arg4: memref<80x128xi32, #tpu.memory_space<vmem>>, %arg5: memref<79x128xf32, #tpu.memory_space<vmem>>) attributes {dimension_semantics = [#tpu.dimension_semantics<core_parallel>, #tpu.dimension_semantics<subcore_parallel>], iteration_bounds = array<i64: 2, 16>, scalar_prefetch = 0 : i64, scratch_operands = 2 : i64, tpu.core_type = #tpu.core_type<sc_vector_subcore>, window_params = [{transform_indices = #map}, {transform_indices = #map1}]} {
    %mul3A = arith.constant 16 : i32
    %mul3A_0 = arith.muli %arg0, %mul3A : i32
    %add3A = arith.addi %mul3A_0, %arg1 : i32
    %scan3A = arith.constant 0 : i32
    %scan3A_1 = arith.constant 0 : i32
    %scan3A_2 = arith.constant 79 : i32
    %scan3A_3 = arith.addi %scan3A_1, %scan3A_2 : i32
    %scan3A_4 = arith.constant 1 : i32
    scf.for %scan3A_15 = %scan3A_1 to %scan3A_3 step %scan3A_4  : i32 {
      %broadcast_in_dim3A_16 = arith.constant 0.000000e+00 : f32
      %broadcast_in_dim3A_17 = vector.broadcast %broadcast_in_dim3A_16 : f32 to vector<16xf32>
      %swap3A = arith.index_cast %scan3A_15 : i32 to index
      %swap3A_18 = arith.constant 0 : index
      %swap3A_19 = tpu.vector_load %arg5[%swap3A, %swap3A_18] {strides = array<i32>} : memref<79x128xf32, #tpu.memory_space<vmem>>, vector<16xf32>,
      tpu.vector_store %arg5[%swap3A, %swap3A_18], %broadcast_in_dim3A_17 {strides = array<i32>} : memref<79x128xf32, #tpu.memory_space<vmem>>, vector<16xf32>,
      %broadcast_in_dim3A_20 = arith.constant 0.000000e+00 : f32
      %broadcast_in_dim3A_21 = vector.broadcast %broadcast_in_dim3A_20 : f32 to vector<16xf32>
      %swap3A_22 = arith.index_cast %scan3A_15 : i32 to index
      %swap3A_23 = arith.constant 16 : index
      %swap3A_24 = tpu.vector_load %arg5[%swap3A_22, %swap3A_23] {strides = array<i32>} : memref<79x128xf32, #tpu.memory_space<vmem>>, vector<16xf32>,
      tpu.vector_store %arg5[%swap3A_22, %swap3A_23], %broadcast_in_dim3A_21 {strides = array<i32>} : memref<79x128xf32, #tpu.memory_space<vmem>>, vector<16xf32>,
      %broadcast_in_dim3A_25 = arith.constant 0.000000e+00 : f32
      %broadcast_in_dim3A_26 = vector.broadcast %broadcast_in_dim3A_25 : f32 to vector<16xf32>
      %swap3A_27 = arith.index_cast %scan3A_15 : i32 to index
      %swap3A_28 = arith.constant 32 : index
      %swap3A_29 = tpu.vector_load %arg5[%swap3A_27, %swap3A_28] {strides = array<i32>} : memref<79x128xf32, #tpu.memory_space<vmem>>, vector<16xf32>,
      tpu.vector_store %arg5[%swap3A_27, %swap3A_28], %broadcast_in_dim3A_26 {strides = array<i32>} : memref<79x128xf32, #tpu.memory_space<vmem>>, vector<16xf32>,
      %broadcast_in_dim3A_30 = arith.constant 0.000000e+00 : f32
      %broadcast_in_dim3A_31 = vector.broadcast %broadcast_in_dim3A_30 : f32 to vector<16xf32>
      %swap3A_32 = arith.index_cast %scan3A_15 : i32 to index
      %swap3A_33 = arith.constant 48 : index
      %swap3A_34 = tpu.vector_load %arg5[%swap3A_32, %swap3A_33] {strides = array<i32>} : memref<79x128xf32, #tpu.memory_space<vmem>>, vector<16xf32>,
      tpu.vector_store %arg5[%swap3A_32, %swap3A_33], %broadcast_in_dim3A_31 {strides = array<i32>} : memref<79x128xf32, #tpu.memory_space<vmem>>, vector<16xf32>,
      %broadcast_in_dim3A_35 = arith.constant 0.000000e+00 : f32
      %broadcast_in_dim3A_36 = vector.broadcast %broadcast_in_dim3A_35 : f32 to vector<16xf32>
      %swap3A_37 = arith.index_cast %scan3A_15 : i32 to index
      %swap3A_38 = arith.constant 64 : index
      %swap3A_39 = tpu.vector_load %arg5[%swap3A_37, %swap3A_38] {strides = array<i32>} : memref<79x128xf32, #tpu.memory_space<vmem>>, vector<16xf32>,
      tpu.vector_store %arg5[%swap3A_37, %swap3A_38], %broadcast_in_dim3A_36 {strides = array<i32>} : memref<79x128xf32, #tpu.memory_space<vmem>>, vector<16xf32>,
      %broadcast_in_dim3A_40 = arith.constant 0.000000e+00 : f32
      %broadcast_in_dim3A_41 = vector.broadcast %broadcast_in_dim3A_40 : f32 to vector<16xf32>
      %swap3A_42 = arith.index_cast %scan3A_15 : i32 to index
      %swap3A_43 = arith.constant 80 : index
      %swap3A_44 = tpu.vector_load %arg5[%swap3A_42, %swap3A_43] {strides = array<i32>} : memref<79x128xf32, #tpu.memory_space<vmem>>, vector<16xf32>,
      tpu.vector_store %arg5[%swap3A_42, %swap3A_43], %broadcast_in_dim3A_41 {strides = array<i32>} : memref<79x128xf32, #tpu.memory_space<vmem>>, vector<16xf32>,
      %broadcast_in_dim3A_45 = arith.constant 0.000000e+00 : f32
      %broadcast_in_dim3A_46 = vector.broadcast %broadcast_in_dim3A_45 : f32 to vector<16xf32>
      %swap3A_47 = arith.index_cast %scan3A_15 : i32 to index
      %swap3A_48 = arith.constant 96 : index
      %swap3A_49 = tpu.vector_load %arg5[%swap3A_47, %swap3A_48] {strides = array<i32>} : memref<79x128xf32, #tpu.memory_space<vmem>>, vector<16xf32>,
      tpu.vector_store %arg5[%swap3A_47, %swap3A_48], %broadcast_in_dim3A_46 {strides = array<i32>} : memref<79x128xf32, #tpu.memory_space<vmem>>, vector<16xf32>,
      %broadcast_in_dim3A_50 = arith.constant 0.000000e+00 : f32
      %broadcast_in_dim3A_51 = vector.broadcast %broadcast_in_dim3A_50 : f32 to vector<16xf32>
      %swap3A_52 = arith.index_cast %scan3A_15 : i32 to index
      %swap3A_53 = arith.constant 112 : index
      %swap3A_54 = tpu.vector_load %arg5[%swap3A_52, %swap3A_53] {strides = array<i32>} : memref<79x128xf32, #tpu.memory_space<vmem>>, vector<16xf32>,
      tpu.vector_store %arg5[%swap3A_52, %swap3A_53], %broadcast_in_dim3A_51 {strides = array<i32>} : memref<79x128xf32, #tpu.memory_space<vmem>>, vector<16xf32>,
    }
    %scan3A_5 = arith.constant 79 : i32
    %mul3A_6 = arith.constant 80 : i32
    %mul3A_7 = arith.muli %add3A, %mul3A_6 : i32
    "tpu.region"() ({
      %run_scoped3A = tpu.sem_alloc : memref<!tpu.dma_semaphore, #tpu.memory_space<semaphore_mem>>
      %dma_start3A = arith.constant 0 : i32
      %dma_start3A_15 = tpu.memref_slice %arg2[%mul3A_7, %dma_start3A] : memref<2560x128xi32, #tpu.memory_space<hbm>> -> memref<80x128xi32, #tpu.memory_space<hbm>>
      %dma_start3A_16 = arith.constant 0 : i32
      %dma_start3A_17 = tpu.memref_slice %arg2[%mul3A_7, %dma_start3A_16] : memref<2560x128xi32, #tpu.memory_space<hbm>> -> memref<80x128xi32, #tpu.memory_space<hbm>>
      tpu.enqueue_dma source(%dma_start3A_17 : memref<80x128xi32, #tpu.memory_space<hbm>>) target(%arg4 : memref<80x128xi32, #tpu.memory_space<vmem>>) target_semaphore(%run_scoped3A : memref<!tpu.dma_semaphore, #tpu.memory_space<semaphore_mem>>)
      %dma_wait3A = arith.constant 0 : i32
      %dma_wait3A_18 = tpu.memref_slice %arg2[%mul3A_7, %dma_wait3A] : memref<2560x128xi32, #tpu.memory_space<hbm>> -> memref<80x128xi32, #tpu.memory_space<hbm>>
      %dma_wait3A_19 = arith.constant 0 : i32
      %dma_wait3A_20 = tpu.memref_slice %arg2[%mul3A_7, %dma_wait3A_19] : memref<2560x128xi32, #tpu.memory_space<hbm>> -> memref<80x128xi32, #tpu.memory_space<hbm>>
      tpu.wait_dma2 semaphore(%run_scoped3A : memref<!tpu.dma_semaphore, #tpu.memory_space<semaphore_mem>>) src(%dma_wait3A_20 : memref<80x128xi32, #tpu.memory_space<hbm>>) dst(%arg4 : memref<80x128xi32, #tpu.memory_space<vmem>>)
      tpu.yield
    }) : () -> ()
    %broadcast_in_dim3A = arith.constant 1.000000e+00 : f32
    %broadcast_in_dim3A_8 = vector.broadcast %broadcast_in_dim3A : f32 to vector<16xf32>
    %scan3A_9 = arith.constant 0 : i32
    %scan3A_10 = arith.constant 0 : i32
    %scan3A_11 = arith.constant 80 : i32
    %scan3A_12 = arith.addi %scan3A_10, %scan3A_11 : i32
    %scan3A_13 = arith.constant 1 : i32
    scf.for %scan3A_15 = %scan3A_10 to %scan3A_12 step %scan3A_13  : i32 {
      %get3A = arith.index_cast %scan3A_15 : i32 to index
      %get3A_16 = arith.constant 0 : index
      %get3A_17 = tpu.vector_load %arg4[%get3A, %get3A_16] {strides = array<i32>} : memref<80x128xi32, #tpu.memory_space<vmem>>, vector<16xi32>,
      %shift_right_logical3A = arith.constant 7 : i32
      %shift_right_logical3A_18 = vector.broadcast %shift_right_logical3A : i32 to vector<16xi32>
      %shift_right_logical3A_19 = arith.shrui %get3A_17, %shift_right_logical3A_18 : vector<16xi32>
      %and3A = arith.constant 127 : i32
      %and3A_20 = vector.broadcast %and3A : i32 to vector<16xi32>
      %and3A_21 = arith.andi %get3A_17, %and3A_20 : vector<16xi32>
      tpu.vector_store_idx %arg5[%shift_right_logical3A_19, %and3A_21], %broadcast_in_dim3A_8 {add = true} : memref<79x128xf32, #tpu.memory_space<vmem>>[vector<16xi32>, vector<16xi32>], vector<16xf32>,
      %get3A_22 = arith.index_cast %scan3A_15 : i32 to index
      %get3A_23 = arith.constant 16 : index
      %get3A_24 = tpu.vector_load %arg4[%get3A_22, %get3A_23] {strides = array<i32>} : memref<80x128xi32, #tpu.memory_space<vmem>>, vector<16xi32>,
      %shift_right_logical3A_25 = arith.constant 7 : i32
      %shift_right_logical3A_26 = vector.broadcast %shift_right_logical3A_25 : i32 to vector<16xi32>
      %shift_right_logical3A_27 = arith.shrui %get3A_24, %shift_right_logical3A_26 : vector<16xi32>
      %and3A_28 = arith.constant 127 : i32
      %and3A_29 = vector.broadcast %and3A_28 : i32 to vector<16xi32>
      %and3A_30 = arith.andi %get3A_24, %and3A_29 : vector<16xi32>
      tpu.vector_store_idx %arg5[%shift_right_logical3A_27, %and3A_30], %broadcast_in_dim3A_8 {add = true} : memref<79x128xf32, #tpu.memory_space<vmem>>[vector<16xi32>, vector<16xi32>], vector<16xf32>,
      %get3A_31 = arith.index_cast %scan3A_15 : i32 to index
      %get3A_32 = arith.constant 32 : index
      %get3A_33 = tpu.vector_load %arg4[%get3A_31, %get3A_32] {strides = array<i32>} : memref<80x128xi32, #tpu.memory_space<vmem>>, vector<16xi32>,
      %shift_right_logical3A_34 = arith.constant 7 : i32
      %shift_right_logical3A_35 = vector.broadcast %shift_right_logical3A_34 : i32 to vector<16xi32>
      %shift_right_logical3A_36 = arith.shrui %get3A_33, %shift_right_logical3A_35 : vector<16xi32>
      %and3A_37 = arith.constant 127 : i32
      %and3A_38 = vector.broadcast %and3A_37 : i32 to vector<16xi32>
      %and3A_39 = arith.andi %get3A_33, %and3A_38 : vector<16xi32>
      tpu.vector_store_idx %arg5[%shift_right_logical3A_36, %and3A_39], %broadcast_in_dim3A_8 {add = true} : memref<79x128xf32, #tpu.memory_space<vmem>>[vector<16xi32>, vector<16xi32>], vector<16xf32>,
      %get3A_40 = arith.index_cast %scan3A_15 : i32 to index
      %get3A_41 = arith.constant 48 : index
      %get3A_42 = tpu.vector_load %arg4[%get3A_40, %get3A_41] {strides = array<i32>} : memref<80x128xi32, #tpu.memory_space<vmem>>, vector<16xi32>,
      %shift_right_logical3A_43 = arith.constant 7 : i32
      %shift_right_logical3A_44 = vector.broadcast %shift_right_logical3A_43 : i32 to vector<16xi32>
      %shift_right_logical3A_45 = arith.shrui %get3A_42, %shift_right_logical3A_44 : vector<16xi32>
      %and3A_46 = arith.constant 127 : i32
      %and3A_47 = vector.broadcast %and3A_46 : i32 to vector<16xi32>
      %and3A_48 = arith.andi %get3A_42, %and3A_47 : vector<16xi32>
      tpu.vector_store_idx %arg5[%shift_right_logical3A_45, %and3A_48], %broadcast_in_dim3A_8 {add = true} : memref<79x128xf32, #tpu.memory_space<vmem>>[vector<16xi32>, vector<16xi32>], vector<16xf32>,
      %get3A_49 = arith.index_cast %scan3A_15 : i32 to index
      %get3A_50 = arith.constant 64 : index
      %get3A_51 = tpu.vector_load %arg4[%get3A_49, %get3A_50] {strides = array<i32>} : memref<80x128xi32, #tpu.memory_space<vmem>>, vector<16xi32>,
      %shift_right_logical3A_52 = arith.constant 7 : i32
      %shift_right_logical3A_53 = vector.broadcast %shift_right_logical3A_52 : i32 to vector<16xi32>
      %shift_right_logical3A_54 = arith.shrui %get3A_51, %shift_right_logical3A_53 : vector<16xi32>
      %and3A_55 = arith.constant 127 : i32
      %and3A_56 = vector.broadcast %and3A_55 : i32 to vector<16xi32>
      %and3A_57 = arith.andi %get3A_51, %and3A_56 : vector<16xi32>
      tpu.vector_store_idx %arg5[%shift_right_logical3A_54, %and3A_57], %broadcast_in_dim3A_8 {add = true} : memref<79x128xf32, #tpu.memory_space<vmem>>[vector<16xi32>, vector<16xi32>], vector<16xf32>,
      %get3A_58 = arith.index_cast %scan3A_15 : i32 to index
      %get3A_59 = arith.constant 80 : index
      %get3A_60 = tpu.vector_load %arg4[%get3A_58, %get3A_59] {strides = array<i32>} : memref<80x128xi32, #tpu.memory_space<vmem>>, vector<16xi32>,
      %shift_right_logical3A_61 = arith.constant 7 : i32
      %shift_right_logical3A_62 = vector.broadcast %shift_right_logical3A_61 : i32 to vector<16xi32>
      %shift_right_logical3A_63 = arith.shrui %get3A_60, %shift_right_logical3A_62 : vector<16xi32>
      %and3A_64 = arith.constant 127 : i32
      %and3A_65 = vector.broadcast %and3A_64 : i32 to vector<16xi32>
      %and3A_66 = arith.andi %get3A_60, %and3A_65 : vector<16xi32>
      tpu.vector_store_idx %arg5[%shift_right_logical3A_63, %and3A_66], %broadcast_in_dim3A_8 {add = true} : memref<79x128xf32, #tpu.memory_space<vmem>>[vector<16xi32>, vector<16xi32>], vector<16xf32>,
      %get3A_67 = arith.index_cast %scan3A_15 : i32 to index
      %get3A_68 = arith.constant 96 : index
      %get3A_69 = tpu.vector_load %arg4[%get3A_67, %get3A_68] {strides = array<i32>} : memref<80x128xi32, #tpu.memory_space<vmem>>, vector<16xi32>,
      %shift_right_logical3A_70 = arith.constant 7 : i32
      %shift_right_logical3A_71 = vector.broadcast %shift_right_logical3A_70 : i32 to vector<16xi32>
      %shift_right_logical3A_72 = arith.shrui %get3A_69, %shift_right_logical3A_71 : vector<16xi32>
      %and3A_73 = arith.constant 127 : i32
      %and3A_74 = vector.broadcast %and3A_73 : i32 to vector<16xi32>
      %and3A_75 = arith.andi %get3A_69, %and3A_74 : vector<16xi32>
      tpu.vector_store_idx %arg5[%shift_right_logical3A_72, %and3A_75], %broadcast_in_dim3A_8 {add = true} : memref<79x128xf32, #tpu.memory_space<vmem>>[vector<16xi32>, vector<16xi32>], vector<16xf32>,
      %get3A_76 = arith.index_cast %scan3A_15 : i32 to index
      %get3A_77 = arith.constant 112 : index
      %get3A_78 = tpu.vector_load %arg4[%get3A_76, %get3A_77] {strides = array<i32>} : memref<80x128xi32, #tpu.memory_space<vmem>>, vector<16xi32>,
      %shift_right_logical3A_79 = arith.constant 7 : i32
      %shift_right_logical3A_80 = vector.broadcast %shift_right_logical3A_79 : i32 to vector<16xi32>
      %shift_right_logical3A_81 = arith.shrui %get3A_78, %shift_right_logical3A_80 : vector<16xi32>
      %and3A_82 = arith.constant 127 : i32
      %and3A_83 = vector.broadcast %and3A_82 : i32 to vector<16xi32>
      %and3A_84 = arith.andi %get3A_78, %and3A_83 : vector<16xi32>
      tpu.vector_store_idx %arg5[%shift_right_logical3A_81, %and3A_84], %broadcast_in_dim3A_8 {add = true} : memref<79x128xf32, #tpu.memory_space<vmem>>[vector<16xi32>, vector<16xi32>], vector<16xf32>,
    }
    %scan3A_14 = arith.constant 80 : i32
    "tpu.region"() ({
      %run_scoped3A = tpu.sem_alloc : memref<!tpu.dma_semaphore, #tpu.memory_space<semaphore_mem>>
      %dma_start3A = arith.constant 0 : i32
      %dma_start3A_15 = arith.constant 0 : i32
      %dma_start3A_16 = tpu.memref_slice %arg3[%add3A, %dma_start3A, %dma_start3A_15] : memref<32x79x128xf32, #tpu.memory_space<hbm>> -> memref<1x79x128xf32, #tpu.memory_space<hbm>>
      %dma_start3A_17 = tpu.memref_squeeze %dma_start3A_16 : memref<1x79x128xf32, #tpu.memory_space<hbm>> -> memref<79x128xf32, #tpu.memory_space<hbm>>
      %dma_start3A_18 = arith.constant 0 : i32
      %dma_start3A_19 = arith.constant 0 : i32
      %dma_start3A_20 = tpu.memref_slice %arg3[%add3A, %dma_start3A_18, %dma_start3A_19] : memref<32x79x128xf32, #tpu.memory_space<hbm>> -> memref<1x79x128xf32, #tpu.memory_space<hbm>>
      %dma_start3A_21 = tpu.memref_squeeze %dma_start3A_20 : memref<1x79x128xf32, #tpu.memory_space<hbm>> -> memref<79x128xf32, #tpu.memory_space<hbm>>
      tpu.enqueue_dma source(%arg5 : memref<79x128xf32, #tpu.memory_space<vmem>>) target(%dma_start3A_21 : memref<79x128xf32, #tpu.memory_space<hbm>>) target_semaphore(%run_scoped3A : memref<!tpu.dma_semaphore, #tpu.memory_space<semaphore_mem>>)
      %dma_wait3A = arith.constant 0 : i32
      %dma_wait3A_22 = arith.constant 0 : i32
      %dma_wait3A_23 = tpu.memref_slice %arg3[%add3A, %dma_wait3A, %dma_wait3A_22] : memref<32x79x128xf32, #tpu.memory_space<hbm>> -> memref<1x79x128xf32, #tpu.memory_space<hbm>>
      %dma_wait3A_24 = tpu.memref_squeeze %dma_wait3A_23 : memref<1x79x128xf32, #tpu.memory_space<hbm>> -> memref<79x128xf32, #tpu.memory_space<hbm>>
      %dma_wait3A_25 = arith.constant 0 : i32
      %dma_wait3A_26 = arith.constant 0 : i32
      %dma_wait3A_27 = tpu.memref_slice %arg3[%add3A, %dma_wait3A_25, %dma_wait3A_26] : memref<32x79x128xf32, #tpu.memory_space<hbm>> -> memref<1x79x128xf32, #tpu.memory_space<hbm>>
      %dma_wait3A_28 = tpu.memref_squeeze %dma_wait3A_27 : memref<1x79x128xf32, #tpu.memory_space<hbm>> -> memref<79x128xf32, #tpu.memory_space<hbm>>
      tpu.wait_dma2 semaphore(%run_scoped3A : memref<!tpu.dma_semaphore, #tpu.memory_space<semaphore_mem>>) src(%arg5 : memref<79x128xf32, #tpu.memory_space<vmem>>) dst(%dma_wait3A_28 : memref<79x128xf32, #tpu.memory_space<hbm>>)
      tpu.yield
    }) : () -> ()
    return
  }
}

#map = affine_map<(d0, d1) -> (0, 0)>
#map1 = affine_map<(d0, d1) -> (0, 0, 0)>
module attributes {stable_mosaic.version = 14 : i64} {
  func.func @_edge_body(%arg0: i32, %arg1: i32, %arg2: memref<10000x128xf32, #tpu.memory_space<hbm>>, %arg3: memref<2560x2x128xi32, #tpu.memory_space<hbm>>, %arg4: memref<10112x128xf32, #tpu.memory_space<hbm>>, %arg5: memref<2x10112x128xf32, #tpu.memory_space<hbm>>, %arg6: memref<1x2x128xi32, #tpu.memory_space<vmem>>, %arg7: memref<1x2x128xi32, #tpu.memory_space<vmem>>, %arg8: memref<128x128xf32, #tpu.memory_space<vmem>>, %arg9: memref<128x128xf32, #tpu.memory_space<vmem>>, %arg10: memref<!tpu.dma_semaphore, #tpu.memory_space<semaphore_mem>>, %arg11: memref<!tpu.dma_semaphore, #tpu.memory_space<semaphore_mem>>, %arg12: memref<!tpu.dma_semaphore, #tpu.memory_space<semaphore_mem>>, %arg13: memref<!tpu.dma_semaphore, #tpu.memory_space<semaphore_mem>>, %arg14: memref<1x2x128xi32, #tpu.memory_space<vmem>>, %arg15: memref<1x2x128xi32, #tpu.memory_space<vmem>>, %arg16: memref<!tpu.dma_semaphore, #tpu.memory_space<semaphore_mem>>, %arg17: memref<!tpu.dma_semaphore, #tpu.memory_space<semaphore_mem>>, %arg18: memref<10112x128xf32, #tpu.memory_space<vmem_shared>>) attributes {dimension_semantics = [#tpu.dimension_semantics<core_parallel>, #tpu.dimension_semantics<subcore_parallel>], iteration_bounds = array<i64: 2, 16>, scalar_prefetch = 0 : i64, scratch_operands = 13 : i64, tpu.core_type = #tpu.core_type<sc_vector_subcore>, window_params = [{transform_indices = #map}, {transform_indices = #map1}, {transform_indices = #map}, {transform_indices = #map1}]} {
    %mul3A = arith.constant 16 : i32
    %mul3A_0 = arith.muli %arg0, %mul3A : i32
    %add3A = arith.addi %mul3A_0, %arg1 : i32
    %mul3A_1 = arith.constant 632 : i32
    %mul3A_2 = arith.muli %arg1, %mul3A_1 : i32
    %mul3A_3 = arith.constant 80 : i32
    %mul3A_4 = arith.muli %add3A, %mul3A_3 : i32
    "tpu.region"() ({
      %run_scoped3A_99 = tpu.sem_alloc : memref<!tpu.dma_semaphore, #tpu.memory_space<semaphore_mem>>
      %dma_start3A_100 = arith.constant 0 : i32
      %dma_start3A_101 = tpu.memref_slice %arg18[%mul3A_2, %dma_start3A_100] : memref<10112x128xf32, #tpu.memory_space<vmem_shared>> -> memref<632x128xf32, #tpu.memory_space<vmem_shared>>
      %dma_start3A_102 = arith.constant 0 : i32
      %dma_start3A_103 = tpu.memref_slice %arg4[%mul3A_2, %dma_start3A_102] : memref<10112x128xf32, #tpu.memory_space<hbm>> -> memref<632x128xf32, #tpu.memory_space<hbm>>
      tpu.enqueue_dma source(%dma_start3A_103 : memref<632x128xf32, #tpu.memory_space<hbm>>) target(%dma_start3A_101 : memref<632x128xf32, #tpu.memory_space<vmem_shared>>) target_semaphore(%run_scoped3A_99 : memref<!tpu.dma_semaphore, #tpu.memory_space<semaphore_mem>>)
      %dma_wait3A_104 = arith.constant 0 : i32
      %dma_wait3A_105 = tpu.memref_slice %arg18[%mul3A_2, %dma_wait3A_104] : memref<10112x128xf32, #tpu.memory_space<vmem_shared>> -> memref<632x128xf32, #tpu.memory_space<vmem_shared>>
      %dma_wait3A_106 = arith.constant 0 : i32
      %dma_wait3A_107 = tpu.memref_slice %arg4[%mul3A_2, %dma_wait3A_106] : memref<10112x128xf32, #tpu.memory_space<hbm>> -> memref<632x128xf32, #tpu.memory_space<hbm>>
      tpu.wait_dma2 semaphore(%run_scoped3A_99 : memref<!tpu.dma_semaphore, #tpu.memory_space<semaphore_mem>>) src(%dma_wait3A_107 : memref<632x128xf32, #tpu.memory_space<hbm>>) dst(%dma_wait3A_105 : memref<632x128xf32, #tpu.memory_space<vmem_shared>>)
      tpu.yield
    }) : () -> ()
    "tpu.region"() ({
      %run_scoped3A_99 = tpu.sem_alloc : memref<!tpu.dma_semaphore, #tpu.memory_space<semaphore_mem>>
      %dma_start3A_100 = arith.constant 0 : i32
      %dma_start3A_101 = arith.constant 0 : i32
      %dma_start3A_102 = tpu.memref_slice %arg3[%mul3A_4, %dma_start3A_100, %dma_start3A_101] : memref<2560x2x128xi32, #tpu.memory_space<hbm>> -> memref<1x2x128xi32, #tpu.memory_space<hbm>>
      %dma_start3A_103 = arith.constant 0 : i32
      %dma_start3A_104 = arith.constant 0 : i32
      %dma_start3A_105 = tpu.memref_slice %arg3[%mul3A_4, %dma_start3A_103, %dma_start3A_104] : memref<2560x2x128xi32, #tpu.memory_space<hbm>> -> memref<1x2x128xi32, #tpu.memory_space<hbm>>
      tpu.enqueue_dma source(%dma_start3A_105 : memref<1x2x128xi32, #tpu.memory_space<hbm>>) target(%arg6 : memref<1x2x128xi32, #tpu.memory_space<vmem>>) target_semaphore(%run_scoped3A_99 : memref<!tpu.dma_semaphore, #tpu.memory_space<semaphore_mem>>)
      %dma_wait3A_106 = arith.constant 0 : i32
      %dma_wait3A_107 = arith.constant 0 : i32
      %dma_wait3A_108 = tpu.memref_slice %arg3[%mul3A_4, %dma_wait3A_106, %dma_wait3A_107] : memref<2560x2x128xi32, #tpu.memory_space<hbm>> -> memref<1x2x128xi32, #tpu.memory_space<hbm>>
      %dma_wait3A_109 = arith.constant 0 : i32
      %dma_wait3A_110 = arith.constant 0 : i32
      %dma_wait3A_111 = tpu.memref_slice %arg3[%mul3A_4, %dma_wait3A_109, %dma_wait3A_110] : memref<2560x2x128xi32, #tpu.memory_space<hbm>> -> memref<1x2x128xi32, #tpu.memory_space<hbm>>
      tpu.wait_dma2 semaphore(%run_scoped3A_99 : memref<!tpu.dma_semaphore, #tpu.memory_space<semaphore_mem>>) src(%dma_wait3A_111 : memref<1x2x128xi32, #tpu.memory_space<hbm>>) dst(%arg6 : memref<1x2x128xi32, #tpu.memory_space<vmem>>)
      tpu.yield
    }) : () -> ()
    %add3A_5 = arith.constant 1 : i32
    %add3A_6 = arith.addi %mul3A_4, %add3A_5 : i32
    "tpu.region"() ({
      %run_scoped3A_99 = tpu.sem_alloc : memref<!tpu.dma_semaphore, #tpu.memory_space<semaphore_mem>>
      %dma_start3A_100 = arith.constant 0 : i32
      %dma_start3A_101 = arith.constant 0 : i32
      %dma_start3A_102 = tpu.memref_slice %arg3[%add3A_6, %dma_start3A_100, %dma_start3A_101] : memref<2560x2x128xi32, #tpu.memory_space<hbm>> -> memref<1x2x128xi32, #tpu.memory_space<hbm>>
      %dma_start3A_103 = arith.constant 0 : i32
      %dma_start3A_104 = arith.constant 0 : i32
      %dma_start3A_105 = tpu.memref_slice %arg3[%add3A_6, %dma_start3A_103, %dma_start3A_104] : memref<2560x2x128xi32, #tpu.memory_space<hbm>> -> memref<1x2x128xi32, #tpu.memory_space<hbm>>
      tpu.enqueue_dma source(%dma_start3A_105 : memref<1x2x128xi32, #tpu.memory_space<hbm>>) target(%arg7 : memref<1x2x128xi32, #tpu.memory_space<vmem>>) target_semaphore(%run_scoped3A_99 : memref<!tpu.dma_semaphore, #tpu.memory_space<semaphore_mem>>)
      %dma_wait3A_106 = arith.constant 0 : i32
      %dma_wait3A_107 = arith.constant 0 : i32
      %dma_wait3A_108 = tpu.memref_slice %arg3[%add3A_6, %dma_wait3A_106, %dma_wait3A_107] : memref<2560x2x128xi32, #tpu.memory_space<hbm>> -> memref<1x2x128xi32, #tpu.memory_space<hbm>>
      %dma_wait3A_109 = arith.constant 0 : i32
      %dma_wait3A_110 = arith.constant 0 : i32
      %dma_wait3A_111 = tpu.memref_slice %arg3[%add3A_6, %dma_wait3A_109, %dma_wait3A_110] : memref<2560x2x128xi32, #tpu.memory_space<hbm>> -> memref<1x2x128xi32, #tpu.memory_space<hbm>>
      tpu.wait_dma2 semaphore(%run_scoped3A_99 : memref<!tpu.dma_semaphore, #tpu.memory_space<semaphore_mem>>) src(%dma_wait3A_111 : memref<1x2x128xi32, #tpu.memory_space<hbm>>) dst(%arg7 : memref<1x2x128xi32, #tpu.memory_space<vmem>>)
      tpu.yield
    }) : () -> ()
    %barrier3A = arith.constant 0 : index
    tpu.barrier barrier_id(%barrier3A)
    %dma_start3A = arith.constant 0 : i32
    %dma_start3A_7 = arith.constant 0 : i32
    %dma_start3A_8 = arith.constant 0 : i32
    %dma_start3A_9 = tpu.memref_slice %arg6[%dma_start3A, %dma_start3A_7, %dma_start3A_8] : memref<1x2x128xi32, #tpu.memory_space<vmem>> -> memref<1x1x128xi32, #tpu.memory_space<vmem>>
    %dma_start3A_10 = tpu.memref_squeeze %dma_start3A_9 : memref<1x1x128xi32, #tpu.memory_space<vmem>> -> memref<128xi32, #tpu.memory_space<vmem>>
    %dma_start3A_11 = arith.constant 0 : i32
    %dma_start3A_12 = arith.constant 0 : i32
    %dma_start3A_13 = tpu.memref_slice %arg2[%dma_start3A_11, %dma_start3A_12] : memref<10000x128xf32, #tpu.memory_space<hbm>> -> memref<10000x128xf32, #tpu.memory_space<hbm>>
    tpu.enqueue_indirect_dma source(%dma_start3A_13 : memref<10000x128xf32, #tpu.memory_space<hbm>>) target(%arg8 : memref<128x128xf32, #tpu.memory_space<vmem>>) offsets(%dma_start3A_10 : memref<128xi32, #tpu.memory_space<vmem>>) semaphore(%arg10 : memref<!tpu.dma_semaphore, #tpu.memory_space<semaphore_mem>>)
    %add3A_14 = arith.constant 2 : i32
    %add3A_15 = arith.addi %mul3A_4, %add3A_14 : i32
    %dma_start3A_16 = arith.constant 0 : i32
    %dma_start3A_17 = arith.constant 0 : i32
    %dma_start3A_18 = tpu.memref_slice %arg3[%add3A_15, %dma_start3A_16, %dma_start3A_17] : memref<2560x2x128xi32, #tpu.memory_space<hbm>> -> memref<1x2x128xi32, #tpu.memory_space<hbm>>
    %dma_start3A_19 = arith.constant 0 : i32
    %dma_start3A_20 = arith.constant 0 : i32
    %dma_start3A_21 = tpu.memref_slice %arg3[%add3A_15, %dma_start3A_19, %dma_start3A_20] : memref<2560x2x128xi32, #tpu.memory_space<hbm>> -> memref<1x2x128xi32, #tpu.memory_space<hbm>>
    tpu.enqueue_dma source(%dma_start3A_21 : memref<1x2x128xi32, #tpu.memory_space<hbm>>) target(%arg14 : memref<1x2x128xi32, #tpu.memory_space<vmem>>) target_semaphore(%arg16 : memref<!tpu.dma_semaphore, #tpu.memory_space<semaphore_mem>>)
    %scan3A = arith.constant 0 : i32
    %scan3A_22 = arith.constant 0 : i32
    %scan3A_23 = arith.constant 19 : i32
    %scan3A_24 = arith.addi %scan3A_22, %scan3A_23 : i32
    %scan3A_25 = arith.constant 1 : i32
    scf.for %scan3A_99 = %scan3A_22 to %scan3A_24 step %scan3A_25  : i32 {
      %mul3A_100 = arith.constant 4 : i32
      %mul3A_101 = arith.muli %mul3A_100, %scan3A_99 : i32
      %dma_start3A_102 = arith.constant 0 : i32
      %dma_start3A_103 = arith.constant 0 : i32
      %dma_start3A_104 = arith.constant 0 : i32
      %dma_start3A_105 = tpu.memref_slice %arg7[%dma_start3A_102, %dma_start3A_103, %dma_start3A_104] : memref<1x2x128xi32, #tpu.memory_space<vmem>> -> memref<1x1x128xi32, #tpu.memory_space<vmem>>
      %dma_start3A_106 = tpu.memref_squeeze %dma_start3A_105 : memref<1x1x128xi32, #tpu.memory_space<vmem>> -> memref<128xi32, #tpu.memory_space<vmem>>
      %dma_start3A_107 = arith.constant 0 : i32
      %dma_start3A_108 = arith.constant 0 : i32
      %dma_start3A_109 = tpu.memref_slice %arg2[%dma_start3A_107, %dma_start3A_108] : memref<10000x128xf32, #tpu.memory_space<hbm>> -> memref<10000x128xf32, #tpu.memory_space<hbm>>
      tpu.enqueue_indirect_dma source(%dma_start3A_109 : memref<10000x128xf32, #tpu.memory_space<hbm>>) target(%arg9 : memref<128x128xf32, #tpu.memory_space<vmem>>) offsets(%dma_start3A_106 : memref<128xi32, #tpu.memory_space<vmem>>) semaphore(%arg11 : memref<!tpu.dma_semaphore, #tpu.memory_space<semaphore_mem>>)
      %add3A_110 = arith.addi %mul3A_4, %mul3A_101 : i32
      %add3A_111 = arith.constant 3 : i32
      %add3A_112 = arith.addi %add3A_110, %add3A_111 : i32
      %dma_start3A_113 = arith.constant 0 : i32
      %dma_start3A_114 = arith.constant 0 : i32
      %dma_start3A_115 = tpu.memref_slice %arg3[%add3A_112, %dma_start3A_113, %dma_start3A_114] : memref<2560x2x128xi32, #tpu.memory_space<hbm>> -> memref<1x2x128xi32, #tpu.memory_space<hbm>>
      %dma_start3A_116 = arith.constant 0 : i32
      %dma_start3A_117 = arith.constant 0 : i32
      %dma_start3A_118 = tpu.memref_slice %arg3[%add3A_112, %dma_start3A_116, %dma_start3A_117] : memref<2560x2x128xi32, #tpu.memory_space<hbm>> -> memref<1x2x128xi32, #tpu.memory_space<hbm>>
      tpu.enqueue_dma source(%dma_start3A_118 : memref<1x2x128xi32, #tpu.memory_space<hbm>>) target(%arg15 : memref<1x2x128xi32, #tpu.memory_space<vmem>>) target_semaphore(%arg17 : memref<!tpu.dma_semaphore, #tpu.memory_space<semaphore_mem>>)
      %dma_wait3A_119 = arith.constant 0 : i32
      %dma_wait3A_120 = arith.constant 0 : i32
      %dma_wait3A_121 = arith.constant 0 : i32
      %dma_wait3A_122 = tpu.memref_slice %arg6[%dma_wait3A_119, %dma_wait3A_120, %dma_wait3A_121] : memref<1x2x128xi32, #tpu.memory_space<vmem>> -> memref<1x1x128xi32, #tpu.memory_space<vmem>>
      %dma_wait3A_123 = tpu.memref_squeeze %dma_wait3A_122 : memref<1x1x128xi32, #tpu.memory_space<vmem>> -> memref<128xi32, #tpu.memory_space<vmem>>
      %dma_wait3A_124 = arith.constant 0 : i32
      %dma_wait3A_125 = arith.constant 0 : i32
      %dma_wait3A_126 = tpu.memref_slice %arg2[%dma_wait3A_124, %dma_wait3A_125] : memref<10000x128xf32, #tpu.memory_space<hbm>> -> memref<10000x128xf32, #tpu.memory_space<hbm>>
      tpu.wait_indirect_dma semaphore(%arg10 : memref<!tpu.dma_semaphore, #tpu.memory_space<semaphore_mem>>) src(%dma_wait3A_126 : memref<10000x128xf32, #tpu.memory_space<hbm>>) dst(%arg8 : memref<128x128xf32, #tpu.memory_space<vmem>>)
      %run_scoped3A_127 = arith.constant 0 : i32
      %run_scoped3A_128 = arith.constant 1 : i32
      "tpu.region"() ({
        %run_scoped3A_234 = tpu.sem_alloc : memref<!tpu.dma_semaphore, #tpu.memory_space<semaphore_mem>>
        %dma_start3A_235 = arith.constant 0 : i32
        %dma_start3A_236 = tpu.memref_slice %arg6[%run_scoped3A_127, %run_scoped3A_128, %dma_start3A_235] : memref<1x2x128xi32, #tpu.memory_space<vmem>> -> memref<1x1x128xi32, #tpu.memory_space<vmem>>
        %dma_start3A_237 = tpu.memref_squeeze %dma_start3A_236 : memref<1x1x128xi32, #tpu.memory_space<vmem>> -> memref<128xi32, #tpu.memory_space<vmem>>
        %dma_start3A_238 = arith.constant 0 : i32
        %dma_start3A_239 = arith.constant 0 : i32
        %dma_start3A_240 = tpu.memref_slice %arg18[%dma_start3A_238, %dma_start3A_239] : memref<10112x128xf32, #tpu.memory_space<vmem_shared>> -> memref<10112x128xf32, #tpu.memory_space<vmem_shared>>
        tpu.enqueue_indirect_dma source(%arg8 : memref<128x128xf32, #tpu.memory_space<vmem>>) target(%dma_start3A_240 : memref<10112x128xf32, #tpu.memory_space<vmem_shared>>) offsets(%dma_start3A_237 : memref<128xi32, #tpu.memory_space<vmem>>) semaphore(%run_scoped3A_234 : memref<!tpu.dma_semaphore, #tpu.memory_space<semaphore_mem>>) {add = true}
        %dma_wait3A_241 = arith.constant 0 : i32
        %dma_wait3A_242 = tpu.memref_slice %arg6[%run_scoped3A_127, %run_scoped3A_128, %dma_wait3A_241] : memref<1x2x128xi32, #tpu.memory_space<vmem>> -> memref<1x1x128xi32, #tpu.memory_space<vmem>>
        %dma_wait3A_243 = tpu.memref_squeeze %dma_wait3A_242 : memref<1x1x128xi32, #tpu.memory_space<vmem>> -> memref<128xi32, #tpu.memory_space<vmem>>
        %dma_wait3A_244 = arith.constant 0 : i32
        %dma_wait3A_245 = arith.constant 0 : i32
        %dma_wait3A_246 = tpu.memref_slice %arg18[%dma_wait3A_244, %dma_wait3A_245] : memref<10112x128xf32, #tpu.memory_space<vmem_shared>> -> memref<10112x128xf32, #tpu.memory_space<vmem_shared>>
        tpu.wait_indirect_dma semaphore(%run_scoped3A_234 : memref<!tpu.dma_semaphore, #tpu.memory_space<semaphore_mem>>) src(%arg8 : memref<128x128xf32, #tpu.memory_space<vmem>>) dst(%dma_wait3A_246 : memref<10112x128xf32, #tpu.memory_space<vmem_shared>>)
        tpu.yield
      }) : () -> ()
      %dma_wait3A_129 = arith.constant 0 : i32
      %dma_wait3A_130 = arith.constant 0 : i32
      %dma_wait3A_131 = tpu.memref_slice %arg3[%mul3A_4, %dma_wait3A_129, %dma_wait3A_130] : memref<2560x2x128xi32, #tpu.memory_space<hbm>> -> memref<1x2x128xi32, #tpu.memory_space<hbm>>
      %dma_wait3A_132 = arith.constant 0 : i32
      %dma_wait3A_133 = arith.constant 0 : i32
      %dma_wait3A_134 = tpu.memref_slice %arg3[%mul3A_4, %dma_wait3A_132, %dma_wait3A_133] : memref<2560x2x128xi32, #tpu.memory_space<hbm>> -> memref<1x2x128xi32, #tpu.memory_space<hbm>>
      tpu.wait_dma2 semaphore(%arg16 : memref<!tpu.dma_semaphore, #tpu.memory_space<semaphore_mem>>) src(%dma_wait3A_134 : memref<1x2x128xi32, #tpu.memory_space<hbm>>) dst(%arg14 : memref<1x2x128xi32, #tpu.memory_space<vmem>>)
      %dma_start3A_135 = arith.constant 0 : i32
      %dma_start3A_136 = arith.constant 0 : i32
      %dma_start3A_137 = arith.constant 0 : i32
      %dma_start3A_138 = tpu.memref_slice %arg14[%dma_start3A_135, %dma_start3A_136, %dma_start3A_137] : memref<1x2x128xi32, #tpu.memory_space<vmem>> -> memref<1x1x128xi32, #tpu.memory_space<vmem>>
      %dma_start3A_139 = tpu.memref_squeeze %dma_start3A_138 : memref<1x1x128xi32, #tpu.memory_space<vmem>> -> memref<128xi32, #tpu.memory_space<vmem>>
      %dma_start3A_140 = arith.constant 0 : i32
      %dma_start3A_141 = arith.constant 0 : i32
      %dma_start3A_142 = tpu.memref_slice %arg2[%dma_start3A_140, %dma_start3A_141] : memref<10000x128xf32, #tpu.memory_space<hbm>> -> memref<10000x128xf32, #tpu.memory_space<hbm>>
      tpu.enqueue_indirect_dma source(%dma_start3A_142 : memref<10000x128xf32, #tpu.memory_space<hbm>>) target(%arg8 : memref<128x128xf32, #tpu.memory_space<vmem>>) offsets(%dma_start3A_139 : memref<128xi32, #tpu.memory_space<vmem>>) semaphore(%arg10 : memref<!tpu.dma_semaphore, #tpu.memory_space<semaphore_mem>>)
      %add3A_143 = arith.addi %mul3A_4, %mul3A_101 : i32
      %add3A_144 = arith.constant 4 : i32
      %add3A_145 = arith.addi %add3A_143, %add3A_144 : i32
      %dma_start3A_146 = arith.constant 0 : i32
      %dma_start3A_147 = arith.constant 0 : i32
      %dma_start3A_148 = tpu.memref_slice %arg3[%add3A_145, %dma_start3A_146, %dma_start3A_147] : memref<2560x2x128xi32, #tpu.memory_space<hbm>> -> memref<1x2x128xi32, #tpu.memory_space<hbm>>
      %dma_start3A_149 = arith.constant 0 : i32
      %dma_start3A_150 = arith.constant 0 : i32
      %dma_start3A_151 = tpu.memref_slice %arg3[%add3A_145, %dma_start3A_149, %dma_start3A_150] : memref<2560x2x128xi32, #tpu.memory_space<hbm>> -> memref<1x2x128xi32, #tpu.memory_space<hbm>>
      tpu.enqueue_dma source(%dma_start3A_151 : memref<1x2x128xi32, #tpu.memory_space<hbm>>) target(%arg6 : memref<1x2x128xi32, #tpu.memory_space<vmem>>) target_semaphore(%arg12 : memref<!tpu.dma_semaphore, #tpu.memory_space<semaphore_mem>>)
      %dma_wait3A_152 = arith.constant 0 : i32
      %dma_wait3A_153 = arith.constant 0 : i32
      %dma_wait3A_154 = arith.constant 0 : i32
      %dma_wait3A_155 = tpu.memref_slice %arg7[%dma_wait3A_152, %dma_wait3A_153, %dma_wait3A_154] : memref<1x2x128xi32, #tpu.memory_space<vmem>> -> memref<1x1x128xi32, #tpu.memory_space<vmem>>
      %dma_wait3A_156 = tpu.memref_squeeze %dma_wait3A_155 : memref<1x1x128xi32, #tpu.memory_space<vmem>> -> memref<128xi32, #tpu.memory_space<vmem>>
      %dma_wait3A_157 = arith.constant 0 : i32
      %dma_wait3A_158 = arith.constant 0 : i32
      %dma_wait3A_159 = tpu.memref_slice %arg2[%dma_wait3A_157, %dma_wait3A_158] : memref<10000x128xf32, #tpu.memory_space<hbm>> -> memref<10000x128xf32, #tpu.memory_space<hbm>>
      tpu.wait_indirect_dma semaphore(%arg11 : memref<!tpu.dma_semaphore, #tpu.memory_space<semaphore_mem>>) src(%dma_wait3A_159 : memref<10000x128xf32, #tpu.memory_space<hbm>>) dst(%arg9 : memref<128x128xf32, #tpu.memory_space<vmem>>)
      %run_scoped3A_160 = arith.constant 0 : i32
      %run_scoped3A_161 = arith.constant 1 : i32
      "tpu.region"() ({
        %run_scoped3A_234 = tpu.sem_alloc : memref<!tpu.dma_semaphore, #tpu.memory_space<semaphore_mem>>
        %dma_start3A_235 = arith.constant 0 : i32
        %dma_start3A_236 = tpu.memref_slice %arg7[%run_scoped3A_160, %run_scoped3A_161, %dma_start3A_235] : memref<1x2x128xi32, #tpu.memory_space<vmem>> -> memref<1x1x128xi32, #tpu.memory_space<vmem>>
        %dma_start3A_237 = tpu.memref_squeeze %dma_start3A_236 : memref<1x1x128xi32, #tpu.memory_space<vmem>> -> memref<128xi32, #tpu.memory_space<vmem>>
        %dma_start3A_238 = arith.constant 0 : i32
        %dma_start3A_239 = arith.constant 0 : i32
        %dma_start3A_240 = tpu.memref_slice %arg18[%dma_start3A_238, %dma_start3A_239] : memref<10112x128xf32, #tpu.memory_space<vmem_shared>> -> memref<10112x128xf32, #tpu.memory_space<vmem_shared>>
        tpu.enqueue_indirect_dma source(%arg9 : memref<128x128xf32, #tpu.memory_space<vmem>>) target(%dma_start3A_240 : memref<10112x128xf32, #tpu.memory_space<vmem_shared>>) offsets(%dma_start3A_237 : memref<128xi32, #tpu.memory_space<vmem>>) semaphore(%run_scoped3A_234 : memref<!tpu.dma_semaphore, #tpu.memory_space<semaphore_mem>>) {add = true}
        %dma_wait3A_241 = arith.constant 0 : i32
        %dma_wait3A_242 = tpu.memref_slice %arg7[%run_scoped3A_160, %run_scoped3A_161, %dma_wait3A_241] : memref<1x2x128xi32, #tpu.memory_space<vmem>> -> memref<1x1x128xi32, #tpu.memory_space<vmem>>
        %dma_wait3A_243 = tpu.memref_squeeze %dma_wait3A_242 : memref<1x1x128xi32, #tpu.memory_space<vmem>> -> memref<128xi32, #tpu.memory_space<vmem>>
        %dma_wait3A_244 = arith.constant 0 : i32
        %dma_wait3A_245 = arith.constant 0 : i32
        %dma_wait3A_246 = tpu.memref_slice %arg18[%dma_wait3A_244, %dma_wait3A_245] : memref<10112x128xf32, #tpu.memory_space<vmem_shared>> -> memref<10112x128xf32, #tpu.memory_space<vmem_shared>>
        tpu.wait_indirect_dma semaphore(%run_scoped3A_234 : memref<!tpu.dma_semaphore, #tpu.memory_space<semaphore_mem>>) src(%arg9 : memref<128x128xf32, #tpu.memory_space<vmem>>) dst(%dma_wait3A_246 : memref<10112x128xf32, #tpu.memory_space<vmem_shared>>)
        tpu.yield
      }) : () -> ()
      %dma_wait3A_162 = arith.constant 0 : i32
      %dma_wait3A_163 = arith.constant 0 : i32
      %dma_wait3A_164 = tpu.memref_slice %arg3[%mul3A_4, %dma_wait3A_162, %dma_wait3A_163] : memref<2560x2x128xi32, #tpu.memory_space<hbm>> -> memref<1x2x128xi32, #tpu.memory_space<hbm>>
      %dma_wait3A_165 = arith.constant 0 : i32
      %dma_wait3A_166 = arith.constant 0 : i32
      %dma_wait3A_167 = tpu.memref_slice %arg3[%mul3A_4, %dma_wait3A_165, %dma_wait3A_166] : memref<2560x2x128xi32, #tpu.memory_space<hbm>> -> memref<1x2x128xi32, #tpu.memory_space<hbm>>
      tpu.wait_dma2 semaphore(%arg17 : memref<!tpu.dma_semaphore, #tpu.memory_space<semaphore_mem>>) src(%dma_wait3A_167 : memref<1x2x128xi32, #tpu.memory_space<hbm>>) dst(%arg15 : memref<1x2x128xi32, #tpu.memory_space<vmem>>)
      %dma_start3A_168 = arith.constant 0 : i32
      %dma_start3A_169 = arith.constant 0 : i32
      %dma_start3A_170 = arith.constant 0 : i32
      %dma_start3A_171 = tpu.memref_slice %arg15[%dma_start3A_168, %dma_start3A_169, %dma_start3A_170] : memref<1x2x128xi32, #tpu.memory_space<vmem>> -> memref<1x1x128xi32, #tpu.memory_space<vmem>>
      %dma_start3A_172 = tpu.memref_squeeze %dma_start3A_171 : memref<1x1x128xi32, #tpu.memory_space<vmem>> -> memref<128xi32, #tpu.memory_space<vmem>>
      %dma_start3A_173 = arith.constant 0 : i32
      %dma_start3A_174 = arith.constant 0 : i32
      %dma_start3A_175 = tpu.memref_slice %arg2[%dma_start3A_173, %dma_start3A_174] : memref<10000x128xf32, #tpu.memory_space<hbm>> -> memref<10000x128xf32, #tpu.memory_space<hbm>>
      tpu.enqueue_indirect_dma source(%dma_start3A_175 : memref<10000x128xf32, #tpu.memory_space<hbm>>) target(%arg9 : memref<128x128xf32, #tpu.memory_space<vmem>>) offsets(%dma_start3A_172 : memref<128xi32, #tpu.memory_space<vmem>>) semaphore(%arg11 : memref<!tpu.dma_semaphore, #tpu.memory_space<semaphore_mem>>)
      %add3A_176 = arith.addi %mul3A_4, %mul3A_101 : i32
      %add3A_177 = arith.constant 5 : i32
      %add3A_178 = arith.addi %add3A_176, %add3A_177 : i32
      %dma_start3A_179 = arith.constant 0 : i32
      %dma_start3A_180 = arith.constant 0 : i32
      %dma_start3A_181 = tpu.memref_slice %arg3[%add3A_178, %dma_start3A_179, %dma_start3A_180] : memref<2560x2x128xi32, #tpu.memory_space<hbm>> -> memref<1x2x128xi32, #tpu.memory_space<hbm>>
      %dma_start3A_182 = arith.constant 0 : i32
      %dma_start3A_183 = arith.constant 0 : i32
      %dma_start3A_184 = tpu.memref_slice %arg3[%add3A_178, %dma_start3A_182, %dma_start3A_183] : memref<2560x2x128xi32, #tpu.memory_space<hbm>> -> memref<1x2x128xi32, #tpu.memory_space<hbm>>
      tpu.enqueue_dma source(%dma_start3A_184 : memref<1x2x128xi32, #tpu.memory_space<hbm>>) target(%arg7 : memref<1x2x128xi32, #tpu.memory_space<vmem>>) target_semaphore(%arg13 : memref<!tpu.dma_semaphore, #tpu.memory_space<semaphore_mem>>)
      %dma_wait3A_185 = arith.constant 0 : i32
      %dma_wait3A_186 = arith.constant 0 : i32
      %dma_wait3A_187 = arith.constant 0 : i32
      %dma_wait3A_188 = tpu.memref_slice %arg14[%dma_wait3A_185, %dma_wait3A_186, %dma_wait3A_187] : memref<1x2x128xi32, #tpu.memory_space<vmem>> -> memref<1x1x128xi32, #tpu.memory_space<vmem>>
      %dma_wait3A_189 = tpu.memref_squeeze %dma_wait3A_188 : memref<1x1x128xi32, #tpu.memory_space<vmem>> -> memref<128xi32, #tpu.memory_space<vmem>>
      %dma_wait3A_190 = arith.constant 0 : i32
      %dma_wait3A_191 = arith.constant 0 : i32
      %dma_wait3A_192 = tpu.memref_slice %arg2[%dma_wait3A_190, %dma_wait3A_191] : memref<10000x128xf32, #tpu.memory_space<hbm>> -> memref<10000x128xf32, #tpu.memory_space<hbm>>
      tpu.wait_indirect_dma semaphore(%arg10 : memref<!tpu.dma_semaphore, #tpu.memory_space<semaphore_mem>>) src(%dma_wait3A_192 : memref<10000x128xf32, #tpu.memory_space<hbm>>) dst(%arg8 : memref<128x128xf32, #tpu.memory_space<vmem>>)
      %run_scoped3A_193 = arith.constant 0 : i32
      %run_scoped3A_194 = arith.constant 1 : i32
      "tpu.region"() ({
        %run_scoped3A_234 = tpu.sem_alloc : memref<!tpu.dma_semaphore, #tpu.memory_space<semaphore_mem>>
        %dma_start3A_235 = arith.constant 0 : i32
        %dma_start3A_236 = tpu.memref_slice %arg14[%run_scoped3A_193, %run_scoped3A_194, %dma_start3A_235] : memref<1x2x128xi32, #tpu.memory_space<vmem>> -> memref<1x1x128xi32, #tpu.memory_space<vmem>>
        %dma_start3A_237 = tpu.memref_squeeze %dma_start3A_236 : memref<1x1x128xi32, #tpu.memory_space<vmem>> -> memref<128xi32, #tpu.memory_space<vmem>>
        %dma_start3A_238 = arith.constant 0 : i32
        %dma_start3A_239 = arith.constant 0 : i32
        %dma_start3A_240 = tpu.memref_slice %arg18[%dma_start3A_238, %dma_start3A_239] : memref<10112x128xf32, #tpu.memory_space<vmem_shared>> -> memref<10112x128xf32, #tpu.memory_space<vmem_shared>>
        tpu.enqueue_indirect_dma source(%arg8 : memref<128x128xf32, #tpu.memory_space<vmem>>) target(%dma_start3A_240 : memref<10112x128xf32, #tpu.memory_space<vmem_shared>>) offsets(%dma_start3A_237 : memref<128xi32, #tpu.memory_space<vmem>>) semaphore(%run_scoped3A_234 : memref<!tpu.dma_semaphore, #tpu.memory_space<semaphore_mem>>) {add = true}
        %dma_wait3A_241 = arith.constant 0 : i32
        %dma_wait3A_242 = tpu.memref_slice %arg14[%run_scoped3A_193, %run_scoped3A_194, %dma_wait3A_241] : memref<1x2x128xi32, #tpu.memory_space<vmem>> -> memref<1x1x128xi32, #tpu.memory_space<vmem>>
        %dma_wait3A_243 = tpu.memref_squeeze %dma_wait3A_242 : memref<1x1x128xi32, #tpu.memory_space<vmem>> -> memref<128xi32, #tpu.memory_space<vmem>>
        %dma_wait3A_244 = arith.constant 0 : i32
        %dma_wait3A_245 = arith.constant 0 : i32
        %dma_wait3A_246 = tpu.memref_slice %arg18[%dma_wait3A_244, %dma_wait3A_245] : memref<10112x128xf32, #tpu.memory_space<vmem_shared>> -> memref<10112x128xf32, #tpu.memory_space<vmem_shared>>
        tpu.wait_indirect_dma semaphore(%run_scoped3A_234 : memref<!tpu.dma_semaphore, #tpu.memory_space<semaphore_mem>>) src(%arg8 : memref<128x128xf32, #tpu.memory_space<vmem>>) dst(%dma_wait3A_246 : memref<10112x128xf32, #tpu.memory_space<vmem_shared>>)
        tpu.yield
      }) : () -> ()
      %dma_wait3A_195 = arith.constant 0 : i32
      %dma_wait3A_196 = arith.constant 0 : i32
      %dma_wait3A_197 = tpu.memref_slice %arg3[%mul3A_4, %dma_wait3A_195, %dma_wait3A_196] : memref<2560x2x128xi32, #tpu.memory_space<hbm>> -> memref<1x2x128xi32, #tpu.memory_space<hbm>>
      %dma_wait3A_198 = arith.constant 0 : i32
      %dma_wait3A_199 = arith.constant 0 : i32
      %dma_wait3A_200 = tpu.memref_slice %arg3[%mul3A_4, %dma_wait3A_198, %dma_wait3A_199] : memref<2560x2x128xi32, #tpu.memory_space<hbm>> -> memref<1x2x128xi32, #tpu.memory_space<hbm>>
      tpu.wait_dma2 semaphore(%arg12 : memref<!tpu.dma_semaphore, #tpu.memory_space<semaphore_mem>>) src(%dma_wait3A_200 : memref<1x2x128xi32, #tpu.memory_space<hbm>>) dst(%arg6 : memref<1x2x128xi32, #tpu.memory_space<vmem>>)
      %dma_start3A_201 = arith.constant 0 : i32
      %dma_start3A_202 = arith.constant 0 : i32
      %dma_start3A_203 = arith.constant 0 : i32
      %dma_start3A_204 = tpu.memref_slice %arg6[%dma_start3A_201, %dma_start3A_202, %dma_start3A_203] : memref<1x2x128xi32, #tpu.memory_space<vmem>> -> memref<1x1x128xi32, #tpu.memory_space<vmem>>
      %dma_start3A_205 = tpu.memref_squeeze %dma_start3A_204 : memref<1x1x128xi32, #tpu.memory_space<vmem>> -> memref<128xi32, #tpu.memory_space<vmem>>
      %dma_start3A_206 = arith.constant 0 : i32
      %dma_start3A_207 = arith.constant 0 : i32
      %dma_start3A_208 = tpu.memref_slice %arg2[%dma_start3A_206, %dma_start3A_207] : memref<10000x128xf32, #tpu.memory_space<hbm>> -> memref<10000x128xf32, #tpu.memory_space<hbm>>
      tpu.enqueue_indirect_dma source(%dma_start3A_208 : memref<10000x128xf32, #tpu.memory_space<hbm>>) target(%arg8 : memref<128x128xf32, #tpu.memory_space<vmem>>) offsets(%dma_start3A_205 : memref<128xi32, #tpu.memory_space<vmem>>) semaphore(%arg10 : memref<!tpu.dma_semaphore, #tpu.memory_space<semaphore_mem>>)
      %add3A_209 = arith.addi %mul3A_4, %mul3A_101 : i32
      %add3A_210 = arith.constant 6 : i32
      %add3A_211 = arith.addi %add3A_209, %add3A_210 : i32
      %dma_start3A_212 = arith.constant 0 : i32
      %dma_start3A_213 = arith.constant 0 : i32
      %dma_start3A_214 = tpu.memref_slice %arg3[%add3A_211, %dma_start3A_212, %dma_start3A_213] : memref<2560x2x128xi32, #tpu.memory_space<hbm>> -> memref<1x2x128xi32, #tpu.memory_space<hbm>>
      %dma_start3A_215 = arith.constant 0 : i32
      %dma_start3A_216 = arith.constant 0 : i32
      %dma_start3A_217 = tpu.memref_slice %arg3[%add3A_211, %dma_start3A_215, %dma_start3A_216] : memref<2560x2x128xi32, #tpu.memory_space<hbm>> -> memref<1x2x128xi32, #tpu.memory_space<hbm>>
      tpu.enqueue_dma source(%dma_start3A_217 : memref<1x2x128xi32, #tpu.memory_space<hbm>>) target(%arg14 : memref<1x2x128xi32, #tpu.memory_space<vmem>>) target_semaphore(%arg16 : memref<!tpu.dma_semaphore, #tpu.memory_space<semaphore_mem>>)
      %dma_wait3A_218 = arith.constant 0 : i32
      %dma_wait3A_219 = arith.constant 0 : i32
      %dma_wait3A_220 = arith.constant 0 : i32
      %dma_wait3A_221 = tpu.memref_slice %arg15[%dma_wait3A_218, %dma_wait3A_219, %dma_wait3A_220] : memref<1x2x128xi32, #tpu.memory_space<vmem>> -> memref<1x1x128xi32, #tpu.memory_space<vmem>>
      %dma_wait3A_222 = tpu.memref_squeeze %dma_wait3A_221 : memref<1x1x128xi32, #tpu.memory_space<vmem>> -> memref<128xi32, #tpu.memory_space<vmem>>
      %dma_wait3A_223 = arith.constant 0 : i32
      %dma_wait3A_224 = arith.constant 0 : i32
      %dma_wait3A_225 = tpu.memref_slice %arg2[%dma_wait3A_223, %dma_wait3A_224] : memref<10000x128xf32, #tpu.memory_space<hbm>> -> memref<10000x128xf32, #tpu.memory_space<hbm>>
      tpu.wait_indirect_dma semaphore(%arg11 : memref<!tpu.dma_semaphore, #tpu.memory_space<semaphore_mem>>) src(%dma_wait3A_225 : memref<10000x128xf32, #tpu.memory_space<hbm>>) dst(%arg9 : memref<128x128xf32, #tpu.memory_space<vmem>>)
      %run_scoped3A_226 = arith.constant 0 : i32
      %run_scoped3A_227 = arith.constant 1 : i32
      "tpu.region"() ({
        %run_scoped3A_234 = tpu.sem_alloc : memref<!tpu.dma_semaphore, #tpu.memory_space<semaphore_mem>>
        %dma_start3A_235 = arith.constant 0 : i32
        %dma_start3A_236 = tpu.memref_slice %arg15[%run_scoped3A_226, %run_scoped3A_227, %dma_start3A_235] : memref<1x2x128xi32, #tpu.memory_space<vmem>> -> memref<1x1x128xi32, #tpu.memory_space<vmem>>
        %dma_start3A_237 = tpu.memref_squeeze %dma_start3A_236 : memref<1x1x128xi32, #tpu.memory_space<vmem>> -> memref<128xi32, #tpu.memory_space<vmem>>
        %dma_start3A_238 = arith.constant 0 : i32
        %dma_start3A_239 = arith.constant 0 : i32
        %dma_start3A_240 = tpu.memref_slice %arg18[%dma_start3A_238, %dma_start3A_239] : memref<10112x128xf32, #tpu.memory_space<vmem_shared>> -> memref<10112x128xf32, #tpu.memory_space<vmem_shared>>
        tpu.enqueue_indirect_dma source(%arg9 : memref<128x128xf32, #tpu.memory_space<vmem>>) target(%dma_start3A_240 : memref<10112x128xf32, #tpu.memory_space<vmem_shared>>) offsets(%dma_start3A_237 : memref<128xi32, #tpu.memory_space<vmem>>) semaphore(%run_scoped3A_234 : memref<!tpu.dma_semaphore, #tpu.memory_space<semaphore_mem>>) {add = true}
        %dma_wait3A_241 = arith.constant 0 : i32
        %dma_wait3A_242 = tpu.memref_slice %arg15[%run_scoped3A_226, %run_scoped3A_227, %dma_wait3A_241] : memref<1x2x128xi32, #tpu.memory_space<vmem>> -> memref<1x1x128xi32, #tpu.memory_space<vmem>>
        %dma_wait3A_243 = tpu.memref_squeeze %dma_wait3A_242 : memref<1x1x128xi32, #tpu.memory_space<vmem>> -> memref<128xi32, #tpu.memory_space<vmem>>
        %dma_wait3A_244 = arith.constant 0 : i32
        %dma_wait3A_245 = arith.constant 0 : i32
        %dma_wait3A_246 = tpu.memref_slice %arg18[%dma_wait3A_244, %dma_wait3A_245] : memref<10112x128xf32, #tpu.memory_space<vmem_shared>> -> memref<10112x128xf32, #tpu.memory_space<vmem_shared>>
        tpu.wait_indirect_dma semaphore(%run_scoped3A_234 : memref<!tpu.dma_semaphore, #tpu.memory_space<semaphore_mem>>) src(%arg9 : memref<128x128xf32, #tpu.memory_space<vmem>>) dst(%dma_wait3A_246 : memref<10112x128xf32, #tpu.memory_space<vmem_shared>>)
        tpu.yield
      }) : () -> ()
      %dma_wait3A_228 = arith.constant 0 : i32
      %dma_wait3A_229 = arith.constant 0 : i32
      %dma_wait3A_230 = tpu.memref_slice %arg3[%mul3A_4, %dma_wait3A_228, %dma_wait3A_229] : memref<2560x2x128xi32, #tpu.memory_space<hbm>> -> memref<1x2x128xi32, #tpu.memory_space<hbm>>
      %dma_wait3A_231 = arith.constant 0 : i32
      %dma_wait3A_232 = arith.constant 0 : i32
      %dma_wait3A_233 = tpu.memref_slice %arg3[%mul3A_4, %dma_wait3A_231, %dma_wait3A_232] : memref<2560x2x128xi32, #tpu.memory_space<hbm>> -> memref<1x2x128xi32, #tpu.memory_space<hbm>>
      tpu.wait_dma2 semaphore(%arg13 : memref<!tpu.dma_semaphore, #tpu.memory_space<semaphore_mem>>) src(%dma_wait3A_233 : memref<1x2x128xi32, #tpu.memory_space<hbm>>) dst(%arg7 : memref<1x2x128xi32, #tpu.memory_space<vmem>>)
    }
    %scan3A_26 = arith.constant 19 : i32
    %dma_start3A_27 = arith.constant 0 : i32
    %dma_start3A_28 = arith.constant 0 : i32
    %dma_start3A_29 = arith.constant 0 : i32
    %dma_start3A_30 = tpu.memref_slice %arg7[%dma_start3A_27, %dma_start3A_28, %dma_start3A_29] : memref<1x2x128xi32, #tpu.memory_space<vmem>> -> memref<1x1x128xi32, #tpu.memory_space<vmem>>
    %dma_start3A_31 = tpu.memref_squeeze %dma_start3A_30 : memref<1x1x128xi32, #tpu.memory_space<vmem>> -> memref<128xi32, #tpu.memory_space<vmem>>
    %dma_start3A_32 = arith.constant 0 : i32
    %dma_start3A_33 = arith.constant 0 : i32
    %dma_start3A_34 = tpu.memref_slice %arg2[%dma_start3A_32, %dma_start3A_33] : memref<10000x128xf32, #tpu.memory_space<hbm>> -> memref<10000x128xf32, #tpu.memory_space<hbm>>
    tpu.enqueue_indirect_dma source(%dma_start3A_34 : memref<10000x128xf32, #tpu.memory_space<hbm>>) target(%arg9 : memref<128x128xf32, #tpu.memory_space<vmem>>) offsets(%dma_start3A_31 : memref<128xi32, #tpu.memory_space<vmem>>) semaphore(%arg11 : memref<!tpu.dma_semaphore, #tpu.memory_space<semaphore_mem>>)
    %dma_wait3A = arith.constant 0 : i32
    %dma_wait3A_35 = arith.constant 0 : i32
    %dma_wait3A_36 = arith.constant 0 : i32
    %dma_wait3A_37 = tpu.memref_slice %arg6[%dma_wait3A, %dma_wait3A_35, %dma_wait3A_36] : memref<1x2x128xi32, #tpu.memory_space<vmem>> -> memref<1x1x128xi32, #tpu.memory_space<vmem>>
    %dma_wait3A_38 = tpu.memref_squeeze %dma_wait3A_37 : memref<1x1x128xi32, #tpu.memory_space<vmem>> -> memref<128xi32, #tpu.memory_space<vmem>>
    %dma_wait3A_39 = arith.constant 0 : i32
    %dma_wait3A_40 = arith.constant 0 : i32
    %dma_wait3A_41 = tpu.memref_slice %arg2[%dma_wait3A_39, %dma_wait3A_40] : memref<10000x128xf32, #tpu.memory_space<hbm>> -> memref<10000x128xf32, #tpu.memory_space<hbm>>
    tpu.wait_indirect_dma semaphore(%arg10 : memref<!tpu.dma_semaphore, #tpu.memory_space<semaphore_mem>>) src(%dma_wait3A_41 : memref<10000x128xf32, #tpu.memory_space<hbm>>) dst(%arg8 : memref<128x128xf32, #tpu.memory_space<vmem>>)
    %run_scoped3A = arith.constant 0 : i32
    %run_scoped3A_42 = arith.constant 1 : i32
    "tpu.region"() ({
      %run_scoped3A_99 = tpu.sem_alloc : memref<!tpu.dma_semaphore, #tpu.memory_space<semaphore_mem>>
      %dma_start3A_100 = arith.constant 0 : i32
      %dma_start3A_101 = tpu.memref_slice %arg6[%run_scoped3A, %run_scoped3A_42, %dma_start3A_100] : memref<1x2x128xi32, #tpu.memory_space<vmem>> -> memref<1x1x128xi32, #tpu.memory_space<vmem>>
      %dma_start3A_102 = tpu.memref_squeeze %dma_start3A_101 : memref<1x1x128xi32, #tpu.memory_space<vmem>> -> memref<128xi32, #tpu.memory_space<vmem>>
      %dma_start3A_103 = arith.constant 0 : i32
      %dma_start3A_104 = arith.constant 0 : i32
      %dma_start3A_105 = tpu.memref_slice %arg18[%dma_start3A_103, %dma_start3A_104] : memref<10112x128xf32, #tpu.memory_space<vmem_shared>> -> memref<10112x128xf32, #tpu.memory_space<vmem_shared>>
      tpu.enqueue_indirect_dma source(%arg8 : memref<128x128xf32, #tpu.memory_space<vmem>>) target(%dma_start3A_105 : memref<10112x128xf32, #tpu.memory_space<vmem_shared>>) offsets(%dma_start3A_102 : memref<128xi32, #tpu.memory_space<vmem>>) semaphore(%run_scoped3A_99 : memref<!tpu.dma_semaphore, #tpu.memory_space<semaphore_mem>>) {add = true}
      %dma_wait3A_106 = arith.constant 0 : i32
      %dma_wait3A_107 = tpu.memref_slice %arg6[%run_scoped3A, %run_scoped3A_42, %dma_wait3A_106] : memref<1x2x128xi32, #tpu.memory_space<vmem>> -> memref<1x1x128xi32, #tpu.memory_space<vmem>>
      %dma_wait3A_108 = tpu.memref_squeeze %dma_wait3A_107 : memref<1x1x128xi32, #tpu.memory_space<vmem>> -> memref<128xi32, #tpu.memory_space<vmem>>
      %dma_wait3A_109 = arith.constant 0 : i32
      %dma_wait3A_110 = arith.constant 0 : i32
      %dma_wait3A_111 = tpu.memref_slice %arg18[%dma_wait3A_109, %dma_wait3A_110] : memref<10112x128xf32, #tpu.memory_space<vmem_shared>> -> memref<10112x128xf32, #tpu.memory_space<vmem_shared>>
      tpu.wait_indirect_dma semaphore(%run_scoped3A_99 : memref<!tpu.dma_semaphore, #tpu.memory_space<semaphore_mem>>) src(%arg8 : memref<128x128xf32, #tpu.memory_space<vmem>>) dst(%dma_wait3A_111 : memref<10112x128xf32, #tpu.memory_space<vmem_shared>>)
      tpu.yield
    }) : () -> ()
    %dma_wait3A_43 = arith.constant 0 : i32
    %dma_wait3A_44 = arith.constant 0 : i32
    %dma_wait3A_45 = tpu.memref_slice %arg3[%mul3A_4, %dma_wait3A_43, %dma_wait3A_44] : memref<2560x2x128xi32, #tpu.memory_space<hbm>> -> memref<1x2x128xi32, #tpu.memory_space<hbm>>
    %dma_wait3A_46 = arith.constant 0 : i32
    %dma_wait3A_47 = arith.constant 0 : i32
    %dma_wait3A_48 = tpu.memref_slice %arg3[%mul3A_4, %dma_wait3A_46, %dma_wait3A_47] : memref<2560x2x128xi32, #tpu.memory_space<hbm>> -> memref<1x2x128xi32, #tpu.memory_space<hbm>>
    tpu.wait_dma2 semaphore(%arg16 : memref<!tpu.dma_semaphore, #tpu.memory_space<semaphore_mem>>) src(%dma_wait3A_48 : memref<1x2x128xi32, #tpu.memory_space<hbm>>) dst(%arg14 : memref<1x2x128xi32, #tpu.memory_space<vmem>>)
    %dma_start3A_49 = arith.constant 0 : i32
    %dma_start3A_50 = arith.constant 0 : i32
    %dma_start3A_51 = arith.constant 0 : i32
    %dma_start3A_52 = tpu.memref_slice %arg14[%dma_start3A_49, %dma_start3A_50, %dma_start3A_51] : memref<1x2x128xi32, #tpu.memory_space<vmem>> -> memref<1x1x128xi32, #tpu.memory_space<vmem>>
    %dma_start3A_53 = tpu.memref_squeeze %dma_start3A_52 : memref<1x1x128xi32, #tpu.memory_space<vmem>> -> memref<128xi32, #tpu.memory_space<vmem>>
    %dma_start3A_54 = arith.constant 0 : i32
    %dma_start3A_55 = arith.constant 0 : i32
    %dma_start3A_56 = tpu.memref_slice %arg2[%dma_start3A_54, %dma_start3A_55] : memref<10000x128xf32, #tpu.memory_space<hbm>> -> memref<10000x128xf32, #tpu.memory_space<hbm>>
    tpu.enqueue_indirect_dma source(%dma_start3A_56 : memref<10000x128xf32, #tpu.memory_space<hbm>>) target(%arg8 : memref<128x128xf32, #tpu.memory_space<vmem>>) offsets(%dma_start3A_53 : memref<128xi32, #tpu.memory_space<vmem>>) semaphore(%arg10 : memref<!tpu.dma_semaphore, #tpu.memory_space<semaphore_mem>>)
    %dma_wait3A_57 = arith.constant 0 : i32
    %dma_wait3A_58 = arith.constant 0 : i32
    %dma_wait3A_59 = arith.constant 0 : i32
    %dma_wait3A_60 = tpu.memref_slice %arg7[%dma_wait3A_57, %dma_wait3A_58, %dma_wait3A_59] : memref<1x2x128xi32, #tpu.memory_space<vmem>> -> memref<1x1x128xi32, #tpu.memory_space<vmem>>
    %dma_wait3A_61 = tpu.memref_squeeze %dma_wait3A_60 : memref<1x1x128xi32, #tpu.memory_space<vmem>> -> memref<128xi32, #tpu.memory_space<vmem>>
    %dma_wait3A_62 = arith.constant 0 : i32
    %dma_wait3A_63 = arith.constant 0 : i32
    %dma_wait3A_64 = tpu.memref_slice %arg2[%dma_wait3A_62, %dma_wait3A_63] : memref<10000x128xf32, #tpu.memory_space<hbm>> -> memref<10000x128xf32, #tpu.memory_space<hbm>>
    tpu.wait_indirect_dma semaphore(%arg11 : memref<!tpu.dma_semaphore, #tpu.memory_space<semaphore_mem>>) src(%dma_wait3A_64 : memref<10000x128xf32, #tpu.memory_space<hbm>>) dst(%arg9 : memref<128x128xf32, #tpu.memory_space<vmem>>)
    %run_scoped3A_65 = arith.constant 0 : i32
    %run_scoped3A_66 = arith.constant 1 : i32
    "tpu.region"() ({
      %run_scoped3A_99 = tpu.sem_alloc : memref<!tpu.dma_semaphore, #tpu.memory_space<semaphore_mem>>
      %dma_start3A_100 = arith.constant 0 : i32
      %dma_start3A_101 = tpu.memref_slice %arg7[%run_scoped3A_65, %run_scoped3A_66, %dma_start3A_100] : memref<1x2x128xi32, #tpu.memory_space<vmem>> -> memref<1x1x128xi32, #tpu.memory_space<vmem>>
      %dma_start3A_102 = tpu.memref_squeeze %dma_start3A_101 : memref<1x1x128xi32, #tpu.memory_space<vmem>> -> memref<128xi32, #tpu.memory_space<vmem>>
      %dma_start3A_103 = arith.constant 0 : i32
      %dma_start3A_104 = arith.constant 0 : i32
      %dma_start3A_105 = tpu.memref_slice %arg18[%dma_start3A_103, %dma_start3A_104] : memref<10112x128xf32, #tpu.memory_space<vmem_shared>> -> memref<10112x128xf32, #tpu.memory_space<vmem_shared>>
      tpu.enqueue_indirect_dma source(%arg9 : memref<128x128xf32, #tpu.memory_space<vmem>>) target(%dma_start3A_105 : memref<10112x128xf32, #tpu.memory_space<vmem_shared>>) offsets(%dma_start3A_102 : memref<128xi32, #tpu.memory_space<vmem>>) semaphore(%run_scoped3A_99 : memref<!tpu.dma_semaphore, #tpu.memory_space<semaphore_mem>>) {add = true}
      %dma_wait3A_106 = arith.constant 0 : i32
      %dma_wait3A_107 = tpu.memref_slice %arg7[%run_scoped3A_65, %run_scoped3A_66, %dma_wait3A_106] : memref<1x2x128xi32, #tpu.memory_space<vmem>> -> memref<1x1x128xi32, #tpu.memory_space<vmem>>
      %dma_wait3A_108 = tpu.memref_squeeze %dma_wait3A_107 : memref<1x1x128xi32, #tpu.memory_space<vmem>> -> memref<128xi32, #tpu.memory_space<vmem>>
      %dma_wait3A_109 = arith.constant 0 : i32
      %dma_wait3A_110 = arith.constant 0 : i32
      %dma_wait3A_111 = tpu.memref_slice %arg18[%dma_wait3A_109, %dma_wait3A_110] : memref<10112x128xf32, #tpu.memory_space<vmem_shared>> -> memref<10112x128xf32, #tpu.memory_space<vmem_shared>>
      tpu.wait_indirect_dma semaphore(%run_scoped3A_99 : memref<!tpu.dma_semaphore, #tpu.memory_space<semaphore_mem>>) src(%arg9 : memref<128x128xf32, #tpu.memory_space<vmem>>) dst(%dma_wait3A_111 : memref<10112x128xf32, #tpu.memory_space<vmem_shared>>)
      tpu.yield
    }) : () -> ()
    %add3A_67 = arith.constant 80 : i32
    %add3A_68 = arith.addi %mul3A_4, %add3A_67 : i32
    %sub3A = arith.constant 1 : i32
    %sub3A_69 = arith.subi %add3A_68, %sub3A : i32
    "tpu.region"() ({
      %run_scoped3A_99 = tpu.sem_alloc : memref<!tpu.dma_semaphore, #tpu.memory_space<semaphore_mem>>
      %dma_start3A_100 = arith.constant 0 : i32
      %dma_start3A_101 = arith.constant 0 : i32
      %dma_start3A_102 = tpu.memref_slice %arg3[%sub3A_69, %dma_start3A_100, %dma_start3A_101] : memref<2560x2x128xi32, #tpu.memory_space<hbm>> -> memref<1x2x128xi32, #tpu.memory_space<hbm>>
      %dma_start3A_103 = arith.constant 0 : i32
      %dma_start3A_104 = arith.constant 0 : i32
      %dma_start3A_105 = tpu.memref_slice %arg3[%sub3A_69, %dma_start3A_103, %dma_start3A_104] : memref<2560x2x128xi32, #tpu.memory_space<hbm>> -> memref<1x2x128xi32, #tpu.memory_space<hbm>>
      tpu.enqueue_dma source(%dma_start3A_105 : memref<1x2x128xi32, #tpu.memory_space<hbm>>) target(%arg15 : memref<1x2x128xi32, #tpu.memory_space<vmem>>) target_semaphore(%run_scoped3A_99 : memref<!tpu.dma_semaphore, #tpu.memory_space<semaphore_mem>>)
      %dma_wait3A_106 = arith.constant 0 : i32
      %dma_wait3A_107 = arith.constant 0 : i32
      %dma_wait3A_108 = tpu.memref_slice %arg3[%sub3A_69, %dma_wait3A_106, %dma_wait3A_107] : memref<2560x2x128xi32, #tpu.memory_space<hbm>> -> memref<1x2x128xi32, #tpu.memory_space<hbm>>
      %dma_wait3A_109 = arith.constant 0 : i32
      %dma_wait3A_110 = arith.constant 0 : i32
      %dma_wait3A_111 = tpu.memref_slice %arg3[%sub3A_69, %dma_wait3A_109, %dma_wait3A_110] : memref<2560x2x128xi32, #tpu.memory_space<hbm>> -> memref<1x2x128xi32, #tpu.memory_space<hbm>>
      tpu.wait_dma2 semaphore(%run_scoped3A_99 : memref<!tpu.dma_semaphore, #tpu.memory_space<semaphore_mem>>) src(%dma_wait3A_111 : memref<1x2x128xi32, #tpu.memory_space<hbm>>) dst(%arg15 : memref<1x2x128xi32, #tpu.memory_space<vmem>>)
      tpu.yield
    }) : () -> ()
    %dma_start3A_70 = arith.constant 0 : i32
    %dma_start3A_71 = arith.constant 0 : i32
    %dma_start3A_72 = arith.constant 0 : i32
    %dma_start3A_73 = tpu.memref_slice %arg15[%dma_start3A_70, %dma_start3A_71, %dma_start3A_72] : memref<1x2x128xi32, #tpu.memory_space<vmem>> -> memref<1x1x128xi32, #tpu.memory_space<vmem>>
    %dma_start3A_74 = tpu.memref_squeeze %dma_start3A_73 : memref<1x1x128xi32, #tpu.memory_space<vmem>> -> memref<128xi32, #tpu.memory_space<vmem>>
    %dma_start3A_75 = arith.constant 0 : i32
    %dma_start3A_76 = arith.constant 0 : i32
    %dma_start3A_77 = tpu.memref_slice %arg2[%dma_start3A_75, %dma_start3A_76] : memref<10000x128xf32, #tpu.memory_space<hbm>> -> memref<10000x128xf32, #tpu.memory_space<hbm>>
    tpu.enqueue_indirect_dma source(%dma_start3A_77 : memref<10000x128xf32, #tpu.memory_space<hbm>>) target(%arg9 : memref<128x128xf32, #tpu.memory_space<vmem>>) offsets(%dma_start3A_74 : memref<128xi32, #tpu.memory_space<vmem>>) semaphore(%arg11 : memref<!tpu.dma_semaphore, #tpu.memory_space<semaphore_mem>>)
    %dma_wait3A_78 = arith.constant 0 : i32
    %dma_wait3A_79 = arith.constant 0 : i32
    %dma_wait3A_80 = arith.constant 0 : i32
    %dma_wait3A_81 = tpu.memref_slice %arg14[%dma_wait3A_78, %dma_wait3A_79, %dma_wait3A_80] : memref<1x2x128xi32, #tpu.memory_space<vmem>> -> memref<1x1x128xi32, #tpu.memory_space<vmem>>
    %dma_wait3A_82 = tpu.memref_squeeze %dma_wait3A_81 : memref<1x1x128xi32, #tpu.memory_space<vmem>> -> memref<128xi32, #tpu.memory_space<vmem>>
    %dma_wait3A_83 = arith.constant 0 : i32
    %dma_wait3A_84 = arith.constant 0 : i32
    %dma_wait3A_85 = tpu.memref_slice %arg2[%dma_wait3A_83, %dma_wait3A_84] : memref<10000x128xf32, #tpu.memory_space<hbm>> -> memref<10000x128xf32, #tpu.memory_space<hbm>>
    tpu.wait_indirect_dma semaphore(%arg10 : memref<!tpu.dma_semaphore, #tpu.memory_space<semaphore_mem>>) src(%dma_wait3A_85 : memref<10000x128xf32, #tpu.memory_space<hbm>>) dst(%arg8 : memref<128x128xf32, #tpu.memory_space<vmem>>)
    %run_scoped3A_86 = arith.constant 0 : i32
    %run_scoped3A_87 = arith.constant 1 : i32
    "tpu.region"() ({
      %run_scoped3A_99 = tpu.sem_alloc : memref<!tpu.dma_semaphore, #tpu.memory_space<semaphore_mem>>
      %dma_start3A_100 = arith.constant 0 : i32
      %dma_start3A_101 = tpu.memref_slice %arg14[%run_scoped3A_86, %run_scoped3A_87, %dma_start3A_100] : memref<1x2x128xi32, #tpu.memory_space<vmem>> -> memref<1x1x128xi32, #tpu.memory_space<vmem>>
      %dma_start3A_102 = tpu.memref_squeeze %dma_start3A_101 : memref<1x1x128xi32, #tpu.memory_space<vmem>> -> memref<128xi32, #tpu.memory_space<vmem>>
      %dma_start3A_103 = arith.constant 0 : i32
      %dma_start3A_104 = arith.constant 0 : i32
      %dma_start3A_105 = tpu.memref_slice %arg18[%dma_start3A_103, %dma_start3A_104] : memref<10112x128xf32, #tpu.memory_space<vmem_shared>> -> memref<10112x128xf32, #tpu.memory_space<vmem_shared>>
      tpu.enqueue_indirect_dma source(%arg8 : memref<128x128xf32, #tpu.memory_space<vmem>>) target(%dma_start3A_105 : memref<10112x128xf32, #tpu.memory_space<vmem_shared>>) offsets(%dma_start3A_102 : memref<128xi32, #tpu.memory_space<vmem>>) semaphore(%run_scoped3A_99 : memref<!tpu.dma_semaphore, #tpu.memory_space<semaphore_mem>>) {add = true}
      %dma_wait3A_106 = arith.constant 0 : i32
      %dma_wait3A_107 = tpu.memref_slice %arg14[%run_scoped3A_86, %run_scoped3A_87, %dma_wait3A_106] : memref<1x2x128xi32, #tpu.memory_space<vmem>> -> memref<1x1x128xi32, #tpu.memory_space<vmem>>
      %dma_wait3A_108 = tpu.memref_squeeze %dma_wait3A_107 : memref<1x1x128xi32, #tpu.memory_space<vmem>> -> memref<128xi32, #tpu.memory_space<vmem>>
      %dma_wait3A_109 = arith.constant 0 : i32
      %dma_wait3A_110 = arith.constant 0 : i32
      %dma_wait3A_111 = tpu.memref_slice %arg18[%dma_wait3A_109, %dma_wait3A_110] : memref<10112x128xf32, #tpu.memory_space<vmem_shared>> -> memref<10112x128xf32, #tpu.memory_space<vmem_shared>>
      tpu.wait_indirect_dma semaphore(%run_scoped3A_99 : memref<!tpu.dma_semaphore, #tpu.memory_space<semaphore_mem>>) src(%arg8 : memref<128x128xf32, #tpu.memory_space<vmem>>) dst(%dma_wait3A_111 : memref<10112x128xf32, #tpu.memory_space<vmem_shared>>)
      tpu.yield
    }) : () -> ()
    %dma_wait3A_88 = arith.constant 0 : i32
    %dma_wait3A_89 = arith.constant 0 : i32
    %dma_wait3A_90 = arith.constant 0 : i32
    %dma_wait3A_91 = tpu.memref_slice %arg15[%dma_wait3A_88, %dma_wait3A_89, %dma_wait3A_90] : memref<1x2x128xi32, #tpu.memory_space<vmem>> -> memref<1x1x128xi32, #tpu.memory_space<vmem>>
    %dma_wait3A_92 = tpu.memref_squeeze %dma_wait3A_91 : memref<1x1x128xi32, #tpu.memory_space<vmem>> -> memref<128xi32, #tpu.memory_space<vmem>>
    %dma_wait3A_93 = arith.constant 0 : i32
    %dma_wait3A_94 = arith.constant 0 : i32
    %dma_wait3A_95 = tpu.memref_slice %arg2[%dma_wait3A_93, %dma_wait3A_94] : memref<10000x128xf32, #tpu.memory_space<hbm>> -> memref<10000x128xf32, #tpu.memory_space<hbm>>
    tpu.wait_indirect_dma semaphore(%arg11 : memref<!tpu.dma_semaphore, #tpu.memory_space<semaphore_mem>>) src(%dma_wait3A_95 : memref<10000x128xf32, #tpu.memory_space<hbm>>) dst(%arg9 : memref<128x128xf32, #tpu.memory_space<vmem>>)
    %run_scoped3A_96 = arith.constant 0 : i32
    %run_scoped3A_97 = arith.constant 1 : i32
    "tpu.region"() ({
      %run_scoped3A_99 = tpu.sem_alloc : memref<!tpu.dma_semaphore, #tpu.memory_space<semaphore_mem>>
      %dma_start3A_100 = arith.constant 0 : i32
      %dma_start3A_101 = tpu.memref_slice %arg15[%run_scoped3A_96, %run_scoped3A_97, %dma_start3A_100] : memref<1x2x128xi32, #tpu.memory_space<vmem>> -> memref<1x1x128xi32, #tpu.memory_space<vmem>>
      %dma_start3A_102 = tpu.memref_squeeze %dma_start3A_101 : memref<1x1x128xi32, #tpu.memory_space<vmem>> -> memref<128xi32, #tpu.memory_space<vmem>>
      %dma_start3A_103 = arith.constant 0 : i32
      %dma_start3A_104 = arith.constant 0 : i32
      %dma_start3A_105 = tpu.memref_slice %arg18[%dma_start3A_103, %dma_start3A_104] : memref<10112x128xf32, #tpu.memory_space<vmem_shared>> -> memref<10112x128xf32, #tpu.memory_space<vmem_shared>>
      tpu.enqueue_indirect_dma source(%arg9 : memref<128x128xf32, #tpu.memory_space<vmem>>) target(%dma_start3A_105 : memref<10112x128xf32, #tpu.memory_space<vmem_shared>>) offsets(%dma_start3A_102 : memref<128xi32, #tpu.memory_space<vmem>>) semaphore(%run_scoped3A_99 : memref<!tpu.dma_semaphore, #tpu.memory_space<semaphore_mem>>) {add = true}
      %dma_wait3A_106 = arith.constant 0 : i32
      %dma_wait3A_107 = tpu.memref_slice %arg15[%run_scoped3A_96, %run_scoped3A_97, %dma_wait3A_106] : memref<1x2x128xi32, #tpu.memory_space<vmem>> -> memref<1x1x128xi32, #tpu.memory_space<vmem>>
      %dma_wait3A_108 = tpu.memref_squeeze %dma_wait3A_107 : memref<1x1x128xi32, #tpu.memory_space<vmem>> -> memref<128xi32, #tpu.memory_space<vmem>>
      %dma_wait3A_109 = arith.constant 0 : i32
      %dma_wait3A_110 = arith.constant 0 : i32
      %dma_wait3A_111 = tpu.memref_slice %arg18[%dma_wait3A_109, %dma_wait3A_110] : memref<10112x128xf32, #tpu.memory_space<vmem_shared>> -> memref<10112x128xf32, #tpu.memory_space<vmem_shared>>
      tpu.wait_indirect_dma semaphore(%run_scoped3A_99 : memref<!tpu.dma_semaphore, #tpu.memory_space<semaphore_mem>>) src(%arg9 : memref<128x128xf32, #tpu.memory_space<vmem>>) dst(%dma_wait3A_111 : memref<10112x128xf32, #tpu.memory_space<vmem_shared>>)
      tpu.yield
    }) : () -> ()
    %barrier3A_98 = arith.constant 0 : index
    tpu.barrier barrier_id(%barrier3A_98)
    "tpu.region"() ({
      %run_scoped3A_99 = tpu.sem_alloc : memref<!tpu.dma_semaphore, #tpu.memory_space<semaphore_mem>>
      %dma_start3A_100 = arith.constant 0 : i32
      %dma_start3A_101 = tpu.memref_slice %arg5[%arg0, %mul3A_2, %dma_start3A_100] : memref<2x10112x128xf32, #tpu.memory_space<hbm>> -> memref<1x632x128xf32, #tpu.memory_space<hbm>>
      %dma_start3A_102 = tpu.memref_squeeze %dma_start3A_101 : memref<1x632x128xf32, #tpu.memory_space<hbm>> -> memref<632x128xf32, #tpu.memory_space<hbm>>
      %dma_start3A_103 = arith.constant 0 : i32
      %dma_start3A_104 = tpu.memref_slice %arg18[%mul3A_2, %dma_start3A_103] : memref<10112x128xf32, #tpu.memory_space<vmem_shared>> -> memref<632x128xf32, #tpu.memory_space<vmem_shared>>
      tpu.enqueue_dma source(%dma_start3A_104 : memref<632x128xf32, #tpu.memory_space<vmem_shared>>) target(%dma_start3A_102 : memref<632x128xf32, #tpu.memory_space<hbm>>) target_semaphore(%run_scoped3A_99 : memref<!tpu.dma_semaphore, #tpu.memory_space<semaphore_mem>>)
      %dma_wait3A_105 = arith.constant 0 : i32
      %dma_wait3A_106 = tpu.memref_slice %arg5[%arg0, %mul3A_2, %dma_wait3A_105] : memref<2x10112x128xf32, #tpu.memory_space<hbm>> -> memref<1x632x128xf32, #tpu.memory_space<hbm>>
      %dma_wait3A_107 = tpu.memref_squeeze %dma_wait3A_106 : memref<1x632x128xf32, #tpu.memory_space<hbm>> -> memref<632x128xf32, #tpu.memory_space<hbm>>
      %dma_wait3A_108 = arith.constant 0 : i32
      %dma_wait3A_109 = tpu.memref_slice %arg18[%mul3A_2, %dma_wait3A_108] : memref<10112x128xf32, #tpu.memory_space<vmem_shared>> -> memref<632x128xf32, #tpu.memory_space<vmem_shared>>
      tpu.wait_dma2 semaphore(%run_scoped3A_99 : memref<!tpu.dma_semaphore, #tpu.memory_space<semaphore_mem>>) src(%dma_wait3A_109 : memref<632x128xf32, #tpu.memory_space<vmem_shared>>) dst(%dma_wait3A_107 : memref<632x128xf32, #tpu.memory_space<hbm>>)
      tpu.yield
    }) : () -> ()
    return
  }
}

#map = affine_map<(d0, d1) -> (0, 0)>
#map1 = affine_map<(d0, d1) -> (0, 0, 0)>
module attributes {stable_mosaic.version = 14 : i64} {
  func.func @_edge_body(%arg0: i32, %arg1: i32, %arg2: memref<10000x128xf32, #tpu.memory_space<hbm>>, %arg3: memref<2560x2x128xi32, #tpu.memory_space<hbm>>, %arg4: memref<10112x128xf32, #tpu.memory_space<hbm>>, %arg5: memref<2x10112x128xf32, #tpu.memory_space<hbm>>, %arg6: memref<1x2x128xi32, #tpu.memory_space<vmem>>, %arg7: memref<1x2x128xi32, #tpu.memory_space<vmem>>, %arg8: memref<128x128xf32, #tpu.memory_space<vmem>>, %arg9: memref<128x128xf32, #tpu.memory_space<vmem>>, %arg10: memref<!tpu.dma_semaphore, #tpu.memory_space<semaphore_mem>>, %arg11: memref<!tpu.dma_semaphore, #tpu.memory_space<semaphore_mem>>, %arg12: memref<!tpu.dma_semaphore, #tpu.memory_space<semaphore_mem>>, %arg13: memref<!tpu.dma_semaphore, #tpu.memory_space<semaphore_mem>>, %arg14: memref<1x2x128xi32, #tpu.memory_space<vmem>>, %arg15: memref<1x2x128xi32, #tpu.memory_space<vmem>>, %arg16: memref<!tpu.dma_semaphore, #tpu.memory_space<semaphore_mem>>, %arg17: memref<!tpu.dma_semaphore, #tpu.memory_space<semaphore_mem>>, %arg18: memref<10112x128xf32, #tpu.memory_space<vmem_shared>>) attributes {dimension_semantics = [#tpu.dimension_semantics<core_parallel>, #tpu.dimension_semantics<subcore_parallel>], iteration_bounds = array<i64: 2, 16>, scalar_prefetch = 0 : i64, scratch_operands = 13 : i64, tpu.core_type = #tpu.core_type<sc_vector_subcore>, window_params = [{transform_indices = #map}, {transform_indices = #map1}, {transform_indices = #map}, {transform_indices = #map1}]} {
    %mul3A = arith.constant 16 : i32
    %mul3A_0 = arith.muli %arg0, %mul3A : i32
    %add3A = arith.addi %mul3A_0, %arg1 : i32
    %mul3A_1 = arith.constant 632 : i32
    %mul3A_2 = arith.muli %arg1, %mul3A_1 : i32
    %mul3A_3 = arith.constant 80 : i32
    %mul3A_4 = arith.muli %add3A, %mul3A_3 : i32
    "tpu.region"() ({
      %run_scoped3A_99 = tpu.sem_alloc : memref<!tpu.dma_semaphore, #tpu.memory_space<semaphore_mem>>
      %dma_start3A_100 = arith.constant 0 : i32
      %dma_start3A_101 = tpu.memref_slice %arg18[%mul3A_2, %dma_start3A_100] : memref<10112x128xf32, #tpu.memory_space<vmem_shared>> -> memref<632x128xf32, #tpu.memory_space<vmem_shared>>
      %dma_start3A_102 = arith.constant 0 : i32
      %dma_start3A_103 = tpu.memref_slice %arg4[%mul3A_2, %dma_start3A_102] : memref<10112x128xf32, #tpu.memory_space<hbm>> -> memref<632x128xf32, #tpu.memory_space<hbm>>
      tpu.enqueue_dma source(%dma_start3A_103 : memref<632x128xf32, #tpu.memory_space<hbm>>) target(%dma_start3A_101 : memref<632x128xf32, #tpu.memory_space<vmem_shared>>) target_semaphore(%run_scoped3A_99 : memref<!tpu.dma_semaphore, #tpu.memory_space<semaphore_mem>>)
      %dma_wait3A_104 = arith.constant 0 : i32
      %dma_wait3A_105 = tpu.memref_slice %arg18[%mul3A_2, %dma_wait3A_104] : memref<10112x128xf32, #tpu.memory_space<vmem_shared>> -> memref<632x128xf32, #tpu.memory_space<vmem_shared>>
      %dma_wait3A_106 = arith.constant 0 : i32
      %dma_wait3A_107 = tpu.memref_slice %arg4[%mul3A_2, %dma_wait3A_106] : memref<10112x128xf32, #tpu.memory_space<hbm>> -> memref<632x128xf32, #tpu.memory_space<hbm>>
      tpu.wait_dma2 semaphore(%run_scoped3A_99 : memref<!tpu.dma_semaphore, #tpu.memory_space<semaphore_mem>>) src(%dma_wait3A_107 : memref<632x128xf32, #tpu.memory_space<hbm>>) dst(%dma_wait3A_105 : memref<632x128xf32, #tpu.memory_space<vmem_shared>>)
      tpu.yield
    }) : () -> ()
    "tpu.region"() ({
      %run_scoped3A_99 = tpu.sem_alloc : memref<!tpu.dma_semaphore, #tpu.memory_space<semaphore_mem>>
      %dma_start3A_100 = arith.constant 0 : i32
      %dma_start3A_101 = arith.constant 0 : i32
      %dma_start3A_102 = tpu.memref_slice %arg3[%mul3A_4, %dma_start3A_100, %dma_start3A_101] : memref<2560x2x128xi32, #tpu.memory_space<hbm>> -> memref<1x2x128xi32, #tpu.memory_space<hbm>>
      %dma_start3A_103 = arith.constant 0 : i32
      %dma_start3A_104 = arith.constant 0 : i32
      %dma_start3A_105 = tpu.memref_slice %arg3[%mul3A_4, %dma_start3A_103, %dma_start3A_104] : memref<2560x2x128xi32, #tpu.memory_space<hbm>> -> memref<1x2x128xi32, #tpu.memory_space<hbm>>
      tpu.enqueue_dma source(%dma_start3A_105 : memref<1x2x128xi32, #tpu.memory_space<hbm>>) target(%arg6 : memref<1x2x128xi32, #tpu.memory_space<vmem>>) target_semaphore(%run_scoped3A_99 : memref<!tpu.dma_semaphore, #tpu.memory_space<semaphore_mem>>)
      %dma_wait3A_106 = arith.constant 0 : i32
      %dma_wait3A_107 = arith.constant 0 : i32
      %dma_wait3A_108 = tpu.memref_slice %arg3[%mul3A_4, %dma_wait3A_106, %dma_wait3A_107] : memref<2560x2x128xi32, #tpu.memory_space<hbm>> -> memref<1x2x128xi32, #tpu.memory_space<hbm>>
      %dma_wait3A_109 = arith.constant 0 : i32
      %dma_wait3A_110 = arith.constant 0 : i32
      %dma_wait3A_111 = tpu.memref_slice %arg3[%mul3A_4, %dma_wait3A_109, %dma_wait3A_110] : memref<2560x2x128xi32, #tpu.memory_space<hbm>> -> memref<1x2x128xi32, #tpu.memory_space<hbm>>
      tpu.wait_dma2 semaphore(%run_scoped3A_99 : memref<!tpu.dma_semaphore, #tpu.memory_space<semaphore_mem>>) src(%dma_wait3A_111 : memref<1x2x128xi32, #tpu.memory_space<hbm>>) dst(%arg6 : memref<1x2x128xi32, #tpu.memory_space<vmem>>)
      tpu.yield
    }) : () -> ()
    %add3A_5 = arith.constant 1 : i32
    %add3A_6 = arith.addi %mul3A_4, %add3A_5 : i32
    "tpu.region"() ({
      %run_scoped3A_99 = tpu.sem_alloc : memref<!tpu.dma_semaphore, #tpu.memory_space<semaphore_mem>>
      %dma_start3A_100 = arith.constant 0 : i32
      %dma_start3A_101 = arith.constant 0 : i32
      %dma_start3A_102 = tpu.memref_slice %arg3[%add3A_6, %dma_start3A_100, %dma_start3A_101] : memref<2560x2x128xi32, #tpu.memory_space<hbm>> -> memref<1x2x128xi32, #tpu.memory_space<hbm>>
      %dma_start3A_103 = arith.constant 0 : i32
      %dma_start3A_104 = arith.constant 0 : i32
      %dma_start3A_105 = tpu.memref_slice %arg3[%add3A_6, %dma_start3A_103, %dma_start3A_104] : memref<2560x2x128xi32, #tpu.memory_space<hbm>> -> memref<1x2x128xi32, #tpu.memory_space<hbm>>
      tpu.enqueue_dma source(%dma_start3A_105 : memref<1x2x128xi32, #tpu.memory_space<hbm>>) target(%arg7 : memref<1x2x128xi32, #tpu.memory_space<vmem>>) target_semaphore(%run_scoped3A_99 : memref<!tpu.dma_semaphore, #tpu.memory_space<semaphore_mem>>)
      %dma_wait3A_106 = arith.constant 0 : i32
      %dma_wait3A_107 = arith.constant 0 : i32
      %dma_wait3A_108 = tpu.memref_slice %arg3[%add3A_6, %dma_wait3A_106, %dma_wait3A_107] : memref<2560x2x128xi32, #tpu.memory_space<hbm>> -> memref<1x2x128xi32, #tpu.memory_space<hbm>>
      %dma_wait3A_109 = arith.constant 0 : i32
      %dma_wait3A_110 = arith.constant 0 : i32
      %dma_wait3A_111 = tpu.memref_slice %arg3[%add3A_6, %dma_wait3A_109, %dma_wait3A_110] : memref<2560x2x128xi32, #tpu.memory_space<hbm>> -> memref<1x2x128xi32, #tpu.memory_space<hbm>>
      tpu.wait_dma2 semaphore(%run_scoped3A_99 : memref<!tpu.dma_semaphore, #tpu.memory_space<semaphore_mem>>) src(%dma_wait3A_111 : memref<1x2x128xi32, #tpu.memory_space<hbm>>) dst(%arg7 : memref<1x2x128xi32, #tpu.memory_space<vmem>>)
      tpu.yield
    }) : () -> ()
    %barrier3A = arith.constant 0 : index
    tpu.barrier barrier_id(%barrier3A)
    %dma_start3A = arith.constant 0 : i32
    %dma_start3A_7 = arith.constant 0 : i32
    %dma_start3A_8 = arith.constant 0 : i32
    %dma_start3A_9 = tpu.memref_slice %arg6[%dma_start3A, %dma_start3A_7, %dma_start3A_8] : memref<1x2x128xi32, #tpu.memory_space<vmem>> -> memref<1x1x128xi32, #tpu.memory_space<vmem>>
    %dma_start3A_10 = tpu.memref_squeeze %dma_start3A_9 : memref<1x1x128xi32, #tpu.memory_space<vmem>> -> memref<128xi32, #tpu.memory_space<vmem>>
    %dma_start3A_11 = arith.constant 0 : i32
    %dma_start3A_12 = arith.constant 0 : i32
    %dma_start3A_13 = tpu.memref_slice %arg2[%dma_start3A_11, %dma_start3A_12] : memref<10000x128xf32, #tpu.memory_space<hbm>> -> memref<10000x128xf32, #tpu.memory_space<hbm>>
    tpu.enqueue_indirect_dma source(%dma_start3A_13 : memref<10000x128xf32, #tpu.memory_space<hbm>>) target(%arg8 : memref<128x128xf32, #tpu.memory_space<vmem>>) offsets(%dma_start3A_10 : memref<128xi32, #tpu.memory_space<vmem>>) semaphore(%arg10 : memref<!tpu.dma_semaphore, #tpu.memory_space<semaphore_mem>>)
    %add3A_14 = arith.constant 2 : i32
    %add3A_15 = arith.addi %mul3A_4, %add3A_14 : i32
    %dma_start3A_16 = arith.constant 0 : i32
    %dma_start3A_17 = arith.constant 0 : i32
    %dma_start3A_18 = tpu.memref_slice %arg3[%add3A_15, %dma_start3A_16, %dma_start3A_17] : memref<2560x2x128xi32, #tpu.memory_space<hbm>> -> memref<1x2x128xi32, #tpu.memory_space<hbm>>
    %dma_start3A_19 = arith.constant 0 : i32
    %dma_start3A_20 = arith.constant 0 : i32
    %dma_start3A_21 = tpu.memref_slice %arg3[%add3A_15, %dma_start3A_19, %dma_start3A_20] : memref<2560x2x128xi32, #tpu.memory_space<hbm>> -> memref<1x2x128xi32, #tpu.memory_space<hbm>>
    tpu.enqueue_dma source(%dma_start3A_21 : memref<1x2x128xi32, #tpu.memory_space<hbm>>) target(%arg14 : memref<1x2x128xi32, #tpu.memory_space<vmem>>) target_semaphore(%arg16 : memref<!tpu.dma_semaphore, #tpu.memory_space<semaphore_mem>>)
    %scan3A = arith.constant 0 : i32
    %scan3A_22 = arith.constant 0 : i32
    %scan3A_23 = arith.constant 19 : i32
    %scan3A_24 = arith.addi %scan3A_22, %scan3A_23 : i32
    %scan3A_25 = arith.constant 1 : i32
    scf.for %scan3A_99 = %scan3A_22 to %scan3A_24 step %scan3A_25  : i32 {
      %mul3A_100 = arith.constant 4 : i32
      %mul3A_101 = arith.muli %mul3A_100, %scan3A_99 : i32
      %dma_start3A_102 = arith.constant 0 : i32
      %dma_start3A_103 = arith.constant 0 : i32
      %dma_start3A_104 = arith.constant 0 : i32
      %dma_start3A_105 = tpu.memref_slice %arg7[%dma_start3A_102, %dma_start3A_103, %dma_start3A_104] : memref<1x2x128xi32, #tpu.memory_space<vmem>> -> memref<1x1x128xi32, #tpu.memory_space<vmem>>
      %dma_start3A_106 = tpu.memref_squeeze %dma_start3A_105 : memref<1x1x128xi32, #tpu.memory_space<vmem>> -> memref<128xi32, #tpu.memory_space<vmem>>
      %dma_start3A_107 = arith.constant 0 : i32
      %dma_start3A_108 = arith.constant 0 : i32
      %dma_start3A_109 = tpu.memref_slice %arg2[%dma_start3A_107, %dma_start3A_108] : memref<10000x128xf32, #tpu.memory_space<hbm>> -> memref<10000x128xf32, #tpu.memory_space<hbm>>
      tpu.enqueue_indirect_dma source(%dma_start3A_109 : memref<10000x128xf32, #tpu.memory_space<hbm>>) target(%arg9 : memref<128x128xf32, #tpu.memory_space<vmem>>) offsets(%dma_start3A_106 : memref<128xi32, #tpu.memory_space<vmem>>) semaphore(%arg11 : memref<!tpu.dma_semaphore, #tpu.memory_space<semaphore_mem>>)
      %add3A_110 = arith.addi %mul3A_4, %mul3A_101 : i32
      %add3A_111 = arith.constant 3 : i32
      %add3A_112 = arith.addi %add3A_110, %add3A_111 : i32
      %dma_start3A_113 = arith.constant 0 : i32
      %dma_start3A_114 = arith.constant 0 : i32
      %dma_start3A_115 = tpu.memref_slice %arg3[%add3A_112, %dma_start3A_113, %dma_start3A_114] : memref<2560x2x128xi32, #tpu.memory_space<hbm>> -> memref<1x2x128xi32, #tpu.memory_space<hbm>>
      %dma_start3A_116 = arith.constant 0 : i32
      %dma_start3A_117 = arith.constant 0 : i32
      %dma_start3A_118 = tpu.memref_slice %arg3[%add3A_112, %dma_start3A_116, %dma_start3A_117] : memref<2560x2x128xi32, #tpu.memory_space<hbm>> -> memref<1x2x128xi32, #tpu.memory_space<hbm>>
      tpu.enqueue_dma source(%dma_start3A_118 : memref<1x2x128xi32, #tpu.memory_space<hbm>>) target(%arg15 : memref<1x2x128xi32, #tpu.memory_space<vmem>>) target_semaphore(%arg17 : memref<!tpu.dma_semaphore, #tpu.memory_space<semaphore_mem>>)
      %dma_wait3A_119 = arith.constant 0 : i32
      %dma_wait3A_120 = arith.constant 0 : i32
      %dma_wait3A_121 = arith.constant 0 : i32
      %dma_wait3A_122 = tpu.memref_slice %arg6[%dma_wait3A_119, %dma_wait3A_120, %dma_wait3A_121] : memref<1x2x128xi32, #tpu.memory_space<vmem>> -> memref<1x1x128xi32, #tpu.memory_space<vmem>>
      %dma_wait3A_123 = tpu.memref_squeeze %dma_wait3A_122 : memref<1x1x128xi32, #tpu.memory_space<vmem>> -> memref<128xi32, #tpu.memory_space<vmem>>
      %dma_wait3A_124 = arith.constant 0 : i32
      %dma_wait3A_125 = arith.constant 0 : i32
      %dma_wait3A_126 = tpu.memref_slice %arg2[%dma_wait3A_124, %dma_wait3A_125] : memref<10000x128xf32, #tpu.memory_space<hbm>> -> memref<10000x128xf32, #tpu.memory_space<hbm>>
      tpu.wait_indirect_dma semaphore(%arg10 : memref<!tpu.dma_semaphore, #tpu.memory_space<semaphore_mem>>) src(%dma_wait3A_126 : memref<10000x128xf32, #tpu.memory_space<hbm>>) dst(%arg8 : memref<128x128xf32, #tpu.memory_space<vmem>>)
      %run_scoped3A_127 = arith.constant 0 : i32
      %run_scoped3A_128 = arith.constant 1 : i32
      "tpu.region"() ({
        %run_scoped3A_234 = tpu.sem_alloc : memref<!tpu.dma_semaphore, #tpu.memory_space<semaphore_mem>>
        %dma_start3A_235 = arith.constant 0 : i32
        %dma_start3A_236 = tpu.memref_slice %arg6[%run_scoped3A_127, %run_scoped3A_128, %dma_start3A_235] : memref<1x2x128xi32, #tpu.memory_space<vmem>> -> memref<1x1x128xi32, #tpu.memory_space<vmem>>
        %dma_start3A_237 = tpu.memref_squeeze %dma_start3A_236 : memref<1x1x128xi32, #tpu.memory_space<vmem>> -> memref<128xi32, #tpu.memory_space<vmem>>
        %dma_start3A_238 = arith.constant 0 : i32
        %dma_start3A_239 = arith.constant 0 : i32
        %dma_start3A_240 = tpu.memref_slice %arg18[%dma_start3A_238, %dma_start3A_239] : memref<10112x128xf32, #tpu.memory_space<vmem_shared>> -> memref<10112x128xf32, #tpu.memory_space<vmem_shared>>
        tpu.enqueue_indirect_dma source(%arg8 : memref<128x128xf32, #tpu.memory_space<vmem>>) target(%dma_start3A_240 : memref<10112x128xf32, #tpu.memory_space<vmem_shared>>) offsets(%dma_start3A_237 : memref<128xi32, #tpu.memory_space<vmem>>) semaphore(%run_scoped3A_234 : memref<!tpu.dma_semaphore, #tpu.memory_space<semaphore_mem>>) {add = true}
        %dma_wait3A_241 = arith.constant 0 : i32
        %dma_wait3A_242 = tpu.memref_slice %arg6[%run_scoped3A_127, %run_scoped3A_128, %dma_wait3A_241] : memref<1x2x128xi32, #tpu.memory_space<vmem>> -> memref<1x1x128xi32, #tpu.memory_space<vmem>>
        %dma_wait3A_243 = tpu.memref_squeeze %dma_wait3A_242 : memref<1x1x128xi32, #tpu.memory_space<vmem>> -> memref<128xi32, #tpu.memory_space<vmem>>
        %dma_wait3A_244 = arith.constant 0 : i32
        %dma_wait3A_245 = arith.constant 0 : i32
        %dma_wait3A_246 = tpu.memref_slice %arg18[%dma_wait3A_244, %dma_wait3A_245] : memref<10112x128xf32, #tpu.memory_space<vmem_shared>> -> memref<10112x128xf32, #tpu.memory_space<vmem_shared>>
        tpu.wait_indirect_dma semaphore(%run_scoped3A_234 : memref<!tpu.dma_semaphore, #tpu.memory_space<semaphore_mem>>) src(%arg8 : memref<128x128xf32, #tpu.memory_space<vmem>>) dst(%dma_wait3A_246 : memref<10112x128xf32, #tpu.memory_space<vmem_shared>>)
        tpu.yield
      }) : () -> ()
      %dma_wait3A_129 = arith.constant 0 : i32
      %dma_wait3A_130 = arith.constant 0 : i32
      %dma_wait3A_131 = tpu.memref_slice %arg3[%mul3A_4, %dma_wait3A_129, %dma_wait3A_130] : memref<2560x2x128xi32, #tpu.memory_space<hbm>> -> memref<1x2x128xi32, #tpu.memory_space<hbm>>
      %dma_wait3A_132 = arith.constant 0 : i32
      %dma_wait3A_133 = arith.constant 0 : i32
      %dma_wait3A_134 = tpu.memref_slice %arg3[%mul3A_4, %dma_wait3A_132, %dma_wait3A_133] : memref<2560x2x128xi32, #tpu.memory_space<hbm>> -> memref<1x2x128xi32, #tpu.memory_space<hbm>>
      tpu.wait_dma2 semaphore(%arg16 : memref<!tpu.dma_semaphore, #tpu.memory_space<semaphore_mem>>) src(%dma_wait3A_134 : memref<1x2x128xi32, #tpu.memory_space<hbm>>) dst(%arg14 : memref<1x2x128xi32, #tpu.memory_space<vmem>>)
      %dma_start3A_135 = arith.constant 0 : i32
      %dma_start3A_136 = arith.constant 0 : i32
      %dma_start3A_137 = arith.constant 0 : i32
      %dma_start3A_138 = tpu.memref_slice %arg14[%dma_start3A_135, %dma_start3A_136, %dma_start3A_137] : memref<1x2x128xi32, #tpu.memory_space<vmem>> -> memref<1x1x128xi32, #tpu.memory_space<vmem>>
      %dma_start3A_139 = tpu.memref_squeeze %dma_start3A_138 : memref<1x1x128xi32, #tpu.memory_space<vmem>> -> memref<128xi32, #tpu.memory_space<vmem>>
      %dma_start3A_140 = arith.constant 0 : i32
      %dma_start3A_141 = arith.constant 0 : i32
      %dma_start3A_142 = tpu.memref_slice %arg2[%dma_start3A_140, %dma_start3A_141] : memref<10000x128xf32, #tpu.memory_space<hbm>> -> memref<10000x128xf32, #tpu.memory_space<hbm>>
      tpu.enqueue_indirect_dma source(%dma_start3A_142 : memref<10000x128xf32, #tpu.memory_space<hbm>>) target(%arg8 : memref<128x128xf32, #tpu.memory_space<vmem>>) offsets(%dma_start3A_139 : memref<128xi32, #tpu.memory_space<vmem>>) semaphore(%arg10 : memref<!tpu.dma_semaphore, #tpu.memory_space<semaphore_mem>>)
      %add3A_143 = arith.addi %mul3A_4, %mul3A_101 : i32
      %add3A_144 = arith.constant 4 : i32
      %add3A_145 = arith.addi %add3A_143, %add3A_144 : i32
      %dma_start3A_146 = arith.constant 0 : i32
      %dma_start3A_147 = arith.constant 0 : i32
      %dma_start3A_148 = tpu.memref_slice %arg3[%add3A_145, %dma_start3A_146, %dma_start3A_147] : memref<2560x2x128xi32, #tpu.memory_space<hbm>> -> memref<1x2x128xi32, #tpu.memory_space<hbm>>
      %dma_start3A_149 = arith.constant 0 : i32
      %dma_start3A_150 = arith.constant 0 : i32
      %dma_start3A_151 = tpu.memref_slice %arg3[%add3A_145, %dma_start3A_149, %dma_start3A_150] : memref<2560x2x128xi32, #tpu.memory_space<hbm>> -> memref<1x2x128xi32, #tpu.memory_space<hbm>>
      tpu.enqueue_dma source(%dma_start3A_151 : memref<1x2x128xi32, #tpu.memory_space<hbm>>) target(%arg6 : memref<1x2x128xi32, #tpu.memory_space<vmem>>) target_semaphore(%arg12 : memref<!tpu.dma_semaphore, #tpu.memory_space<semaphore_mem>>)
      %dma_wait3A_152 = arith.constant 0 : i32
      %dma_wait3A_153 = arith.constant 0 : i32
      %dma_wait3A_154 = arith.constant 0 : i32
      %dma_wait3A_155 = tpu.memref_slice %arg7[%dma_wait3A_152, %dma_wait3A_153, %dma_wait3A_154] : memref<1x2x128xi32, #tpu.memory_space<vmem>> -> memref<1x1x128xi32, #tpu.memory_space<vmem>>
      %dma_wait3A_156 = tpu.memref_squeeze %dma_wait3A_155 : memref<1x1x128xi32, #tpu.memory_space<vmem>> -> memref<128xi32, #tpu.memory_space<vmem>>
      %dma_wait3A_157 = arith.constant 0 : i32
      %dma_wait3A_158 = arith.constant 0 : i32
      %dma_wait3A_159 = tpu.memref_slice %arg2[%dma_wait3A_157, %dma_wait3A_158] : memref<10000x128xf32, #tpu.memory_space<hbm>> -> memref<10000x128xf32, #tpu.memory_space<hbm>>
      tpu.wait_indirect_dma semaphore(%arg11 : memref<!tpu.dma_semaphore, #tpu.memory_space<semaphore_mem>>) src(%dma_wait3A_159 : memref<10000x128xf32, #tpu.memory_space<hbm>>) dst(%arg9 : memref<128x128xf32, #tpu.memory_space<vmem>>)
      %run_scoped3A_160 = arith.constant 0 : i32
      %run_scoped3A_161 = arith.constant 1 : i32
      "tpu.region"() ({
        %run_scoped3A_234 = tpu.sem_alloc : memref<!tpu.dma_semaphore, #tpu.memory_space<semaphore_mem>>
        %dma_start3A_235 = arith.constant 0 : i32
        %dma_start3A_236 = tpu.memref_slice %arg7[%run_scoped3A_160, %run_scoped3A_161, %dma_start3A_235] : memref<1x2x128xi32, #tpu.memory_space<vmem>> -> memref<1x1x128xi32, #tpu.memory_space<vmem>>
        %dma_start3A_237 = tpu.memref_squeeze %dma_start3A_236 : memref<1x1x128xi32, #tpu.memory_space<vmem>> -> memref<128xi32, #tpu.memory_space<vmem>>
        %dma_start3A_238 = arith.constant 0 : i32
        %dma_start3A_239 = arith.constant 0 : i32
        %dma_start3A_240 = tpu.memref_slice %arg18[%dma_start3A_238, %dma_start3A_239] : memref<10112x128xf32, #tpu.memory_space<vmem_shared>> -> memref<10112x128xf32, #tpu.memory_space<vmem_shared>>
        tpu.enqueue_indirect_dma source(%arg9 : memref<128x128xf32, #tpu.memory_space<vmem>>) target(%dma_start3A_240 : memref<10112x128xf32, #tpu.memory_space<vmem_shared>>) offsets(%dma_start3A_237 : memref<128xi32, #tpu.memory_space<vmem>>) semaphore(%run_scoped3A_234 : memref<!tpu.dma_semaphore, #tpu.memory_space<semaphore_mem>>) {add = true}
        %dma_wait3A_241 = arith.constant 0 : i32
        %dma_wait3A_242 = tpu.memref_slice %arg7[%run_scoped3A_160, %run_scoped3A_161, %dma_wait3A_241] : memref<1x2x128xi32, #tpu.memory_space<vmem>> -> memref<1x1x128xi32, #tpu.memory_space<vmem>>
        %dma_wait3A_243 = tpu.memref_squeeze %dma_wait3A_242 : memref<1x1x128xi32, #tpu.memory_space<vmem>> -> memref<128xi32, #tpu.memory_space<vmem>>
        %dma_wait3A_244 = arith.constant 0 : i32
        %dma_wait3A_245 = arith.constant 0 : i32
        %dma_wait3A_246 = tpu.memref_slice %arg18[%dma_wait3A_244, %dma_wait3A_245] : memref<10112x128xf32, #tpu.memory_space<vmem_shared>> -> memref<10112x128xf32, #tpu.memory_space<vmem_shared>>
        tpu.wait_indirect_dma semaphore(%run_scoped3A_234 : memref<!tpu.dma_semaphore, #tpu.memory_space<semaphore_mem>>) src(%arg9 : memref<128x128xf32, #tpu.memory_space<vmem>>) dst(%dma_wait3A_246 : memref<10112x128xf32, #tpu.memory_space<vmem_shared>>)
        tpu.yield
      }) : () -> ()
      %dma_wait3A_162 = arith.constant 0 : i32
      %dma_wait3A_163 = arith.constant 0 : i32
      %dma_wait3A_164 = tpu.memref_slice %arg3[%mul3A_4, %dma_wait3A_162, %dma_wait3A_163] : memref<2560x2x128xi32, #tpu.memory_space<hbm>> -> memref<1x2x128xi32, #tpu.memory_space<hbm>>
      %dma_wait3A_165 = arith.constant 0 : i32
      %dma_wait3A_166 = arith.constant 0 : i32
      %dma_wait3A_167 = tpu.memref_slice %arg3[%mul3A_4, %dma_wait3A_165, %dma_wait3A_166] : memref<2560x2x128xi32, #tpu.memory_space<hbm>> -> memref<1x2x128xi32, #tpu.memory_space<hbm>>
      tpu.wait_dma2 semaphore(%arg17 : memref<!tpu.dma_semaphore, #tpu.memory_space<semaphore_mem>>) src(%dma_wait3A_167 : memref<1x2x128xi32, #tpu.memory_space<hbm>>) dst(%arg15 : memref<1x2x128xi32, #tpu.memory_space<vmem>>)
      %dma_start3A_168 = arith.constant 0 : i32
      %dma_start3A_169 = arith.constant 0 : i32
      %dma_start3A_170 = arith.constant 0 : i32
      %dma_start3A_171 = tpu.memref_slice %arg15[%dma_start3A_168, %dma_start3A_169, %dma_start3A_170] : memref<1x2x128xi32, #tpu.memory_space<vmem>> -> memref<1x1x128xi32, #tpu.memory_space<vmem>>
      %dma_start3A_172 = tpu.memref_squeeze %dma_start3A_171 : memref<1x1x128xi32, #tpu.memory_space<vmem>> -> memref<128xi32, #tpu.memory_space<vmem>>
      %dma_start3A_173 = arith.constant 0 : i32
      %dma_start3A_174 = arith.constant 0 : i32
      %dma_start3A_175 = tpu.memref_slice %arg2[%dma_start3A_173, %dma_start3A_174] : memref<10000x128xf32, #tpu.memory_space<hbm>> -> memref<10000x128xf32, #tpu.memory_space<hbm>>
      tpu.enqueue_indirect_dma source(%dma_start3A_175 : memref<10000x128xf32, #tpu.memory_space<hbm>>) target(%arg9 : memref<128x128xf32, #tpu.memory_space<vmem>>) offsets(%dma_start3A_172 : memref<128xi32, #tpu.memory_space<vmem>>) semaphore(%arg11 : memref<!tpu.dma_semaphore, #tpu.memory_space<semaphore_mem>>)
      %add3A_176 = arith.addi %mul3A_4, %mul3A_101 : i32
      %add3A_177 = arith.constant 5 : i32
      %add3A_178 = arith.addi %add3A_176, %add3A_177 : i32
      %dma_start3A_179 = arith.constant 0 : i32
      %dma_start3A_180 = arith.constant 0 : i32
      %dma_start3A_181 = tpu.memref_slice %arg3[%add3A_178, %dma_start3A_179, %dma_start3A_180] : memref<2560x2x128xi32, #tpu.memory_space<hbm>> -> memref<1x2x128xi32, #tpu.memory_space<hbm>>
      %dma_start3A_182 = arith.constant 0 : i32
      %dma_start3A_183 = arith.constant 0 : i32
      %dma_start3A_184 = tpu.memref_slice %arg3[%add3A_178, %dma_start3A_182, %dma_start3A_183] : memref<2560x2x128xi32, #tpu.memory_space<hbm>> -> memref<1x2x128xi32, #tpu.memory_space<hbm>>
      tpu.enqueue_dma source(%dma_start3A_184 : memref<1x2x128xi32, #tpu.memory_space<hbm>>) target(%arg7 : memref<1x2x128xi32, #tpu.memory_space<vmem>>) target_semaphore(%arg13 : memref<!tpu.dma_semaphore, #tpu.memory_space<semaphore_mem>>)
      %dma_wait3A_185 = arith.constant 0 : i32
      %dma_wait3A_186 = arith.constant 0 : i32
      %dma_wait3A_187 = arith.constant 0 : i32
      %dma_wait3A_188 = tpu.memref_slice %arg14[%dma_wait3A_185, %dma_wait3A_186, %dma_wait3A_187] : memref<1x2x128xi32, #tpu.memory_space<vmem>> -> memref<1x1x128xi32, #tpu.memory_space<vmem>>
      %dma_wait3A_189 = tpu.memref_squeeze %dma_wait3A_188 : memref<1x1x128xi32, #tpu.memory_space<vmem>> -> memref<128xi32, #tpu.memory_space<vmem>>
      %dma_wait3A_190 = arith.constant 0 : i32
      %dma_wait3A_191 = arith.constant 0 : i32
      %dma_wait3A_192 = tpu.memref_slice %arg2[%dma_wait3A_190, %dma_wait3A_191] : memref<10000x128xf32, #tpu.memory_space<hbm>> -> memref<10000x128xf32, #tpu.memory_space<hbm>>
      tpu.wait_indirect_dma semaphore(%arg10 : memref<!tpu.dma_semaphore, #tpu.memory_space<semaphore_mem>>) src(%dma_wait3A_192 : memref<10000x128xf32, #tpu.memory_space<hbm>>) dst(%arg8 : memref<128x128xf32, #tpu.memory_space<vmem>>)
      %run_scoped3A_193 = arith.constant 0 : i32
      %run_scoped3A_194 = arith.constant 1 : i32
      "tpu.region"() ({
        %run_scoped3A_234 = tpu.sem_alloc : memref<!tpu.dma_semaphore, #tpu.memory_space<semaphore_mem>>
        %dma_start3A_235 = arith.constant 0 : i32
        %dma_start3A_236 = tpu.memref_slice %arg14[%run_scoped3A_193, %run_scoped3A_194, %dma_start3A_235] : memref<1x2x128xi32, #tpu.memory_space<vmem>> -> memref<1x1x128xi32, #tpu.memory_space<vmem>>
        %dma_start3A_237 = tpu.memref_squeeze %dma_start3A_236 : memref<1x1x128xi32, #tpu.memory_space<vmem>> -> memref<128xi32, #tpu.memory_space<vmem>>
        %dma_start3A_238 = arith.constant 0 : i32
        %dma_start3A_239 = arith.constant 0 : i32
        %dma_start3A_240 = tpu.memref_slice %arg18[%dma_start3A_238, %dma_start3A_239] : memref<10112x128xf32, #tpu.memory_space<vmem_shared>> -> memref<10112x128xf32, #tpu.memory_space<vmem_shared>>
        tpu.enqueue_indirect_dma source(%arg8 : memref<128x128xf32, #tpu.memory_space<vmem>>) target(%dma_start3A_240 : memref<10112x128xf32, #tpu.memory_space<vmem_shared>>) offsets(%dma_start3A_237 : memref<128xi32, #tpu.memory_space<vmem>>) semaphore(%run_scoped3A_234 : memref<!tpu.dma_semaphore, #tpu.memory_space<semaphore_mem>>) {add = true}
        %dma_wait3A_241 = arith.constant 0 : i32
        %dma_wait3A_242 = tpu.memref_slice %arg14[%run_scoped3A_193, %run_scoped3A_194, %dma_wait3A_241] : memref<1x2x128xi32, #tpu.memory_space<vmem>> -> memref<1x1x128xi32, #tpu.memory_space<vmem>>
        %dma_wait3A_243 = tpu.memref_squeeze %dma_wait3A_242 : memref<1x1x128xi32, #tpu.memory_space<vmem>> -> memref<128xi32, #tpu.memory_space<vmem>>
        %dma_wait3A_244 = arith.constant 0 : i32
        %dma_wait3A_245 = arith.constant 0 : i32
        %dma_wait3A_246 = tpu.memref_slice %arg18[%dma_wait3A_244, %dma_wait3A_245] : memref<10112x128xf32, #tpu.memory_space<vmem_shared>> -> memref<10112x128xf32, #tpu.memory_space<vmem_shared>>
        tpu.wait_indirect_dma semaphore(%run_scoped3A_234 : memref<!tpu.dma_semaphore, #tpu.memory_space<semaphore_mem>>) src(%arg8 : memref<128x128xf32, #tpu.memory_space<vmem>>) dst(%dma_wait3A_246 : memref<10112x128xf32, #tpu.memory_space<vmem_shared>>)
        tpu.yield
      }) : () -> ()
      %dma_wait3A_195 = arith.constant 0 : i32
      %dma_wait3A_196 = arith.constant 0 : i32
      %dma_wait3A_197 = tpu.memref_slice %arg3[%mul3A_4, %dma_wait3A_195, %dma_wait3A_196] : memref<2560x2x128xi32, #tpu.memory_space<hbm>> -> memref<1x2x128xi32, #tpu.memory_space<hbm>>
      %dma_wait3A_198 = arith.constant 0 : i32
      %dma_wait3A_199 = arith.constant 0 : i32
      %dma_wait3A_200 = tpu.memref_slice %arg3[%mul3A_4, %dma_wait3A_198, %dma_wait3A_199] : memref<2560x2x128xi32, #tpu.memory_space<hbm>> -> memref<1x2x128xi32, #tpu.memory_space<hbm>>
      tpu.wait_dma2 semaphore(%arg12 : memref<!tpu.dma_semaphore, #tpu.memory_space<semaphore_mem>>) src(%dma_wait3A_200 : memref<1x2x128xi32, #tpu.memory_space<hbm>>) dst(%arg6 : memref<1x2x128xi32, #tpu.memory_space<vmem>>)
      %dma_start3A_201 = arith.constant 0 : i32
      %dma_start3A_202 = arith.constant 0 : i32
      %dma_start3A_203 = arith.constant 0 : i32
      %dma_start3A_204 = tpu.memref_slice %arg6[%dma_start3A_201, %dma_start3A_202, %dma_start3A_203] : memref<1x2x128xi32, #tpu.memory_space<vmem>> -> memref<1x1x128xi32, #tpu.memory_space<vmem>>
      %dma_start3A_205 = tpu.memref_squeeze %dma_start3A_204 : memref<1x1x128xi32, #tpu.memory_space<vmem>> -> memref<128xi32, #tpu.memory_space<vmem>>
      %dma_start3A_206 = arith.constant 0 : i32
      %dma_start3A_207 = arith.constant 0 : i32
      %dma_start3A_208 = tpu.memref_slice %arg2[%dma_start3A_206, %dma_start3A_207] : memref<10000x128xf32, #tpu.memory_space<hbm>> -> memref<10000x128xf32, #tpu.memory_space<hbm>>
      tpu.enqueue_indirect_dma source(%dma_start3A_208 : memref<10000x128xf32, #tpu.memory_space<hbm>>) target(%arg8 : memref<128x128xf32, #tpu.memory_space<vmem>>) offsets(%dma_start3A_205 : memref<128xi32, #tpu.memory_space<vmem>>) semaphore(%arg10 : memref<!tpu.dma_semaphore, #tpu.memory_space<semaphore_mem>>)
      %add3A_209 = arith.addi %mul3A_4, %mul3A_101 : i32
      %add3A_210 = arith.constant 6 : i32
      %add3A_211 = arith.addi %add3A_209, %add3A_210 : i32
      %dma_start3A_212 = arith.constant 0 : i32
      %dma_start3A_213 = arith.constant 0 : i32
      %dma_start3A_214 = tpu.memref_slice %arg3[%add3A_211, %dma_start3A_212, %dma_start3A_213] : memref<2560x2x128xi32, #tpu.memory_space<hbm>> -> memref<1x2x128xi32, #tpu.memory_space<hbm>>
      %dma_start3A_215 = arith.constant 0 : i32
      %dma_start3A_216 = arith.constant 0 : i32
      %dma_start3A_217 = tpu.memref_slice %arg3[%add3A_211, %dma_start3A_215, %dma_start3A_216] : memref<2560x2x128xi32, #tpu.memory_space<hbm>> -> memref<1x2x128xi32, #tpu.memory_space<hbm>>
      tpu.enqueue_dma source(%dma_start3A_217 : memref<1x2x128xi32, #tpu.memory_space<hbm>>) target(%arg14 : memref<1x2x128xi32, #tpu.memory_space<vmem>>) target_semaphore(%arg16 : memref<!tpu.dma_semaphore, #tpu.memory_space<semaphore_mem>>)
      %dma_wait3A_218 = arith.constant 0 : i32
      %dma_wait3A_219 = arith.constant 0 : i32
      %dma_wait3A_220 = arith.constant 0 : i32
      %dma_wait3A_221 = tpu.memref_slice %arg15[%dma_wait3A_218, %dma_wait3A_219, %dma_wait3A_220] : memref<1x2x128xi32, #tpu.memory_space<vmem>> -> memref<1x1x128xi32, #tpu.memory_space<vmem>>
      %dma_wait3A_222 = tpu.memref_squeeze %dma_wait3A_221 : memref<1x1x128xi32, #tpu.memory_space<vmem>> -> memref<128xi32, #tpu.memory_space<vmem>>
      %dma_wait3A_223 = arith.constant 0 : i32
      %dma_wait3A_224 = arith.constant 0 : i32
      %dma_wait3A_225 = tpu.memref_slice %arg2[%dma_wait3A_223, %dma_wait3A_224] : memref<10000x128xf32, #tpu.memory_space<hbm>> -> memref<10000x128xf32, #tpu.memory_space<hbm>>
      tpu.wait_indirect_dma semaphore(%arg11 : memref<!tpu.dma_semaphore, #tpu.memory_space<semaphore_mem>>) src(%dma_wait3A_225 : memref<10000x128xf32, #tpu.memory_space<hbm>>) dst(%arg9 : memref<128x128xf32, #tpu.memory_space<vmem>>)
      %run_scoped3A_226 = arith.constant 0 : i32
      %run_scoped3A_227 = arith.constant 1 : i32
      "tpu.region"() ({
        %run_scoped3A_234 = tpu.sem_alloc : memref<!tpu.dma_semaphore, #tpu.memory_space<semaphore_mem>>
        %dma_start3A_235 = arith.constant 0 : i32
        %dma_start3A_236 = tpu.memref_slice %arg15[%run_scoped3A_226, %run_scoped3A_227, %dma_start3A_235] : memref<1x2x128xi32, #tpu.memory_space<vmem>> -> memref<1x1x128xi32, #tpu.memory_space<vmem>>
        %dma_start3A_237 = tpu.memref_squeeze %dma_start3A_236 : memref<1x1x128xi32, #tpu.memory_space<vmem>> -> memref<128xi32, #tpu.memory_space<vmem>>
        %dma_start3A_238 = arith.constant 0 : i32
        %dma_start3A_239 = arith.constant 0 : i32
        %dma_start3A_240 = tpu.memref_slice %arg18[%dma_start3A_238, %dma_start3A_239] : memref<10112x128xf32, #tpu.memory_space<vmem_shared>> -> memref<10112x128xf32, #tpu.memory_space<vmem_shared>>
        tpu.enqueue_indirect_dma source(%arg9 : memref<128x128xf32, #tpu.memory_space<vmem>>) target(%dma_start3A_240 : memref<10112x128xf32, #tpu.memory_space<vmem_shared>>) offsets(%dma_start3A_237 : memref<128xi32, #tpu.memory_space<vmem>>) semaphore(%run_scoped3A_234 : memref<!tpu.dma_semaphore, #tpu.memory_space<semaphore_mem>>) {add = true}
        %dma_wait3A_241 = arith.constant 0 : i32
        %dma_wait3A_242 = tpu.memref_slice %arg15[%run_scoped3A_226, %run_scoped3A_227, %dma_wait3A_241] : memref<1x2x128xi32, #tpu.memory_space<vmem>> -> memref<1x1x128xi32, #tpu.memory_space<vmem>>
        %dma_wait3A_243 = tpu.memref_squeeze %dma_wait3A_242 : memref<1x1x128xi32, #tpu.memory_space<vmem>> -> memref<128xi32, #tpu.memory_space<vmem>>
        %dma_wait3A_244 = arith.constant 0 : i32
        %dma_wait3A_245 = arith.constant 0 : i32
        %dma_wait3A_246 = tpu.memref_slice %arg18[%dma_wait3A_244, %dma_wait3A_245] : memref<10112x128xf32, #tpu.memory_space<vmem_shared>> -> memref<10112x128xf32, #tpu.memory_space<vmem_shared>>
        tpu.wait_indirect_dma semaphore(%run_scoped3A_234 : memref<!tpu.dma_semaphore, #tpu.memory_space<semaphore_mem>>) src(%arg9 : memref<128x128xf32, #tpu.memory_space<vmem>>) dst(%dma_wait3A_246 : memref<10112x128xf32, #tpu.memory_space<vmem_shared>>)
        tpu.yield
      }) : () -> ()
      %dma_wait3A_228 = arith.constant 0 : i32
      %dma_wait3A_229 = arith.constant 0 : i32
      %dma_wait3A_230 = tpu.memref_slice %arg3[%mul3A_4, %dma_wait3A_228, %dma_wait3A_229] : memref<2560x2x128xi32, #tpu.memory_space<hbm>> -> memref<1x2x128xi32, #tpu.memory_space<hbm>>
      %dma_wait3A_231 = arith.constant 0 : i32
      %dma_wait3A_232 = arith.constant 0 : i32
      %dma_wait3A_233 = tpu.memref_slice %arg3[%mul3A_4, %dma_wait3A_231, %dma_wait3A_232] : memref<2560x2x128xi32, #tpu.memory_space<hbm>> -> memref<1x2x128xi32, #tpu.memory_space<hbm>>
      tpu.wait_dma2 semaphore(%arg13 : memref<!tpu.dma_semaphore, #tpu.memory_space<semaphore_mem>>) src(%dma_wait3A_233 : memref<1x2x128xi32, #tpu.memory_space<hbm>>) dst(%arg7 : memref<1x2x128xi32, #tpu.memory_space<vmem>>)
    }
    %scan3A_26 = arith.constant 19 : i32
    %dma_start3A_27 = arith.constant 0 : i32
    %dma_start3A_28 = arith.constant 0 : i32
    %dma_start3A_29 = arith.constant 0 : i32
    %dma_start3A_30 = tpu.memref_slice %arg7[%dma_start3A_27, %dma_start3A_28, %dma_start3A_29] : memref<1x2x128xi32, #tpu.memory_space<vmem>> -> memref<1x1x128xi32, #tpu.memory_space<vmem>>
    %dma_start3A_31 = tpu.memref_squeeze %dma_start3A_30 : memref<1x1x128xi32, #tpu.memory_space<vmem>> -> memref<128xi32, #tpu.memory_space<vmem>>
    %dma_start3A_32 = arith.constant 0 : i32
    %dma_start3A_33 = arith.constant 0 : i32
    %dma_start3A_34 = tpu.memref_slice %arg2[%dma_start3A_32, %dma_start3A_33] : memref<10000x128xf32, #tpu.memory_space<hbm>> -> memref<10000x128xf32, #tpu.memory_space<hbm>>
    tpu.enqueue_indirect_dma source(%dma_start3A_34 : memref<10000x128xf32, #tpu.memory_space<hbm>>) target(%arg9 : memref<128x128xf32, #tpu.memory_space<vmem>>) offsets(%dma_start3A_31 : memref<128xi32, #tpu.memory_space<vmem>>) semaphore(%arg11 : memref<!tpu.dma_semaphore, #tpu.memory_space<semaphore_mem>>)
    %dma_wait3A = arith.constant 0 : i32
    %dma_wait3A_35 = arith.constant 0 : i32
    %dma_wait3A_36 = arith.constant 0 : i32
    %dma_wait3A_37 = tpu.memref_slice %arg6[%dma_wait3A, %dma_wait3A_35, %dma_wait3A_36] : memref<1x2x128xi32, #tpu.memory_space<vmem>> -> memref<1x1x128xi32, #tpu.memory_space<vmem>>
    %dma_wait3A_38 = tpu.memref_squeeze %dma_wait3A_37 : memref<1x1x128xi32, #tpu.memory_space<vmem>> -> memref<128xi32, #tpu.memory_space<vmem>>
    %dma_wait3A_39 = arith.constant 0 : i32
    %dma_wait3A_40 = arith.constant 0 : i32
    %dma_wait3A_41 = tpu.memref_slice %arg2[%dma_wait3A_39, %dma_wait3A_40] : memref<10000x128xf32, #tpu.memory_space<hbm>> -> memref<10000x128xf32, #tpu.memory_space<hbm>>
    tpu.wait_indirect_dma semaphore(%arg10 : memref<!tpu.dma_semaphore, #tpu.memory_space<semaphore_mem>>) src(%dma_wait3A_41 : memref<10000x128xf32, #tpu.memory_space<hbm>>) dst(%arg8 : memref<128x128xf32, #tpu.memory_space<vmem>>)
    %run_scoped3A = arith.constant 0 : i32
    %run_scoped3A_42 = arith.constant 1 : i32
    "tpu.region"() ({
      %run_scoped3A_99 = tpu.sem_alloc : memref<!tpu.dma_semaphore, #tpu.memory_space<semaphore_mem>>
      %dma_start3A_100 = arith.constant 0 : i32
      %dma_start3A_101 = tpu.memref_slice %arg6[%run_scoped3A, %run_scoped3A_42, %dma_start3A_100] : memref<1x2x128xi32, #tpu.memory_space<vmem>> -> memref<1x1x128xi32, #tpu.memory_space<vmem>>
      %dma_start3A_102 = tpu.memref_squeeze %dma_start3A_101 : memref<1x1x128xi32, #tpu.memory_space<vmem>> -> memref<128xi32, #tpu.memory_space<vmem>>
      %dma_start3A_103 = arith.constant 0 : i32
      %dma_start3A_104 = arith.constant 0 : i32
      %dma_start3A_105 = tpu.memref_slice %arg18[%dma_start3A_103, %dma_start3A_104] : memref<10112x128xf32, #tpu.memory_space<vmem_shared>> -> memref<10112x128xf32, #tpu.memory_space<vmem_shared>>
      tpu.enqueue_indirect_dma source(%arg8 : memref<128x128xf32, #tpu.memory_space<vmem>>) target(%dma_start3A_105 : memref<10112x128xf32, #tpu.memory_space<vmem_shared>>) offsets(%dma_start3A_102 : memref<128xi32, #tpu.memory_space<vmem>>) semaphore(%run_scoped3A_99 : memref<!tpu.dma_semaphore, #tpu.memory_space<semaphore_mem>>) {add = true}
      %dma_wait3A_106 = arith.constant 0 : i32
      %dma_wait3A_107 = tpu.memref_slice %arg6[%run_scoped3A, %run_scoped3A_42, %dma_wait3A_106] : memref<1x2x128xi32, #tpu.memory_space<vmem>> -> memref<1x1x128xi32, #tpu.memory_space<vmem>>
      %dma_wait3A_108 = tpu.memref_squeeze %dma_wait3A_107 : memref<1x1x128xi32, #tpu.memory_space<vmem>> -> memref<128xi32, #tpu.memory_space<vmem>>
      %dma_wait3A_109 = arith.constant 0 : i32
      %dma_wait3A_110 = arith.constant 0 : i32
      %dma_wait3A_111 = tpu.memref_slice %arg18[%dma_wait3A_109, %dma_wait3A_110] : memref<10112x128xf32, #tpu.memory_space<vmem_shared>> -> memref<10112x128xf32, #tpu.memory_space<vmem_shared>>
      tpu.wait_indirect_dma semaphore(%run_scoped3A_99 : memref<!tpu.dma_semaphore, #tpu.memory_space<semaphore_mem>>) src(%arg8 : memref<128x128xf32, #tpu.memory_space<vmem>>) dst(%dma_wait3A_111 : memref<10112x128xf32, #tpu.memory_space<vmem_shared>>)
      tpu.yield
    }) : () -> ()
    %dma_wait3A_43 = arith.constant 0 : i32
    %dma_wait3A_44 = arith.constant 0 : i32
    %dma_wait3A_45 = tpu.memref_slice %arg3[%mul3A_4, %dma_wait3A_43, %dma_wait3A_44] : memref<2560x2x128xi32, #tpu.memory_space<hbm>> -> memref<1x2x128xi32, #tpu.memory_space<hbm>>
    %dma_wait3A_46 = arith.constant 0 : i32
    %dma_wait3A_47 = arith.constant 0 : i32
    %dma_wait3A_48 = tpu.memref_slice %arg3[%mul3A_4, %dma_wait3A_46, %dma_wait3A_47] : memref<2560x2x128xi32, #tpu.memory_space<hbm>> -> memref<1x2x128xi32, #tpu.memory_space<hbm>>
    tpu.wait_dma2 semaphore(%arg16 : memref<!tpu.dma_semaphore, #tpu.memory_space<semaphore_mem>>) src(%dma_wait3A_48 : memref<1x2x128xi32, #tpu.memory_space<hbm>>) dst(%arg14 : memref<1x2x128xi32, #tpu.memory_space<vmem>>)
    %dma_start3A_49 = arith.constant 0 : i32
    %dma_start3A_50 = arith.constant 0 : i32
    %dma_start3A_51 = arith.constant 0 : i32
    %dma_start3A_52 = tpu.memref_slice %arg14[%dma_start3A_49, %dma_start3A_50, %dma_start3A_51] : memref<1x2x128xi32, #tpu.memory_space<vmem>> -> memref<1x1x128xi32, #tpu.memory_space<vmem>>
    %dma_start3A_53 = tpu.memref_squeeze %dma_start3A_52 : memref<1x1x128xi32, #tpu.memory_space<vmem>> -> memref<128xi32, #tpu.memory_space<vmem>>
    %dma_start3A_54 = arith.constant 0 : i32
    %dma_start3A_55 = arith.constant 0 : i32
    %dma_start3A_56 = tpu.memref_slice %arg2[%dma_start3A_54, %dma_start3A_55] : memref<10000x128xf32, #tpu.memory_space<hbm>> -> memref<10000x128xf32, #tpu.memory_space<hbm>>
    tpu.enqueue_indirect_dma source(%dma_start3A_56 : memref<10000x128xf32, #tpu.memory_space<hbm>>) target(%arg8 : memref<128x128xf32, #tpu.memory_space<vmem>>) offsets(%dma_start3A_53 : memref<128xi32, #tpu.memory_space<vmem>>) semaphore(%arg10 : memref<!tpu.dma_semaphore, #tpu.memory_space<semaphore_mem>>)
    %dma_wait3A_57 = arith.constant 0 : i32
    %dma_wait3A_58 = arith.constant 0 : i32
    %dma_wait3A_59 = arith.constant 0 : i32
    %dma_wait3A_60 = tpu.memref_slice %arg7[%dma_wait3A_57, %dma_wait3A_58, %dma_wait3A_59] : memref<1x2x128xi32, #tpu.memory_space<vmem>> -> memref<1x1x128xi32, #tpu.memory_space<vmem>>
    %dma_wait3A_61 = tpu.memref_squeeze %dma_wait3A_60 : memref<1x1x128xi32, #tpu.memory_space<vmem>> -> memref<128xi32, #tpu.memory_space<vmem>>
    %dma_wait3A_62 = arith.constant 0 : i32
    %dma_wait3A_63 = arith.constant 0 : i32
    %dma_wait3A_64 = tpu.memref_slice %arg2[%dma_wait3A_62, %dma_wait3A_63] : memref<10000x128xf32, #tpu.memory_space<hbm>> -> memref<10000x128xf32, #tpu.memory_space<hbm>>
    tpu.wait_indirect_dma semaphore(%arg11 : memref<!tpu.dma_semaphore, #tpu.memory_space<semaphore_mem>>) src(%dma_wait3A_64 : memref<10000x128xf32, #tpu.memory_space<hbm>>) dst(%arg9 : memref<128x128xf32, #tpu.memory_space<vmem>>)
    %run_scoped3A_65 = arith.constant 0 : i32
    %run_scoped3A_66 = arith.constant 1 : i32
    "tpu.region"() ({
      %run_scoped3A_99 = tpu.sem_alloc : memref<!tpu.dma_semaphore, #tpu.memory_space<semaphore_mem>>
      %dma_start3A_100 = arith.constant 0 : i32
      %dma_start3A_101 = tpu.memref_slice %arg7[%run_scoped3A_65, %run_scoped3A_66, %dma_start3A_100] : memref<1x2x128xi32, #tpu.memory_space<vmem>> -> memref<1x1x128xi32, #tpu.memory_space<vmem>>
      %dma_start3A_102 = tpu.memref_squeeze %dma_start3A_101 : memref<1x1x128xi32, #tpu.memory_space<vmem>> -> memref<128xi32, #tpu.memory_space<vmem>>
      %dma_start3A_103 = arith.constant 0 : i32
      %dma_start3A_104 = arith.constant 0 : i32
      %dma_start3A_105 = tpu.memref_slice %arg18[%dma_start3A_103, %dma_start3A_104] : memref<10112x128xf32, #tpu.memory_space<vmem_shared>> -> memref<10112x128xf32, #tpu.memory_space<vmem_shared>>
      tpu.enqueue_indirect_dma source(%arg9 : memref<128x128xf32, #tpu.memory_space<vmem>>) target(%dma_start3A_105 : memref<10112x128xf32, #tpu.memory_space<vmem_shared>>) offsets(%dma_start3A_102 : memref<128xi32, #tpu.memory_space<vmem>>) semaphore(%run_scoped3A_99 : memref<!tpu.dma_semaphore, #tpu.memory_space<semaphore_mem>>) {add = true}
      %dma_wait3A_106 = arith.constant 0 : i32
      %dma_wait3A_107 = tpu.memref_slice %arg7[%run_scoped3A_65, %run_scoped3A_66, %dma_wait3A_106] : memref<1x2x128xi32, #tpu.memory_space<vmem>> -> memref<1x1x128xi32, #tpu.memory_space<vmem>>
      %dma_wait3A_108 = tpu.memref_squeeze %dma_wait3A_107 : memref<1x1x128xi32, #tpu.memory_space<vmem>> -> memref<128xi32, #tpu.memory_space<vmem>>
      %dma_wait3A_109 = arith.constant 0 : i32
      %dma_wait3A_110 = arith.constant 0 : i32
      %dma_wait3A_111 = tpu.memref_slice %arg18[%dma_wait3A_109, %dma_wait3A_110] : memref<10112x128xf32, #tpu.memory_space<vmem_shared>> -> memref<10112x128xf32, #tpu.memory_space<vmem_shared>>
      tpu.wait_indirect_dma semaphore(%run_scoped3A_99 : memref<!tpu.dma_semaphore, #tpu.memory_space<semaphore_mem>>) src(%arg9 : memref<128x128xf32, #tpu.memory_space<vmem>>) dst(%dma_wait3A_111 : memref<10112x128xf32, #tpu.memory_space<vmem_shared>>)
      tpu.yield
    }) : () -> ()
    %add3A_67 = arith.constant 80 : i32
    %add3A_68 = arith.addi %mul3A_4, %add3A_67 : i32
    %sub3A = arith.constant 1 : i32
    %sub3A_69 = arith.subi %add3A_68, %sub3A : i32
    "tpu.region"() ({
      %run_scoped3A_99 = tpu.sem_alloc : memref<!tpu.dma_semaphore, #tpu.memory_space<semaphore_mem>>
      %dma_start3A_100 = arith.constant 0 : i32
      %dma_start3A_101 = arith.constant 0 : i32
      %dma_start3A_102 = tpu.memref_slice %arg3[%sub3A_69, %dma_start3A_100, %dma_start3A_101] : memref<2560x2x128xi32, #tpu.memory_space<hbm>> -> memref<1x2x128xi32, #tpu.memory_space<hbm>>
      %dma_start3A_103 = arith.constant 0 : i32
      %dma_start3A_104 = arith.constant 0 : i32
      %dma_start3A_105 = tpu.memref_slice %arg3[%sub3A_69, %dma_start3A_103, %dma_start3A_104] : memref<2560x2x128xi32, #tpu.memory_space<hbm>> -> memref<1x2x128xi32, #tpu.memory_space<hbm>>
      tpu.enqueue_dma source(%dma_start3A_105 : memref<1x2x128xi32, #tpu.memory_space<hbm>>) target(%arg15 : memref<1x2x128xi32, #tpu.memory_space<vmem>>) target_semaphore(%run_scoped3A_99 : memref<!tpu.dma_semaphore, #tpu.memory_space<semaphore_mem>>)
      %dma_wait3A_106 = arith.constant 0 : i32
      %dma_wait3A_107 = arith.constant 0 : i32
      %dma_wait3A_108 = tpu.memref_slice %arg3[%sub3A_69, %dma_wait3A_106, %dma_wait3A_107] : memref<2560x2x128xi32, #tpu.memory_space<hbm>> -> memref<1x2x128xi32, #tpu.memory_space<hbm>>
      %dma_wait3A_109 = arith.constant 0 : i32
      %dma_wait3A_110 = arith.constant 0 : i32
      %dma_wait3A_111 = tpu.memref_slice %arg3[%sub3A_69, %dma_wait3A_109, %dma_wait3A_110] : memref<2560x2x128xi32, #tpu.memory_space<hbm>> -> memref<1x2x128xi32, #tpu.memory_space<hbm>>
      tpu.wait_dma2 semaphore(%run_scoped3A_99 : memref<!tpu.dma_semaphore, #tpu.memory_space<semaphore_mem>>) src(%dma_wait3A_111 : memref<1x2x128xi32, #tpu.memory_space<hbm>>) dst(%arg15 : memref<1x2x128xi32, #tpu.memory_space<vmem>>)
      tpu.yield
    }) : () -> ()
    %dma_start3A_70 = arith.constant 0 : i32
    %dma_start3A_71 = arith.constant 0 : i32
    %dma_start3A_72 = arith.constant 0 : i32
    %dma_start3A_73 = tpu.memref_slice %arg15[%dma_start3A_70, %dma_start3A_71, %dma_start3A_72] : memref<1x2x128xi32, #tpu.memory_space<vmem>> -> memref<1x1x128xi32, #tpu.memory_space<vmem>>
    %dma_start3A_74 = tpu.memref_squeeze %dma_start3A_73 : memref<1x1x128xi32, #tpu.memory_space<vmem>> -> memref<128xi32, #tpu.memory_space<vmem>>
    %dma_start3A_75 = arith.constant 0 : i32
    %dma_start3A_76 = arith.constant 0 : i32
    %dma_start3A_77 = tpu.memref_slice %arg2[%dma_start3A_75, %dma_start3A_76] : memref<10000x128xf32, #tpu.memory_space<hbm>> -> memref<10000x128xf32, #tpu.memory_space<hbm>>
    tpu.enqueue_indirect_dma source(%dma_start3A_77 : memref<10000x128xf32, #tpu.memory_space<hbm>>) target(%arg9 : memref<128x128xf32, #tpu.memory_space<vmem>>) offsets(%dma_start3A_74 : memref<128xi32, #tpu.memory_space<vmem>>) semaphore(%arg11 : memref<!tpu.dma_semaphore, #tpu.memory_space<semaphore_mem>>)
    %dma_wait3A_78 = arith.constant 0 : i32
    %dma_wait3A_79 = arith.constant 0 : i32
    %dma_wait3A_80 = arith.constant 0 : i32
    %dma_wait3A_81 = tpu.memref_slice %arg14[%dma_wait3A_78, %dma_wait3A_79, %dma_wait3A_80] : memref<1x2x128xi32, #tpu.memory_space<vmem>> -> memref<1x1x128xi32, #tpu.memory_space<vmem>>
    %dma_wait3A_82 = tpu.memref_squeeze %dma_wait3A_81 : memref<1x1x128xi32, #tpu.memory_space<vmem>> -> memref<128xi32, #tpu.memory_space<vmem>>
    %dma_wait3A_83 = arith.constant 0 : i32
    %dma_wait3A_84 = arith.constant 0 : i32
    %dma_wait3A_85 = tpu.memref_slice %arg2[%dma_wait3A_83, %dma_wait3A_84] : memref<10000x128xf32, #tpu.memory_space<hbm>> -> memref<10000x128xf32, #tpu.memory_space<hbm>>
    tpu.wait_indirect_dma semaphore(%arg10 : memref<!tpu.dma_semaphore, #tpu.memory_space<semaphore_mem>>) src(%dma_wait3A_85 : memref<10000x128xf32, #tpu.memory_space<hbm>>) dst(%arg8 : memref<128x128xf32, #tpu.memory_space<vmem>>)
    %run_scoped3A_86 = arith.constant 0 : i32
    %run_scoped3A_87 = arith.constant 1 : i32
    "tpu.region"() ({
      %run_scoped3A_99 = tpu.sem_alloc : memref<!tpu.dma_semaphore, #tpu.memory_space<semaphore_mem>>
      %dma_start3A_100 = arith.constant 0 : i32
      %dma_start3A_101 = tpu.memref_slice %arg14[%run_scoped3A_86, %run_scoped3A_87, %dma_start3A_100] : memref<1x2x128xi32, #tpu.memory_space<vmem>> -> memref<1x1x128xi32, #tpu.memory_space<vmem>>
      %dma_start3A_102 = tpu.memref_squeeze %dma_start3A_101 : memref<1x1x128xi32, #tpu.memory_space<vmem>> -> memref<128xi32, #tpu.memory_space<vmem>>
      %dma_start3A_103 = arith.constant 0 : i32
      %dma_start3A_104 = arith.constant 0 : i32
      %dma_start3A_105 = tpu.memref_slice %arg18[%dma_start3A_103, %dma_start3A_104] : memref<10112x128xf32, #tpu.memory_space<vmem_shared>> -> memref<10112x128xf32, #tpu.memory_space<vmem_shared>>
      tpu.enqueue_indirect_dma source(%arg8 : memref<128x128xf32, #tpu.memory_space<vmem>>) target(%dma_start3A_105 : memref<10112x128xf32, #tpu.memory_space<vmem_shared>>) offsets(%dma_start3A_102 : memref<128xi32, #tpu.memory_space<vmem>>) semaphore(%run_scoped3A_99 : memref<!tpu.dma_semaphore, #tpu.memory_space<semaphore_mem>>) {add = true}
      %dma_wait3A_106 = arith.constant 0 : i32
      %dma_wait3A_107 = tpu.memref_slice %arg14[%run_scoped3A_86, %run_scoped3A_87, %dma_wait3A_106] : memref<1x2x128xi32, #tpu.memory_space<vmem>> -> memref<1x1x128xi32, #tpu.memory_space<vmem>>
      %dma_wait3A_108 = tpu.memref_squeeze %dma_wait3A_107 : memref<1x1x128xi32, #tpu.memory_space<vmem>> -> memref<128xi32, #tpu.memory_space<vmem>>
      %dma_wait3A_109 = arith.constant 0 : i32
      %dma_wait3A_110 = arith.constant 0 : i32
      %dma_wait3A_111 = tpu.memref_slice %arg18[%dma_wait3A_109, %dma_wait3A_110] : memref<10112x128xf32, #tpu.memory_space<vmem_shared>> -> memref<10112x128xf32, #tpu.memory_space<vmem_shared>>
      tpu.wait_indirect_dma semaphore(%run_scoped3A_99 : memref<!tpu.dma_semaphore, #tpu.memory_space<semaphore_mem>>) src(%arg8 : memref<128x128xf32, #tpu.memory_space<vmem>>) dst(%dma_wait3A_111 : memref<10112x128xf32, #tpu.memory_space<vmem_shared>>)
      tpu.yield
    }) : () -> ()
    %dma_wait3A_88 = arith.constant 0 : i32
    %dma_wait3A_89 = arith.constant 0 : i32
    %dma_wait3A_90 = arith.constant 0 : i32
    %dma_wait3A_91 = tpu.memref_slice %arg15[%dma_wait3A_88, %dma_wait3A_89, %dma_wait3A_90] : memref<1x2x128xi32, #tpu.memory_space<vmem>> -> memref<1x1x128xi32, #tpu.memory_space<vmem>>
    %dma_wait3A_92 = tpu.memref_squeeze %dma_wait3A_91 : memref<1x1x128xi32, #tpu.memory_space<vmem>> -> memref<128xi32, #tpu.memory_space<vmem>>
    %dma_wait3A_93 = arith.constant 0 : i32
    %dma_wait3A_94 = arith.constant 0 : i32
    %dma_wait3A_95 = tpu.memref_slice %arg2[%dma_wait3A_93, %dma_wait3A_94] : memref<10000x128xf32, #tpu.memory_space<hbm>> -> memref<10000x128xf32, #tpu.memory_space<hbm>>
    tpu.wait_indirect_dma semaphore(%arg11 : memref<!tpu.dma_semaphore, #tpu.memory_space<semaphore_mem>>) src(%dma_wait3A_95 : memref<10000x128xf32, #tpu.memory_space<hbm>>) dst(%arg9 : memref<128x128xf32, #tpu.memory_space<vmem>>)
    %run_scoped3A_96 = arith.constant 0 : i32
    %run_scoped3A_97 = arith.constant 1 : i32
    "tpu.region"() ({
      %run_scoped3A_99 = tpu.sem_alloc : memref<!tpu.dma_semaphore, #tpu.memory_space<semaphore_mem>>
      %dma_start3A_100 = arith.constant 0 : i32
      %dma_start3A_101 = tpu.memref_slice %arg15[%run_scoped3A_96, %run_scoped3A_97, %dma_start3A_100] : memref<1x2x128xi32, #tpu.memory_space<vmem>> -> memref<1x1x128xi32, #tpu.memory_space<vmem>>
      %dma_start3A_102 = tpu.memref_squeeze %dma_start3A_101 : memref<1x1x128xi32, #tpu.memory_space<vmem>> -> memref<128xi32, #tpu.memory_space<vmem>>
      %dma_start3A_103 = arith.constant 0 : i32
      %dma_start3A_104 = arith.constant 0 : i32
      %dma_start3A_105 = tpu.memref_slice %arg18[%dma_start3A_103, %dma_start3A_104] : memref<10112x128xf32, #tpu.memory_space<vmem_shared>> -> memref<10112x128xf32, #tpu.memory_space<vmem_shared>>
      tpu.enqueue_indirect_dma source(%arg9 : memref<128x128xf32, #tpu.memory_space<vmem>>) target(%dma_start3A_105 : memref<10112x128xf32, #tpu.memory_space<vmem_shared>>) offsets(%dma_start3A_102 : memref<128xi32, #tpu.memory_space<vmem>>) semaphore(%run_scoped3A_99 : memref<!tpu.dma_semaphore, #tpu.memory_space<semaphore_mem>>) {add = true}
      %dma_wait3A_106 = arith.constant 0 : i32
      %dma_wait3A_107 = tpu.memref_slice %arg15[%run_scoped3A_96, %run_scoped3A_97, %dma_wait3A_106] : memref<1x2x128xi32, #tpu.memory_space<vmem>> -> memref<1x1x128xi32, #tpu.memory_space<vmem>>
      %dma_wait3A_108 = tpu.memref_squeeze %dma_wait3A_107 : memref<1x1x128xi32, #tpu.memory_space<vmem>> -> memref<128xi32, #tpu.memory_space<vmem>>
      %dma_wait3A_109 = arith.constant 0 : i32
      %dma_wait3A_110 = arith.constant 0 : i32
      %dma_wait3A_111 = tpu.memref_slice %arg18[%dma_wait3A_109, %dma_wait3A_110] : memref<10112x128xf32, #tpu.memory_space<vmem_shared>> -> memref<10112x128xf32, #tpu.memory_space<vmem_shared>>
      tpu.wait_indirect_dma semaphore(%run_scoped3A_99 : memref<!tpu.dma_semaphore, #tpu.memory_space<semaphore_mem>>) src(%arg9 : memref<128x128xf32, #tpu.memory_space<vmem>>) dst(%dma_wait3A_111 : memref<10112x128xf32, #tpu.memory_space<vmem_shared>>)
      tpu.yield
    }) : () -> ()
    %barrier3A_98 = arith.constant 0 : index
    tpu.barrier barrier_id(%barrier3A_98)
    "tpu.region"() ({
      %run_scoped3A_99 = tpu.sem_alloc : memref<!tpu.dma_semaphore, #tpu.memory_space<semaphore_mem>>
      %dma_start3A_100 = arith.constant 0 : i32
      %dma_start3A_101 = tpu.memref_slice %arg5[%arg0, %mul3A_2, %dma_start3A_100] : memref<2x10112x128xf32, #tpu.memory_space<hbm>> -> memref<1x632x128xf32, #tpu.memory_space<hbm>>
      %dma_start3A_102 = tpu.memref_squeeze %dma_start3A_101 : memref<1x632x128xf32, #tpu.memory_space<hbm>> -> memref<632x128xf32, #tpu.memory_space<hbm>>
      %dma_start3A_103 = arith.constant 0 : i32
      %dma_start3A_104 = tpu.memref_slice %arg18[%mul3A_2, %dma_start3A_103] : memref<10112x128xf32, #tpu.memory_space<vmem_shared>> -> memref<632x128xf32, #tpu.memory_space<vmem_shared>>
      tpu.enqueue_dma source(%dma_start3A_104 : memref<632x128xf32, #tpu.memory_space<vmem_shared>>) target(%dma_start3A_102 : memref<632x128xf32, #tpu.memory_space<hbm>>) target_semaphore(%run_scoped3A_99 : memref<!tpu.dma_semaphore, #tpu.memory_space<semaphore_mem>>)
      %dma_wait3A_105 = arith.constant 0 : i32
      %dma_wait3A_106 = tpu.memref_slice %arg5[%arg0, %mul3A_2, %dma_wait3A_105] : memref<2x10112x128xf32, #tpu.memory_space<hbm>> -> memref<1x632x128xf32, #tpu.memory_space<hbm>>
      %dma_wait3A_107 = tpu.memref_squeeze %dma_wait3A_106 : memref<1x632x128xf32, #tpu.memory_space<hbm>> -> memref<632x128xf32, #tpu.memory_space<hbm>>
      %dma_wait3A_108 = arith.constant 0 : i32
      %dma_wait3A_109 = tpu.memref_slice %arg18[%mul3A_2, %dma_wait3A_108] : memref<10112x128xf32, #tpu.memory_space<vmem_shared>> -> memref<632x128xf32, #tpu.memory_space<vmem_shared>>
      tpu.wait_dma2 semaphore(%run_scoped3A_99 : memref<!tpu.dma_semaphore, #tpu.memory_space<semaphore_mem>>) src(%dma_wait3A_109 : memref<632x128xf32, #tpu.memory_space<vmem_shared>>) dst(%dma_wait3A_107 : memref<632x128xf32, #tpu.memory_space<hbm>>)
      tpu.yield
    }) : () -> ()
    return
  }
}

module attributes {stable_mosaic.version = 14 : i64} {
  func.func @_tc0_body(%arg0: memref<32x79x128xf32, #tpu.memory_space<vmem>>, %arg1: memref<79x128xf32, #tpu.memory_space<vmem>>) attributes {dimension_semantics = [], scalar_prefetch = 0 : i64, scratch_operands = 0 : i64, tpu.core_type = #tpu.core_type<tc>} {
    %get3A = arith.constant 0 : index
    %get3A_0 = arith.constant 0 : index
    %get3A_1 = arith.constant 0 : index
    %get3A_2 = vector.load %arg0[%get3A, %get3A_0, %get3A_1] : memref<32x79x128xf32, #tpu.memory_space<vmem>>, vector<1x79x128xf32>
    %get3A_3 = vector.shape_cast %get3A_2 : vector<1x79x128xf32> to vector<79x128xf32>
    %get3A_4 = arith.constant 1 : index
    %get3A_5 = arith.constant 0 : index
    %get3A_6 = arith.constant 0 : index
    %get3A_7 = vector.load %arg0[%get3A_4, %get3A_5, %get3A_6] : memref<32x79x128xf32, #tpu.memory_space<vmem>>, vector<1x79x128xf32>
    %get3A_8 = vector.shape_cast %get3A_7 : vector<1x79x128xf32> to vector<79x128xf32>
    %add3A = arith.addf %get3A_3, %get3A_8 : vector<79x128xf32>
    %get3A_9 = arith.constant 2 : index
    %get3A_10 = arith.constant 0 : index
    %get3A_11 = arith.constant 0 : index
    %get3A_12 = vector.load %arg0[%get3A_9, %get3A_10, %get3A_11] : memref<32x79x128xf32, #tpu.memory_space<vmem>>, vector<1x79x128xf32>
    %get3A_13 = vector.shape_cast %get3A_12 : vector<1x79x128xf32> to vector<79x128xf32>
    %add3A_14 = arith.addf %add3A, %get3A_13 : vector<79x128xf32>
    %get3A_15 = arith.constant 3 : index
    %get3A_16 = arith.constant 0 : index
    %get3A_17 = arith.constant 0 : index
    %get3A_18 = vector.load %arg0[%get3A_15, %get3A_16, %get3A_17] : memref<32x79x128xf32, #tpu.memory_space<vmem>>, vector<1x79x128xf32>
    %get3A_19 = vector.shape_cast %get3A_18 : vector<1x79x128xf32> to vector<79x128xf32>
    %add3A_20 = arith.addf %add3A_14, %get3A_19 : vector<79x128xf32>
    %get3A_21 = arith.constant 4 : index
    %get3A_22 = arith.constant 0 : index
    %get3A_23 = arith.constant 0 : index
    %get3A_24 = vector.load %arg0[%get3A_21, %get3A_22, %get3A_23] : memref<32x79x128xf32, #tpu.memory_space<vmem>>, vector<1x79x128xf32>
    %get3A_25 = vector.shape_cast %get3A_24 : vector<1x79x128xf32> to vector<79x128xf32>
    %add3A_26 = arith.addf %add3A_20, %get3A_25 : vector<79x128xf32>
    %get3A_27 = arith.constant 5 : index
    %get3A_28 = arith.constant 0 : index
    %get3A_29 = arith.constant 0 : index
    %get3A_30 = vector.load %arg0[%get3A_27, %get3A_28, %get3A_29] : memref<32x79x128xf32, #tpu.memory_space<vmem>>, vector<1x79x128xf32>
    %get3A_31 = vector.shape_cast %get3A_30 : vector<1x79x128xf32> to vector<79x128xf32>
    %add3A_32 = arith.addf %add3A_26, %get3A_31 : vector<79x128xf32>
    %get3A_33 = arith.constant 6 : index
    %get3A_34 = arith.constant 0 : index
    %get3A_35 = arith.constant 0 : index
    %get3A_36 = vector.load %arg0[%get3A_33, %get3A_34, %get3A_35] : memref<32x79x128xf32, #tpu.memory_space<vmem>>, vector<1x79x128xf32>
    %get3A_37 = vector.shape_cast %get3A_36 : vector<1x79x128xf32> to vector<79x128xf32>
    %add3A_38 = arith.addf %add3A_32, %get3A_37 : vector<79x128xf32>
    %get3A_39 = arith.constant 7 : index
    %get3A_40 = arith.constant 0 : index
    %get3A_41 = arith.constant 0 : index
    %get3A_42 = vector.load %arg0[%get3A_39, %get3A_40, %get3A_41] : memref<32x79x128xf32, #tpu.memory_space<vmem>>, vector<1x79x128xf32>
    %get3A_43 = vector.shape_cast %get3A_42 : vector<1x79x128xf32> to vector<79x128xf32>
    %add3A_44 = arith.addf %add3A_38, %get3A_43 : vector<79x128xf32>
    %get3A_45 = arith.constant 8 : index
    %get3A_46 = arith.constant 0 : index
    %get3A_47 = arith.constant 0 : index
    %get3A_48 = vector.load %arg0[%get3A_45, %get3A_46, %get3A_47] : memref<32x79x128xf32, #tpu.memory_space<vmem>>, vector<1x79x128xf32>
    %get3A_49 = vector.shape_cast %get3A_48 : vector<1x79x128xf32> to vector<79x128xf32>
    %add3A_50 = arith.addf %add3A_44, %get3A_49 : vector<79x128xf32>
    %get3A_51 = arith.constant 9 : index
    %get3A_52 = arith.constant 0 : index
    %get3A_53 = arith.constant 0 : index
    %get3A_54 = vector.load %arg0[%get3A_51, %get3A_52, %get3A_53] : memref<32x79x128xf32, #tpu.memory_space<vmem>>, vector<1x79x128xf32>
    %get3A_55 = vector.shape_cast %get3A_54 : vector<1x79x128xf32> to vector<79x128xf32>
    %add3A_56 = arith.addf %add3A_50, %get3A_55 : vector<79x128xf32>
    %get3A_57 = arith.constant 10 : index
    %get3A_58 = arith.constant 0 : index
    %get3A_59 = arith.constant 0 : index
    %get3A_60 = vector.load %arg0[%get3A_57, %get3A_58, %get3A_59] : memref<32x79x128xf32, #tpu.memory_space<vmem>>, vector<1x79x128xf32>
    %get3A_61 = vector.shape_cast %get3A_60 : vector<1x79x128xf32> to vector<79x128xf32>
    %add3A_62 = arith.addf %add3A_56, %get3A_61 : vector<79x128xf32>
    %get3A_63 = arith.constant 11 : index
    %get3A_64 = arith.constant 0 : index
    %get3A_65 = arith.constant 0 : index
    %get3A_66 = vector.load %arg0[%get3A_63, %get3A_64, %get3A_65] : memref<32x79x128xf32, #tpu.memory_space<vmem>>, vector<1x79x128xf32>
    %get3A_67 = vector.shape_cast %get3A_66 : vector<1x79x128xf32> to vector<79x128xf32>
    %add3A_68 = arith.addf %add3A_62, %get3A_67 : vector<79x128xf32>
    %get3A_69 = arith.constant 12 : index
    %get3A_70 = arith.constant 0 : index
    %get3A_71 = arith.constant 0 : index
    %get3A_72 = vector.load %arg0[%get3A_69, %get3A_70, %get3A_71] : memref<32x79x128xf32, #tpu.memory_space<vmem>>, vector<1x79x128xf32>
    %get3A_73 = vector.shape_cast %get3A_72 : vector<1x79x128xf32> to vector<79x128xf32>
    %add3A_74 = arith.addf %add3A_68, %get3A_73 : vector<79x128xf32>
    %get3A_75 = arith.constant 13 : index
    %get3A_76 = arith.constant 0 : index
    %get3A_77 = arith.constant 0 : index
    %get3A_78 = vector.load %arg0[%get3A_75, %get3A_76, %get3A_77] : memref<32x79x128xf32, #tpu.memory_space<vmem>>, vector<1x79x128xf32>
    %get3A_79 = vector.shape_cast %get3A_78 : vector<1x79x128xf32> to vector<79x128xf32>
    %add3A_80 = arith.addf %add3A_74, %get3A_79 : vector<79x128xf32>
    %get3A_81 = arith.constant 14 : index
    %get3A_82 = arith.constant 0 : index
    %get3A_83 = arith.constant 0 : index
    %get3A_84 = vector.load %arg0[%get3A_81, %get3A_82, %get3A_83] : memref<32x79x128xf32, #tpu.memory_space<vmem>>, vector<1x79x128xf32>
    %get3A_85 = vector.shape_cast %get3A_84 : vector<1x79x128xf32> to vector<79x128xf32>
    %add3A_86 = arith.addf %add3A_80, %get3A_85 : vector<79x128xf32>
    %get3A_87 = arith.constant 15 : index
    %get3A_88 = arith.constant 0 : index
    %get3A_89 = arith.constant 0 : index
    %get3A_90 = vector.load %arg0[%get3A_87, %get3A_88, %get3A_89] : memref<32x79x128xf32, #tpu.memory_space<vmem>>, vector<1x79x128xf32>
    %get3A_91 = vector.shape_cast %get3A_90 : vector<1x79x128xf32> to vector<79x128xf32>
    %add3A_92 = arith.addf %add3A_86, %get3A_91 : vector<79x128xf32>
    %get3A_93 = arith.constant 16 : index
    %get3A_94 = arith.constant 0 : index
    %get3A_95 = arith.constant 0 : index
    %get3A_96 = vector.load %arg0[%get3A_93, %get3A_94, %get3A_95] : memref<32x79x128xf32, #tpu.memory_space<vmem>>, vector<1x79x128xf32>
    %get3A_97 = vector.shape_cast %get3A_96 : vector<1x79x128xf32> to vector<79x128xf32>
    %add3A_98 = arith.addf %add3A_92, %get3A_97 : vector<79x128xf32>
    %get3A_99 = arith.constant 17 : index
    %get3A_100 = arith.constant 0 : index
    %get3A_101 = arith.constant 0 : index
    %get3A_102 = vector.load %arg0[%get3A_99, %get3A_100, %get3A_101] : memref<32x79x128xf32, #tpu.memory_space<vmem>>, vector<1x79x128xf32>
    %get3A_103 = vector.shape_cast %get3A_102 : vector<1x79x128xf32> to vector<79x128xf32>
    %add3A_104 = arith.addf %add3A_98, %get3A_103 : vector<79x128xf32>
    %get3A_105 = arith.constant 18 : index
    %get3A_106 = arith.constant 0 : index
    %get3A_107 = arith.constant 0 : index
    %get3A_108 = vector.load %arg0[%get3A_105, %get3A_106, %get3A_107] : memref<32x79x128xf32, #tpu.memory_space<vmem>>, vector<1x79x128xf32>
    %get3A_109 = vector.shape_cast %get3A_108 : vector<1x79x128xf32> to vector<79x128xf32>
    %add3A_110 = arith.addf %add3A_104, %get3A_109 : vector<79x128xf32>
    %get3A_111 = arith.constant 19 : index
    %get3A_112 = arith.constant 0 : index
    %get3A_113 = arith.constant 0 : index
    %get3A_114 = vector.load %arg0[%get3A_111, %get3A_112, %get3A_113] : memref<32x79x128xf32, #tpu.memory_space<vmem>>, vector<1x79x128xf32>
    %get3A_115 = vector.shape_cast %get3A_114 : vector<1x79x128xf32> to vector<79x128xf32>
    %add3A_116 = arith.addf %add3A_110, %get3A_115 : vector<79x128xf32>
    %get3A_117 = arith.constant 20 : index
    %get3A_118 = arith.constant 0 : index
    %get3A_119 = arith.constant 0 : index
    %get3A_120 = vector.load %arg0[%get3A_117, %get3A_118, %get3A_119] : memref<32x79x128xf32, #tpu.memory_space<vmem>>, vector<1x79x128xf32>
    %get3A_121 = vector.shape_cast %get3A_120 : vector<1x79x128xf32> to vector<79x128xf32>
    %add3A_122 = arith.addf %add3A_116, %get3A_121 : vector<79x128xf32>
    %get3A_123 = arith.constant 21 : index
    %get3A_124 = arith.constant 0 : index
    %get3A_125 = arith.constant 0 : index
    %get3A_126 = vector.load %arg0[%get3A_123, %get3A_124, %get3A_125] : memref<32x79x128xf32, #tpu.memory_space<vmem>>, vector<1x79x128xf32>
    %get3A_127 = vector.shape_cast %get3A_126 : vector<1x79x128xf32> to vector<79x128xf32>
    %add3A_128 = arith.addf %add3A_122, %get3A_127 : vector<79x128xf32>
    %get3A_129 = arith.constant 22 : index
    %get3A_130 = arith.constant 0 : index
    %get3A_131 = arith.constant 0 : index
    %get3A_132 = vector.load %arg0[%get3A_129, %get3A_130, %get3A_131] : memref<32x79x128xf32, #tpu.memory_space<vmem>>, vector<1x79x128xf32>
    %get3A_133 = vector.shape_cast %get3A_132 : vector<1x79x128xf32> to vector<79x128xf32>
    %add3A_134 = arith.addf %add3A_128, %get3A_133 : vector<79x128xf32>
    %get3A_135 = arith.constant 23 : index
    %get3A_136 = arith.constant 0 : index
    %get3A_137 = arith.constant 0 : index
    %get3A_138 = vector.load %arg0[%get3A_135, %get3A_136, %get3A_137] : memref<32x79x128xf32, #tpu.memory_space<vmem>>, vector<1x79x128xf32>
    %get3A_139 = vector.shape_cast %get3A_138 : vector<1x79x128xf32> to vector<79x128xf32>
    %add3A_140 = arith.addf %add3A_134, %get3A_139 : vector<79x128xf32>
    %get3A_141 = arith.constant 24 : index
    %get3A_142 = arith.constant 0 : index
    %get3A_143 = arith.constant 0 : index
    %get3A_144 = vector.load %arg0[%get3A_141, %get3A_142, %get3A_143] : memref<32x79x128xf32, #tpu.memory_space<vmem>>, vector<1x79x128xf32>
    %get3A_145 = vector.shape_cast %get3A_144 : vector<1x79x128xf32> to vector<79x128xf32>
    %add3A_146 = arith.addf %add3A_140, %get3A_145 : vector<79x128xf32>
    %get3A_147 = arith.constant 25 : index
    %get3A_148 = arith.constant 0 : index
    %get3A_149 = arith.constant 0 : index
    %get3A_150 = vector.load %arg0[%get3A_147, %get3A_148, %get3A_149] : memref<32x79x128xf32, #tpu.memory_space<vmem>>, vector<1x79x128xf32>
    %get3A_151 = vector.shape_cast %get3A_150 : vector<1x79x128xf32> to vector<79x128xf32>
    %add3A_152 = arith.addf %add3A_146, %get3A_151 : vector<79x128xf32>
    %get3A_153 = arith.constant 26 : index
    %get3A_154 = arith.constant 0 : index
    %get3A_155 = arith.constant 0 : index
    %get3A_156 = vector.load %arg0[%get3A_153, %get3A_154, %get3A_155] : memref<32x79x128xf32, #tpu.memory_space<vmem>>, vector<1x79x128xf32>
    %get3A_157 = vector.shape_cast %get3A_156 : vector<1x79x128xf32> to vector<79x128xf32>
    %add3A_158 = arith.addf %add3A_152, %get3A_157 : vector<79x128xf32>
    %get3A_159 = arith.constant 27 : index
    %get3A_160 = arith.constant 0 : index
    %get3A_161 = arith.constant 0 : index
    %get3A_162 = vector.load %arg0[%get3A_159, %get3A_160, %get3A_161] : memref<32x79x128xf32, #tpu.memory_space<vmem>>, vector<1x79x128xf32>
    %get3A_163 = vector.shape_cast %get3A_162 : vector<1x79x128xf32> to vector<79x128xf32>
    %add3A_164 = arith.addf %add3A_158, %get3A_163 : vector<79x128xf32>
    %get3A_165 = arith.constant 28 : index
    %get3A_166 = arith.constant 0 : index
    %get3A_167 = arith.constant 0 : index
    %get3A_168 = vector.load %arg0[%get3A_165, %get3A_166, %get3A_167] : memref<32x79x128xf32, #tpu.memory_space<vmem>>, vector<1x79x128xf32>
    %get3A_169 = vector.shape_cast %get3A_168 : vector<1x79x128xf32> to vector<79x128xf32>
    %add3A_170 = arith.addf %add3A_164, %get3A_169 : vector<79x128xf32>
    %get3A_171 = arith.constant 29 : index
    %get3A_172 = arith.constant 0 : index
    %get3A_173 = arith.constant 0 : index
    %get3A_174 = vector.load %arg0[%get3A_171, %get3A_172, %get3A_173] : memref<32x79x128xf32, #tpu.memory_space<vmem>>, vector<1x79x128xf32>
    %get3A_175 = vector.shape_cast %get3A_174 : vector<1x79x128xf32> to vector<79x128xf32>
    %add3A_176 = arith.addf %add3A_170, %get3A_175 : vector<79x128xf32>
    %get3A_177 = arith.constant 30 : index
    %get3A_178 = arith.constant 0 : index
    %get3A_179 = arith.constant 0 : index
    %get3A_180 = vector.load %arg0[%get3A_177, %get3A_178, %get3A_179] : memref<32x79x128xf32, #tpu.memory_space<vmem>>, vector<1x79x128xf32>
    %get3A_181 = vector.shape_cast %get3A_180 : vector<1x79x128xf32> to vector<79x128xf32>
    %add3A_182 = arith.addf %add3A_176, %get3A_181 : vector<79x128xf32>
    %get3A_183 = arith.constant 31 : index
    %get3A_184 = arith.constant 0 : index
    %get3A_185 = arith.constant 0 : index
    %get3A_186 = vector.load %arg0[%get3A_183, %get3A_184, %get3A_185] : memref<32x79x128xf32, #tpu.memory_space<vmem>>, vector<1x79x128xf32>
    %get3A_187 = vector.shape_cast %get3A_186 : vector<1x79x128xf32> to vector<79x128xf32>
    %add3A_188 = arith.addf %add3A_182, %get3A_187 : vector<79x128xf32>
    %add3A_189 = arith.constant 1.000000e+00 : f32
    %add3A_190 = vector.broadcast %add3A_189 : f32 to vector<79x128xf32>
    %add3A_191 = arith.addf %add3A_188, %add3A_190 : vector<79x128xf32>
    %rsqrt3A = math.rsqrt %add3A_191 : vector<79x128xf32>
    %swap3A = arith.constant 0 : index
    %swap3A_192 = arith.constant 0 : index
    %swap3A_193 = vector.load %arg1[%swap3A, %swap3A_192] : memref<79x128xf32, #tpu.memory_space<vmem>>, vector<79x128xf32>
    tpu.vector_store %arg1[%swap3A, %swap3A_192], %rsqrt3A {strides = array<i32>} : memref<79x128xf32, #tpu.memory_space<vmem>>, vector<79x128xf32>,
    return
  }
}

module attributes {stable_mosaic.version = 14 : i64} {
  func.func @_tc1_body(%arg0: memref<10000x128xf32, #tpu.memory_space<vmem>>, %arg1: memref<128x128xf32, #tpu.memory_space<vmem>>, %arg2: memref<10000x1xf32, #tpu.memory_space<vmem>>, %arg3: memref<10000x128xf32, #tpu.memory_space<vmem>>) attributes {dimension_semantics = [], scalar_prefetch = 0 : i64, scratch_operands = 0 : i64, tpu.core_type = #tpu.core_type<tc>} {
    %get3A = arith.constant 0 : index
    %get3A_0 = arith.constant 0 : index
    %get3A_1 = vector.load %arg0[%get3A, %get3A_0] : memref<10000x128xf32, #tpu.memory_space<vmem>>, vector<10000x128xf32>
    %get3A_2 = arith.constant 0 : index
    %get3A_3 = arith.constant 0 : index
    %get3A_4 = vector.load %arg1[%get3A_2, %get3A_3] : memref<128x128xf32, #tpu.memory_space<vmem>>, vector<128x128xf32>
    %dot_general3A = arith.constant dense<0.000000e+00> : vector<10000x128xf32>
    %dot_general3A_5 = tpu.matmul %get3A_1, %get3A_4, %dot_general3A {dimension_numbers = #tpu.dot_dimension_numbers<[1], [0], [0], [1], [0, 0, 1, 1], [], []>, transpose_lhs_hint = false} : vector<10000x128xf32>, vector<128x128xf32>, vector<10000x128xf32> -> vector<10000x128xf32>
    %get3A_6 = arith.constant 0 : index
    %get3A_7 = arith.constant 0 : index
    %get3A_8 = vector.load %arg2[%get3A_6, %get3A_7] : memref<10000x1xf32, #tpu.memory_space<vmem>>, vector<10000x1xf32>
    %mul3A = vector.broadcast %get3A_8 : vector<10000x1xf32> to vector<10000x128xf32>
    %mul3A_9 = arith.mulf %dot_general3A_5, %mul3A : vector<10000x128xf32>
    %swap3A = arith.constant 0 : index
    %swap3A_10 = arith.constant 0 : index
    %swap3A_11 = vector.load %arg3[%swap3A, %swap3A_10] : memref<10000x128xf32, #tpu.memory_space<vmem>>, vector<10000x128xf32>
    tpu.vector_store %arg3[%swap3A, %swap3A_10], %mul3A_9 {strides = array<i32>} : memref<10000x128xf32, #tpu.memory_space<vmem>>, vector<10000x128xf32>,
    return
  }
}

module attributes {stable_mosaic.version = 14 : i64} {
  func.func @_tc2_body(%arg0: memref<2x10112x128xf32, #tpu.memory_space<vmem>>, %arg1: memref<10000x128xf32, #tpu.memory_space<vmem>>, %arg2: memref<10000x1xf32, #tpu.memory_space<vmem>>, %arg3: memref<1x128xf32, #tpu.memory_space<vmem>>, %arg4: memref<128x128xf32, #tpu.memory_space<vmem>>, %arg5: memref<10000x128xf32, #tpu.memory_space<vmem>>) attributes {dimension_semantics = [], scalar_prefetch = 0 : i64, scratch_operands = 0 : i64, tpu.core_type = #tpu.core_type<tc>} {
    %get3A = arith.constant 0 : index
    %get3A_0 = arith.constant 0 : index
    %get3A_1 = vector.load %arg2[%get3A, %get3A_0] : memref<10000x1xf32, #tpu.memory_space<vmem>>, vector<10000x1xf32>
    %get3A_2 = arith.constant 0 : index
    %get3A_3 = arith.constant 0 : index
    %get3A_4 = arith.constant 0 : index
    %get3A_5 = vector.load %arg0[%get3A_2, %get3A_3, %get3A_4] : memref<2x10112x128xf32, #tpu.memory_space<vmem>>, vector<1x10000x128xf32>
    %get3A_6 = vector.shape_cast %get3A_5 : vector<1x10000x128xf32> to vector<10000x128xf32>
    %get3A_7 = arith.constant 1 : index
    %get3A_8 = arith.constant 0 : index
    %get3A_9 = arith.constant 0 : index
    %get3A_10 = vector.load %arg0[%get3A_7, %get3A_8, %get3A_9] : memref<2x10112x128xf32, #tpu.memory_space<vmem>>, vector<1x10000x128xf32>
    %get3A_11 = vector.shape_cast %get3A_10 : vector<1x10000x128xf32> to vector<10000x128xf32>
    %add3A = arith.addf %get3A_6, %get3A_11 : vector<10000x128xf32>
    %get3A_12 = arith.constant 0 : index
    %get3A_13 = arith.constant 0 : index
    %get3A_14 = vector.load %arg1[%get3A_12, %get3A_13] : memref<10000x128xf32, #tpu.memory_space<vmem>>, vector<10000x128xf32>
    %add3A_15 = arith.addf %add3A, %get3A_14 : vector<10000x128xf32>
    %mul3A = vector.broadcast %get3A_1 : vector<10000x1xf32> to vector<10000x128xf32>
    %mul3A_16 = arith.mulf %add3A_15, %mul3A : vector<10000x128xf32>
    %get3A_17 = arith.constant 0 : index
    %get3A_18 = arith.constant 0 : index
    %get3A_19 = vector.load %arg3[%get3A_17, %get3A_18] : memref<1x128xf32, #tpu.memory_space<vmem>>, vector<1x128xf32>
    %add3A_20 = vector.broadcast %get3A_19 : vector<1x128xf32> to vector<10000x128xf32>
    %add3A_21 = arith.addf %mul3A_16, %add3A_20 : vector<10000x128xf32>
    %max3A = arith.constant 0.000000e+00 : f32
    %max3A_22 = vector.broadcast %max3A : f32 to vector<10000x128xf32>
    %max3A_23 = arith.maximumf %add3A_21, %max3A_22 : vector<10000x128xf32>
    %get3A_24 = arith.constant 0 : index
    %get3A_25 = arith.constant 0 : index
    %get3A_26 = vector.load %arg4[%get3A_24, %get3A_25] : memref<128x128xf32, #tpu.memory_space<vmem>>, vector<128x128xf32>
    %dot_general3A = arith.constant dense<0.000000e+00> : vector<10000x128xf32>
    %dot_general3A_27 = tpu.matmul %max3A_23, %get3A_26, %dot_general3A {dimension_numbers = #tpu.dot_dimension_numbers<[1], [0], [0], [1], [0, 0, 1, 1], [], []>, transpose_lhs_hint = false} : vector<10000x128xf32>, vector<128x128xf32>, vector<10000x128xf32> -> vector<10000x128xf32>
    %mul3A_28 = vector.broadcast %get3A_1 : vector<10000x1xf32> to vector<10000x128xf32>
    %mul3A_29 = arith.mulf %dot_general3A_27, %mul3A_28 : vector<10000x128xf32>
    %swap3A = arith.constant 0 : index
    %swap3A_30 = arith.constant 0 : index
    %swap3A_31 = vector.load %arg5[%swap3A, %swap3A_30] : memref<10000x128xf32, #tpu.memory_space<vmem>>, vector<10000x128xf32>
    tpu.vector_store %arg5[%swap3A, %swap3A_30], %mul3A_29 {strides = array<i32>} : memref<10000x128xf32, #tpu.memory_space<vmem>>, vector<10000x128xf32>,
    return
  }
}

module attributes {stable_mosaic.version = 14 : i64} {
  func.func @_tc3_body(%arg0: memref<2x10112x128xf32, #tpu.memory_space<vmem>>, %arg1: memref<10000x128xf32, #tpu.memory_space<vmem>>, %arg2: memref<10000x1xf32, #tpu.memory_space<vmem>>, %arg3: memref<1x128xf32, #tpu.memory_space<vmem>>, %arg4: memref<10000x128xf32, #tpu.memory_space<vmem>>) attributes {dimension_semantics = [], scalar_prefetch = 0 : i64, scratch_operands = 0 : i64, tpu.core_type = #tpu.core_type<tc>} {
    %get3A = arith.constant 0 : index
    %get3A_0 = arith.constant 0 : index
    %get3A_1 = arith.constant 0 : index
    %get3A_2 = vector.load %arg0[%get3A, %get3A_0, %get3A_1] : memref<2x10112x128xf32, #tpu.memory_space<vmem>>, vector<1x10000x128xf32>
    %get3A_3 = vector.shape_cast %get3A_2 : vector<1x10000x128xf32> to vector<10000x128xf32>
    %get3A_4 = arith.constant 1 : index
    %get3A_5 = arith.constant 0 : index
    %get3A_6 = arith.constant 0 : index
    %get3A_7 = vector.load %arg0[%get3A_4, %get3A_5, %get3A_6] : memref<2x10112x128xf32, #tpu.memory_space<vmem>>, vector<1x10000x128xf32>
    %get3A_8 = vector.shape_cast %get3A_7 : vector<1x10000x128xf32> to vector<10000x128xf32>
    %add3A = arith.addf %get3A_3, %get3A_8 : vector<10000x128xf32>
    %get3A_9 = arith.constant 0 : index
    %get3A_10 = arith.constant 0 : index
    %get3A_11 = vector.load %arg1[%get3A_9, %get3A_10] : memref<10000x128xf32, #tpu.memory_space<vmem>>, vector<10000x128xf32>
    %add3A_12 = arith.addf %add3A, %get3A_11 : vector<10000x128xf32>
    %get3A_13 = arith.constant 0 : index
    %get3A_14 = arith.constant 0 : index
    %get3A_15 = vector.load %arg2[%get3A_13, %get3A_14] : memref<10000x1xf32, #tpu.memory_space<vmem>>, vector<10000x1xf32>
    %mul3A = vector.broadcast %get3A_15 : vector<10000x1xf32> to vector<10000x128xf32>
    %mul3A_16 = arith.mulf %add3A_12, %mul3A : vector<10000x128xf32>
    %get3A_17 = arith.constant 0 : index
    %get3A_18 = arith.constant 0 : index
    %get3A_19 = vector.load %arg3[%get3A_17, %get3A_18] : memref<1x128xf32, #tpu.memory_space<vmem>>, vector<1x128xf32>
    %add3A_20 = vector.broadcast %get3A_19 : vector<1x128xf32> to vector<10000x128xf32>
    %add3A_21 = arith.addf %mul3A_16, %add3A_20 : vector<10000x128xf32>
    %neg3A = arith.constant 0.000000e+00 : f32
    %neg3A_22 = vector.broadcast %neg3A : f32 to vector<10000x128xf32>
    %neg3A_23 = arith.subf %neg3A_22, %add3A_21 : vector<10000x128xf32>
    %exp3A = math.exp %neg3A_23 : vector<10000x128xf32>
    %add3A_24 = arith.constant 1.000000e+00 : f32
    %add3A_25 = vector.broadcast %add3A_24 : f32 to vector<10000x128xf32>
    %add3A_26 = arith.addf %add3A_25, %exp3A : vector<10000x128xf32>
    %div3A = arith.constant 1.000000e+00 : f32
    %div3A_27 = vector.broadcast %div3A : f32 to vector<10000x128xf32>
    %div3A_28 = arith.divf %div3A_27, %add3A_26 : vector<10000x128xf32>
    %swap3A = arith.constant 0 : index
    %swap3A_29 = arith.constant 0 : index
    %swap3A_30 = vector.load %arg4[%swap3A, %swap3A_29] : memref<10000x128xf32, #tpu.memory_space<vmem>>, vector<10000x128xf32>
    tpu.vector_store %arg4[%swap3A, %swap3A_29], %div3A_28 {strides = array<i32>} : memref<10000x128xf32, #tpu.memory_space<vmem>>, vector<10000x128xf32>,
    return
  }
}

</mosaic_0001>

<sc_bundles>
// kernel: kernel.12.cloned.1.call-start
scs
__scs_entry_jumppad:
0x0: {  	(pc) =	sbr.rel $0x88, $3  }
0x1: {  	(tag) =	ssettag $0x0;
	lr =	simm.s32 $0x1  }
0x2: {  	[smem:$0x3F9B] =	sst lr;
	_ =	strace $0xD0000000  }
0x3: {  	_ = 	snop  }
0x4: {  	_ = 	snop  }
0x5: {  	_ = 	snop  }
0x6: {  	_ = 	snop  }
0x7: {  	_ = 	snop  }
__scs_overlays_trampoline_lowered:
0x8: {  	[smem:$0x3FAA] =	sst s0  }
0x9: {  	[smem:$0x3FAB] =	sst s1  }
0xa: {  	[smem:$0x3FAC] =	sst s2  }
0xb: {  	[smem:$0x3FAD] =	sst s3  }
0xc: {  	[smem:$0x3FAE] =	sst s4  }
0xd: {  	[smem:$0x3FAF] =	sst s5  }
0xe: {  	[smem:$0x3FB0] =	sst s6  }
0xf: {  	[smem:$0x3FB1] =	sst s7  }
0x10: {  	[smem:$0x3FB2] =	sst s8  }
0x11: {  	[smem:$0x3FB3] =	sst s9;
	s0 =	simm.s32 @!p0 $0x0  }
0x12: {  	s1 =	sld [smem:$0x3F99];
	s0 =	simm.s32 @p0 $0x1  }
0x13: {  	[smem:$0x3FB4] =	sst s0;
	s0 =	simm.s32 @!p1 $0x0  }
0x14: {  	s2 =	sld [smem:$0x3F98];
	s0 =	simm.s32 @p1 $0x1  }
0x15: {  	[smem:$0x3FB5] =	sst s0;
	s0 =	simm.s32 @!p2 $0x0  }
0x16: {  	s3 =	sld [smem:$0x3FDB];
	s0 =	simm.s32 @p2 $0x1  }
0x17: {  	s4 =	simm.s32 $0x1BF5;
	[smem:$0x3FB7] =	sst s0  }
0x18: {  	s0 =	sld [smem:$0x3F9A];
	_ =	swait.ge [sflag:s4], $0x0  }
0x19: {  	s7 =	sld [smem:$0x3F9B]  }
0x1a: {  	s8 =	sadd.s32 $0xFFFFE003, lr  }
0x1b: {  	s9 =	sadd.s32 $0xFFFFFEF7, lr;
	s5 =	simm.s32 $0xFFFFFFFF;
	p2 =	slt.u32 s8, $0xFFFFF086  }
0x1c: {  	p1 =	slt.u32 s9, $0xF7A;
	s5 =	simm.s32 @!p2 $0x0  }
0x1d: {  	s5 =	simm.s32 @p1 $0x1;
	p0 =	seq.s32 s7, s2  }
0x1e: {  	s7 =	smul.u32 @!p0 $0xF7A, s2;
	p2 =	seq.s32 @!p0 s5, $0x0  }
0x1f: {  	s9 =	smul.u32 $0xF7A, s1;
	s8 =	simm.s32 @!p0 $0x1BF5;
	p2 =	por !p2, p0  }
0x20: {  	[sflag:s8] =	ssyncset.s32 @!p0 $0xFFFFF086;
	s6 =	sadd.s32 @!p0 s3, s7;
	s7 =	simm.s32 @!p0 $0x108  }
0x21: {  	s3 =	sadd.s32 s3, s9;
	s6 =	sadd.s32 @!p0 $0x88, s6;
	s7 =	simm.s32 @p2 $0x1082  }
0x22: {  	[simem:s7], [sflag:s8] =	dma.local @!p0 [hbm:s6], $0xF7A  }
0x23: {  	s9 =	sor.u32 $0xD0000000, s2;
	s6 =	simm.s32 $0x108;
	_ =	swait.ge @!p0 [sflag:s8], $0x0  }
0x24: {  	s3 =	sadd.s32 $0x88, s3;
	s6 =	simm.s32 @!p1 $0x1082;
	[sflag:s4] =	ssyncset.s32 $0xFFFFF086  }
0x25: {  	[simem:s6], [sflag:s4] =	dma.local [hbm:s3], $0xF7A  }
0x26: {  	[smem:$0x3F9B] =	sst s1;
	(tag) =	ssettag s2;
	_ =	strace s9  }
0x27: {  	s1 =	sld [smem:$0x3FAB]  }
0x28: {  	s2 =	sld [smem:$0x3FAC]  }
0x29: {  	s4 =	sld [smem:$0x3FAE]  }
0x2a: {  	p0 =	seq.s32 s5, $0x0;
	s5 =	sld [smem:$0x3FAF]  }
0x2b: {  	s6 =	sld [smem:$0x3FB0]  }
0x2c: {  	s7 =	sld [smem:$0x3FB1]  }
0x2d: {  	s3 =	simm.s32 $0x108;
	s8 =	sld [smem:$0x3FB2]  }
0x2e: {  	s3 =	simm.s32 @!p0 $0x1082;
	s9 =	sld [smem:$0x3FB3]  }
0x2f: {  	lr =	sadd.s32 s0, s3;
	s0 =	sld [smem:$0x3FAA]  }
0x30: {  	s3 =	sld [smem:$0x3FAD]  }
0x31: {  	[smem:$0x3FB6] =	sst s10  }
0x32: {  	s10 =	sld [smem:$0x3FB4];
	_ =	sdelay $0x3  }
0x33: {  	p0 =	seq.s32 s10, $0x1;
	s10 =	sld [smem:$0x3FB6];
	_ =	sdelay $0x3  }
0x34: {  	[smem:$0x3FB6] =	sst s10  }
0x35: {  	s10 =	sld [smem:$0x3FB5];
	_ =	sdelay $0x3  }
0x36: {  	p1 =	seq.s32 s10, $0x1;
	s10 =	sld [smem:$0x3FB6];
	_ =	sdelay $0x3  }
0x37: {  	[smem:$0x3FB6] =	sst s10  }
0x38: {  	s10 =	sld [smem:$0x3FB7]  }
0x39: {  	_ = 	snop;
	(pc) =	sbr.ind lr, $3  }
0x3a: {  	_ = 	snop  }
0x3b: {  	_ = 	snop  }
0x3c: {  	p2 =	seq.s32 s10, $0x1;
	s10 =	sld [smem:$0x3FB6]  }
0x3d: {  	_ =	shalt  }
0x3e: {  	_ =	shalt  }
0x3f: {  	_ =	shalt  }
0x40: {  	_ =	shalt  }
0x41: {  	_ =	shalt  }
0x42: {  	_ =	shalt  }
0x43: {  	_ =	shalt  }
0x44: {  	_ =	shalt  }
0x45: {  	_ =	shalt  }
0x46: {  	_ =	shalt  }
0x47: {  	_ =	shalt  }
0x48: {  	_ =	shalt  }
0x49: {  	_ =	shalt  }
0x4a: {  	_ =	shalt  }
0x4b: {  	_ =	shalt  }
0x4c: {  	_ =	shalt  }
0x4d: {  	_ =	shalt  }
0x4e: {  	_ =	shalt  }
0x4f: {  	_ =	shalt  }
0x50: {  	_ =	shalt  }
0x51: {  	_ =	shalt  }
0x52: {  	_ =	shalt  }
0x53: {  	_ =	shalt  }
0x54: {  	_ =	shalt  }
0x55: {  	_ =	shalt  }
0x56: {  	_ =	shalt  }
0x57: {  	_ =	shalt  }
0x58: {  	_ =	shalt  }
0x59: {  	_ =	shalt  }
0x5a: {  	_ =	shalt  }
0x5b: {  	_ =	shalt  }
0x5c: {  	_ =	shalt  }
0x5d: {  	_ =	shalt  }
0x5e: {  	_ =	shalt  }
0x5f: {  	_ =	shalt  }
0x60: {  	_ =	shalt  }
0x61: {  	_ =	shalt  }
0x62: {  	_ =	shalt  }
0x63: {  	_ =	shalt  }
0x64: {  	_ =	shalt  }
0x65: {  	_ =	shalt  }
0x66: {  	_ =	shalt  }
0x67: {  	_ =	shalt  }
0x68: {  	_ =	shalt  }
0x69: {  	_ =	shalt  }
0x6a: {  	_ =	shalt  }
0x6b: {  	_ =	shalt  }
0x6c: {  	_ =	shalt  }
0x6d: {  	_ =	shalt  }
0x6e: {  	_ =	shalt  }
0x6f: {  	_ =	shalt  }
0x70: {  	_ =	shalt  }
0x71: {  	_ =	shalt  }
0x72: {  	_ =	shalt  }
0x73: {  	_ =	shalt  }
0x74: {  	_ =	shalt  }
0x75: {  	_ =	shalt  }
0x76: {  	_ =	shalt  }
0x77: {  	_ =	shalt  }
0x78: {  	_ =	shalt  }
0x79: {  	_ =	shalt  }
0x7a: {  	_ =	shalt  }
0x7b: {  	_ =	shalt  }
0x7c: {  	_ =	shalt  }
0x7d: {  	_ =	shalt  }
0x7e: {  	_ =	shalt  }
0x7f: {  	_ =	shalt  }
0x80: {  	_ =	shalt  }
0x81: {  	_ =	shalt  }
0x82: {  	_ =	shalt  }
0x83: {  	_ =	shalt  }
0x84: {  	_ =	shalt  }
0x85: {  	_ =	shalt  }
0x86: {  	_ =	shalt  }
0x87: {  	_ =	shalt  }
.Lfunc_end0:
.L_simem_size_0:
called_computation.1_lowered:
.L_overlay_start_0:
0x88: {  	s2 =	sld [smem:$0x3FD9]  }
0x89: {  	s3 =	sld [smem:$0x3FFE];
	_ =	sdelay $0x1  }
0x8a: {  	s1 =	srdreg.scid  }
0x8b: {  	s0 =	sand.u32 $0x1, s1  }
0x8c: {  	s17 =	sshll.u32 s0, $0xA;
	s2 =	sadd.s32 s3, s2  }
0x8d: {  	s2 =	sadd.s32 s2, s17  }
0x8e: {  	[smem:$0x3FC2] =	sst s2  }
0x8f: {  	_ = 	snop  }
0x90: {  	s2 =	sld [smem:$0x3FD0];
	(tm) =	ssettm $0x1  }
0x91: {  	s18 =	sld [smem:$0x3FFB];
	_ =	sdelay $0x3  }
0x92: {  	_ =	strace s18  }
0x93: {  	s3 =	sld [smem:$0x3FFC];
	_ =	sdelay $0x3  }
0x94: {  	_ =	strace s3  }
0x95: {  	s3 =	sld [smem:$0x3FFD];
	_ =	sdelay $0x3  }
0x96: {  	_ =	strace s3  }
0x97: {  	_ =	strace $0x8FFFFFFF  }
0x98: {  	s19 =	sld [smem:$0x3FDB];
	_ =	sdelay $0x1  }
0x99: {  	s4 =	simm.s32 $_scs_section_size  }
0x9a: {  	s5 =	simm.s32 $_size__tile_overlayer_lowered;
	s6 =	simm.s32 $_tile_overlayer_lowered  }
0x9b: {  	s22 =	simm.s32 $0x1BFF;
	s21 =	sshll.u32 s6, $0x1;
	s3 =	sadd.s32 s4, s19  }
0x9c: {  	s7 =	simm.s32 $0x0;
	s20 =	sshll.u32 s5, $0x1;
	s5 =	sadd.s32 s21, s3  }
0x9d: {  	[timem:s7], [sflag:s22] =	dma.local [hbm:s5], s20  }
0x9e: {  	_ =	swait.ge [sflag:s22], s20  }
0x9f: {  	s4 =	ssub.s32 $0x0, s20;
	[sflag:s22] =	ssyncset.done $0x0  }
0xa0: {  	[sflag:s22] =	ssyncadd.s32 s4;
	_ =	sdelay $0x1  }
0xa1: {  	s23 =	simm.s32 $0x1B8B  }
0xa2: {  	_ =	swait.ge [sflag:s23], $0x1  }
0xa3: {  	[sflag:s23] =	ssyncset.done $0x0  }
0xa4: {  	s25 =	simm.s32 $0x1B8E;
	s24 =	sld [smem:$0x3FFE];
	[sflag:s23] =	ssyncadd.s32 $0xFFFFFFFF  }
0xa5: {  	s26 =	simm.s32 $execute0_lowered;
	[smem:$0x3FD2] =	sst s25  }
0xa6: {  	s5 =	sshll.u32 s26, $0x1;
	_ =	strace $0x80000049;
	[dreg:$0x1] =	wrdreg $0xFFFFFFFF  }
0xa7: {  	s28 =	simm.s32 $_size_execute0_lowered;
	s3 =	sadd.s32 s3, s5;
	[dreg:$0x0] =	wrdreg $0x0  }
0xa8: {  	s5 =	sshll.u32 s28, $0x1;
	[dreg:$0x2] =	wrdreg s3  }
0xa9: {  	[dreg:$0x3] =	wrdreg s5  }
0xaa: {  	[dreg:$0x4] =	wrdreg $0xC0  }
0xab: {  	_ =	task [dreg:s7], $0x5FFFF  }
0xac: {  	[dreg:$0x1] =	wrdreg $0xFFFFFFFF  }
0xad: {  	[dreg:$0x0] =	wrdreg $0x60  }
0xae: {  	[dreg:$0x2] =	wrdreg s2  }
0xaf: {  	[dreg:$0x3] =	wrdreg s24  }
0xb0: {  	[dreg:$0x4] =	wrdreg $0x84000  }
0xb1: {  	[dreg:$0x5] =	wrdreg $0x9  }
0xb2: {  	_ =	task.clear_ibuf [dreg:s7], $0x6FFFF;
	_ =	strace $0x90000049  }
0xb3: {  	s29 =	simm.s32 $0x9;
	_ =	strace $0x8000004B  }
0xb4: {  	_ =	swait.ge [sflag:s29], $0x1  }
0xb5: {  	[sflag:s29] =	ssyncadd.s32 $0xFFFFFFFF  }
0xb6: {  	_ =	strace $0x9000004B  }
0xb7: {  	_ =	sfence  }
0xb8: {  	s30 =	sld [smem:$0x0];
	_ =	sdelay $0x2  }
0xb9: {  	s31 =	sshll.u32 s1, $0xD;
	s1 =	sshrl.u32 s1, $0x2  }
0xba: {  	s3 =	sand.u32 $0x4000, s31;
	s1 =	sadd.s32 s1, s30  }
0xbb: {  	s0 =	sor.u32 s3, s0;
	s1 =	sshll.u32 s1, $0x11  }
0xbc: {  	s0 =	sor.u32 s1, s0  }
0xbd: {  	s0 =	sadd.s32 $0x8F2B, s0  }
0xbe: {  	[sflag:s0] =	ssyncadd.remote.s32 $0x1  }
0xbf: {  	_ =	sfence.sel $0xFFFF  }
0xc0: {  	[dreg:$0x0] =	wrdreg $0xFFFFFFFF;
	(pc) =	sbr.abs _section_cstart, $3  }
0xc1: {  	[dreg:$0x1] =	wrdreg $0xFFFFFFFF  }
0xc2: {  	_ =	task.clear_ibuf [dreg:s7], $0x2FFFF;
	_ =	strace $0x9FFFFFFF  }
0xc3: {  	(tm) =	ssettm $0x7FFFFFFF  }
tec
execute0_lowered:
.L_overlay_start_1:
0x0: {  	(tag) =	ssettag $0x1  }
0x1: {  	s2 =	rddreg [dreg:$0x0]  }
0x2: {  	s0 =	rddreg [dreg:$0x1]  }
0x3: {  	s3 =	rddreg [dreg:$0x2]  }
0x4: {  	s12 =	stileid.u32;
	s1 =	srdreg.scid;
	s4 =	simm.s32 $0x0  }
0x5: {  	s15 =	simm.s32 $0x7;
	s16 =	simm.s32 $0x100;
	s17 =	simm.s32 $0x80  }
0x6: {  	s18 =	simm.s32 $0x200;
	s28 =	simm.s32 $0x8280;
	s29 =	simm.s32 $0x3  }
0x7: {  	s30 =	simm.s32 $0x8380;
	s31 =	simm.s32 $0x4;
	s5 =	smul.u32 $0x13C00, s12  }
0x8: {  	s1 =	sand.u32 $0x1, s1;
	[smem:$0x7FF] =	sst s4;
	s11 =	smul.u32 $0x4F000, s12  }
0x9: {  	s8 =	sadd.s32 $0xC400, s0;
	s23 =	sshll.u32 s12, $0x6;
	s13 =	smul.u32 $0xA00, s12  }
0xa: {  	s6 =	smul.u32 $0x13C000, s1;
	_ =	strace $0x8000004A;
	s19 =	ssub.s32 $0x2, s1  }
0xb: {  	s9 =	sshll.u32 s1, $0x4;
	s1 =	smul.u32 $0xA000, s1;
	s7 =	sshrl.u32 s5, $0x3  }
0xc: {  	s10 =	sshrl.u32 s19, $0x1;
	s9 =	sor.u32 s12, s9;
	s22 =	sshrl.u32 s11, $0x2  }
0xd: {  	s7 =	sadd.s32 s7, s0;
	s5 =	sadd.s32 s5, s6;
	s21 =	smul.u32 $0xA00, s9  }
0xe: {  	s20 =	ssub.s32 s19, s10;
	s9 =	smul.u32 $0x5000, s9;
	s14 =	sadd.s32 s22, s3  }
0xf: {  	s6 =	sor.u32 $0x1C07, s23;
	s1 =	sadd.s32 s1, s8;
	s19 =	simm.s32 $0x8200  }
0x10: {  	s22 =	simm.s32 $0x1;
	s23 =	simm.s32 $0x5;
	s5 =	sshrl.u32 s5, $0x3  }
0x11: {  	s24 =	sadd.s32 $0x20400, s7;
	s12 =	smax.u32 s20, $0x1;
	s13 =	sadd.s32 s13, s1  }
0x12: {  	s14 =	sshrl.u32 s14, $0x3;
	s20 =	simm.s32 $0x4200;
	s0 =	sadd.s32 s5, s0  }
0x13: {  	[dreg:$0x4] =	wrdreg s24;
	s7 =	sadd.s32 s8, s21;
	s9 =	sshrl.u32 s9, $0x3  }
0x14: {  	s21 =	simm.s32 $0x8300;
	s24 =	simm.s32 $0x2;
	s10 =	sadd.s32 $0x20, s7  }
0x15: {  	s25 =	sadd.s32 s8, s9;
	s26 =	sadd.s32 $0x40, s7;
	[dreg:$0x5] =	wrdreg s10  }
0x16: {  	s11 =	sadd.s32 $0x47C00, s0;
	s0 =	simm.s32 $0x0;
	[dreg:$0x6] =	wrdreg s26  }
0x17: {  	s10 =	sadd.s32 $0x9E0, s25;
	s25 =	simm.s32 $0x180;
	s26 =	simm.s32 $0x6  }
.LBB2_1:
0x18: {  	s1 =	rddreg [dreg:$0x4]  }
0x19: {  	[spmem:s14], [sflag:s6] =	dma.local [hbm:s1], $0x2780  }
0x1a: {  	_ =	swait.ge [sflag:s15], $0x2780  }
0x1b: {  	[sflag:s15] =	ssyncset.done $0x0  }
0x1c: {  	[sflag:s15] =	ssyncadd.s32 $0xFFFFD880  }
0x1d: {  	[tilespmem:s4], [sflag:$0x7] =	stream.linear.gather [hbm4b:s7+s4], $0x100, $0x38;
	[tilespmem:$0x1C000] =	vst v63  }
0x1e: {  	_ =	swait.ge [sflag:s15], $0x100  }
0x1f: {  	[sflag:s15] =	ssyncset.done $0x0  }
0x20: {  	s9 =	rddreg [dreg:$0x5];
	[sflag:s15] =	ssyncadd.s32 $0xFFFFFF00  }
0x21: {  	[tilespmem:s16], [sflag:$0x7] =	stream.linear.gather [hbm4b:s9+s4], $0x100, $0x38;
	[tilespmem:$0x1C000] =	vst v63  }
0x22: {  	_ =	swait.ge [sflag:s15], $0x100  }
0x23: {  	[sflag:s15] =	ssyncset.done $0x0  }
0x24: {  	[sflag:s15] =	ssyncadd.s32 $0xFFFFFF00  }
0x25: {  	[bflag:$0x0] =	sbarrier.arrive $0xFFFF  }
0x26: {  	[tilespmem:s18], [sflag:$0x1] =	stream.indirect.gather [hbm4b:s2+s17], $0x80, s4, s17, $0xb8;
	[tilespmem:$0x1C000] =	vst v63  }
0x27: {  	s5 =	rddreg [dreg:$0x6]  }
0x28: {  	[tilespmem:s19], [sflag:$0x5] =	stream.linear.gather [hbm4b:s5+s4], $0x100, $0x38;
	[tilespmem:$0x1C000] =	vst v63  }
0x29: {  	s1 =	sadd.s32 $0x0, s13  }
0x2a: {  	[tilespmem:s20], [sflag:$0x2] =	stream.indirect.gather [hbm4b:s2+s17], $0x80, s16, s17, $0xb8;
	[tilespmem:$0x1C000] =	vst v63  }
0x2b: {  	s5 =	sadd.s32 $0x60, s1  }
0x2c: {  	[tilespmem:s21], [sflag:$0x6] =	stream.linear.gather [hbm4b:s5+s4], $0x100, $0x38;
	[tilespmem:$0x1C000] =	vst v63  }
0x2d: {  	_ =	swait.ge [sflag:s22], $0x4000  }
0x2e: {  	[sflag:s22] =	ssyncset.done $0x0  }
0x2f: {  	[sflag:s22] =	ssyncadd.s32 $0xFFFFC000  }
0x30: {  	[spmem:s3] =	stream.indirect.scatter.add.f32 [tilespmem:s18], [sflag:$0x7], $0x80, s17, s17, $0xb8;
	[tilespmem:$0x1C000] =	vst v63  }
0x31: {  	_ =	swait.ge [sflag:s15], $0x4000  }
0x32: {  	[sflag:s15] =	ssyncset.done $0x0  }
0x33: {  	[sflag:s15] =	ssyncadd.s32 $0xFFFFC000  }
0x34: {  	_ =	swait.ge [sflag:s23], $0x100  }
0x35: {  	[sflag:s23] =	ssyncset.done $0x0  }
0x36: {  	[sflag:s23] =	ssyncadd.s32 $0xFFFFFF00  }
0x37: {  	[tilespmem:s18], [sflag:$0x1] =	stream.indirect.gather [hbm4b:s2+s17], $0x80, s19, s17, $0xb8;
	[tilespmem:$0x1C000] =	vst v63  }
0x38: {  	s8 =	sadd.s32 $0x80, s1  }
0x39: {  	[tilespmem:s4], [sflag:$0x3] =	stream.linear.gather [hbm4b:s8+s4], $0x100, $0x38;
	[tilespmem:$0x1C000] =	vst v63  }
0x3a: {  	_ =	swait.ge [sflag:s24], $0x4000  }
0x3b: {  	[sflag:s24] =	ssyncset.done $0x0  }
0x3c: {  	[sflag:s24] =	ssyncadd.s32 $0xFFFFC000  }
0x3d: {  	[spmem:s3] =	stream.indirect.scatter.add.f32 [tilespmem:s20], [sflag:$0x7], $0x80, s25, s17, $0xb8;
	[tilespmem:$0x1C000] =	vst v63  }
0x3e: {  	_ =	swait.ge [sflag:s15], $0x4000  }
0x3f: {  	[sflag:s15] =	ssyncset.done $0x0  }
0x40: {  	[sflag:s15] =	ssyncadd.s32 $0xFFFFC000  }
0x41: {  	_ =	swait.ge [sflag:s26], $0x100  }
0x42: {  	[sflag:s26] =	ssyncset.done $0x0  }
0x43: {  	[sflag:s26] =	ssyncadd.s32 $0xFFFFFF00  }
0x44: {  	[tilespmem:s20], [sflag:$0x2] =	stream.indirect.gather [hbm4b:s2+s17], $0x80, s21, s17, $0xb8;
	[tilespmem:$0x1C000] =	vst v63  }
0x45: {  	s9 =	sadd.s32 $0xA0, s1  }
0x46: {  	[tilespmem:s16], [sflag:$0x4] =	stream.linear.gather [hbm4b:s9+s4], $0x100, $0x38;
	[tilespmem:$0x1C000] =	vst v63  }
0x47: {  	_ =	swait.ge [sflag:s22], $0x4000  }
0x48: {  	[sflag:s22] =	ssyncset.done $0x0  }
0x49: {  	[sflag:s22] =	ssyncadd.s32 $0xFFFFC000  }
0x4a: {  	[spmem:s3] =	stream.indirect.scatter.add.f32 [tilespmem:s18], [sflag:$0x7], $0x80, s28, s17, $0xb8;
	[tilespmem:$0x1C000] =	vst v63  }
0x4b: {  	_ =	swait.ge [sflag:s15], $0x4000  }
0x4c: {  	[sflag:s15] =	ssyncset.done $0x0  }
0x4d: {  	[sflag:s15] =	ssyncadd.s32 $0xFFFFC000  }
0x4e: {  	_ =	swait.ge [sflag:s29], $0x100  }
0x4f: {  	[sflag:s29] =	ssyncset.done $0x0  }
0x50: {  	[sflag:s29] =	ssyncadd.s32 $0xFFFFFF00  }
0x51: {  	[tilespmem:s18], [sflag:$0x1] =	stream.indirect.gather [hbm4b:s2+s17], $0x80, s4, s17, $0xb8;
	[tilespmem:$0x1C000] =	vst v63  }
0x52: {  	s1 =	sadd.s32 $0xC0, s1  }
0x53: {  	[tilespmem:s19], [sflag:$0x5] =	stream.linear.gather [hbm4b:s1+s4], $0x100, $0x38;
	[tilespmem:$0x1C000] =	vst v63  }
0x54: {  	_ =	swait.ge [sflag:s24], $0x4000  }
0x55: {  	[sflag:s24] =	ssyncset.done $0x0  }
0x56: {  	[sflag:s24] =	ssyncadd.s32 $0xFFFFC000  }
0x57: {  	[spmem:s3] =	stream.indirect.scatter.add.f32 [tilespmem:s20], [sflag:$0x7], $0x80, s30, s17, $0xb8;
	[tilespmem:$0x1C000] =	vst v63  }
0x58: {  	_ =	swait.ge [sflag:s15], $0x4000  }
0x59: {  	[sflag:s15] =	ssyncset.done $0x0  }
0x5a: {  	[sflag:s15] =	ssyncadd.s32 $0xFFFFC000  }
0x5b: {  	_ =	swait.ge [sflag:s31], $0x100  }
0x5c: {  	s1 =	simm.s32 $0x80;
	[sflag:s31] =	ssyncset.done $0x0  }
.LBB2_2:
0x5d: {  	s8 =	smov.u32 s1  }
0x5e: {  	s5 =	sadd.s32 s1, s13;
	[sflag:s31] =	ssyncadd.s32 $0xFFFFFF00;
	s8 =	sadd.s32 $0x80, s1  }
0x5f: {  	[tilespmem:s20], [sflag:$0x2] =	stream.indirect.gather [hbm4b:s2+s17], $0x80, s16, s17, $0xb8;
	[tilespmem:$0x1C000] =	vst v63  }
0x60: {  	p0 =	sne.s32 s1, $0x900;
	s9 =	sadd.s32 $0x60, s5  }
0x61: {  	[tilespmem:s21], [sflag:$0x6] =	stream.linear.gather [hbm4b:s9+s4], $0x100, $0x38;
	[tilespmem:$0x1C000] =	vst v63  }
0x62: {  	_ =	swait.ge [sflag:s22], $0x4000  }
0x63: {  	[sflag:s22] =	ssyncset.done $0x0  }
0x64: {  	[sflag:s22] =	ssyncadd.s32 $0xFFFFC000  }
0x65: {  	[spmem:s3] =	stream.indirect.scatter.add.f32 [tilespmem:s18], [sflag:$0x7], $0x80, s17, s17, $0xb8;
	[tilespmem:$0x1C000] =	vst v63  }
0x66: {  	_ =	swait.ge [sflag:s15], $0x4000  }
0x67: {  	[sflag:s15] =	ssyncset.done $0x0  }
0x68: {  	[sflag:s15] =	ssyncadd.s32 $0xFFFFC000  }
0x69: {  	_ =	swait.ge [sflag:s23], $0x100  }
0x6a: {  	[sflag:s23] =	ssyncset.done $0x0  }
0x6b: {  	[sflag:s23] =	ssyncadd.s32 $0xFFFFFF00  }
0x6c: {  	[tilespmem:s18], [sflag:$0x1] =	stream.indirect.gather [hbm4b:s2+s17], $0x80, s19, s17, $0xb8;
	[tilespmem:$0x1C000] =	vst v63  }
0x6d: {  	s1 =	sadd.s32 $0x80, s5  }
0x6e: {  	[tilespmem:s4], [sflag:$0x3] =	stream.linear.gather [hbm4b:s1+s4], $0x100, $0x38;
	[tilespmem:$0x1C000] =	vst v63  }
0x6f: {  	_ =	swait.ge [sflag:s24], $0x4000  }
0x70: {  	[sflag:s24] =	ssyncset.done $0x0  }
0x71: {  	[sflag:s24] =	ssyncadd.s32 $0xFFFFC000  }
0x72: {  	[spmem:s3] =	stream.indirect.scatter.add.f32 [tilespmem:s20], [sflag:$0x7], $0x80, s25, s17, $0xb8;
	[tilespmem:$0x1C000] =	vst v63  }
0x73: {  	_ =	swait.ge [sflag:s15], $0x4000  }
0x74: {  	[sflag:s15] =	ssyncset.done $0x0  }
0x75: {  	[sflag:s15] =	ssyncadd.s32 $0xFFFFC000  }
0x76: {  	_ =	swait.ge [sflag:s26], $0x100  }
0x77: {  	[sflag:s26] =	ssyncset.done $0x0  }
0x78: {  	[sflag:s26] =	ssyncadd.s32 $0xFFFFFF00  }
0x79: {  	[tilespmem:s20], [sflag:$0x2] =	stream.indirect.gather [hbm4b:s2+s17], $0x80, s21, s17, $0xb8;
	[tilespmem:$0x1C000] =	vst v63  }
0x7a: {  	s1 =	sadd.s32 $0xA0, s5  }
0x7b: {  	[tilespmem:s16], [sflag:$0x4] =	stream.linear.gather [hbm4b:s1+s4], $0x100, $0x38;
	[tilespmem:$0x1C000] =	vst v63  }
0x7c: {  	_ =	swait.ge [sflag:s22], $0x4000  }
0x7d: {  	[sflag:s22] =	ssyncset.done $0x0  }
0x7e: {  	[sflag:s22] =	ssyncadd.s32 $0xFFFFC000  }
0x7f: {  	[spmem:s3] =	stream.indirect.scatter.add.f32 [tilespmem:s18], [sflag:$0x7], $0x80, s28, s17, $0xb8;
	[tilespmem:$0x1C000] =	vst v63  }
0x80: {  	_ =	swait.ge [sflag:s15], $0x4000  }
0x81: {  	[sflag:s15] =	ssyncset.done $0x0  }
0x82: {  	[sflag:s15] =	ssyncadd.s32 $0xFFFFC000  }
0x83: {  	_ =	swait.ge [sflag:s29], $0x100  }
0x84: {  	[sflag:s29] =	ssyncset.done $0x0  }
0x85: {  	[sflag:s29] =	ssyncadd.s32 $0xFFFFFF00  }
0x86: {  	[tilespmem:s18], [sflag:$0x1] =	stream.indirect.gather [hbm4b:s2+s17], $0x80, s4, s17, $0xb8;
	[tilespmem:$0x1C000] =	vst v63  }
0x87: {  	s1 =	sadd.s32 $0xC0, s5  }
0x88: {  	[tilespmem:s19], [sflag:$0x5] =	stream.linear.gather [hbm4b:s1+s4], $0x100, $0x38;
	[tilespmem:$0x1C000] =	vst v63  }
0x89: {  	_ =	swait.ge [sflag:s24], $0x4000  }
0x8a: {  	[sflag:s24] =	ssyncset.done $0x0  }
0x8b: {  	[sflag:s24] =	ssyncadd.s32 $0xFFFFC000  }
0x8c: {  	[spmem:s3] =	stream.indirect.scatter.add.f32 [tilespmem:s20], [sflag:$0x7], $0x80, s30, s17, $0xb8;
	[tilespmem:$0x1C000] =	vst v63  }
.Ltmp0:
0x8d: {  	_ =	swait.ge [sflag:s15], $0x4000;
	(pc) =	sbr.rel @p0 .LBB2_2-.Ltmp0, $4  }
0x8e: {  	[sflag:s15] =	ssyncset.done $0x0  }
0x8f: {  	[sflag:s15] =	ssyncadd.s32 $0xFFFFC000  }
0x90: {  	_ =	swait.ge [sflag:s31], $0x100  }
0x91: {  	s1 =	smov.u32 s8;
	[sflag:s31] =	ssyncset.done $0x0  }
0x92: {  	[sflag:s31] =	ssyncadd.s32 $0xFFFFFF00  }
0x93: {  	[tilespmem:s20], [sflag:$0x2] =	stream.indirect.gather [hbm4b:s2+s17], $0x80, s16, s17, $0xb8;
	[tilespmem:$0x1C000] =	vst v63  }
0x94: {  	_ =	swait.ge [sflag:s22], $0x4000  }
0x95: {  	[sflag:s22] =	ssyncset.done $0x0  }
0x96: {  	[sflag:s22] =	ssyncadd.s32 $0xFFFFC000  }
0x97: {  	[spmem:s3] =	stream.indirect.scatter.add.f32 [tilespmem:s18], [sflag:$0x7], $0x80, s17, s17, $0xb8;
	[tilespmem:$0x1C000] =	vst v63  }
0x98: {  	_ =	swait.ge [sflag:s15], $0x4000  }
0x99: {  	[sflag:s15] =	ssyncset.done $0x0  }
0x9a: {  	[sflag:s15] =	ssyncadd.s32 $0xFFFFC000  }
0x9b: {  	_ =	swait.ge [sflag:s23], $0x100  }
0x9c: {  	[sflag:s23] =	ssyncset.done $0x0  }
0x9d: {  	[sflag:s23] =	ssyncadd.s32 $0xFFFFFF00  }
0x9e: {  	[tilespmem:s18], [sflag:$0x1] =	stream.indirect.gather [hbm4b:s2+s17], $0x80, s19, s17, $0xb8;
	[tilespmem:$0x1C000] =	vst v63  }
0x9f: {  	_ =	swait.ge [sflag:s24], $0x4000  }
0xa0: {  	[sflag:s24] =	ssyncset.done $0x0  }
0xa1: {  	[sflag:s24] =	ssyncadd.s32 $0xFFFFC000  }
0xa2: {  	[spmem:s3] =	stream.indirect.scatter.add.f32 [tilespmem:s20], [sflag:$0x7], $0x80, s25, s17, $0xb8;
	[tilespmem:$0x1C000] =	vst v63  }
0xa3: {  	_ =	swait.ge [sflag:s15], $0x4000  }
0xa4: {  	[sflag:s15] =	ssyncset.done $0x0  }
0xa5: {  	[sflag:s15] =	ssyncadd.s32 $0xFFFFC000  }
0xa6: {  	[tilespmem:s21], [sflag:$0x7] =	stream.linear.gather [hbm4b:s10+s4], $0x100, $0x38;
	[tilespmem:$0x1C000] =	vst v63  }
0xa7: {  	_ =	swait.ge [sflag:s15], $0x100  }
0xa8: {  	[sflag:s15] =	ssyncset.done $0x0  }
0xa9: {  	[sflag:s15] =	ssyncadd.s32 $0xFFFFFF00  }
0xaa: {  	[tilespmem:s20], [sflag:$0x2] =	stream.indirect.gather [hbm4b:s2+s17], $0x80, s21, s17, $0xb8;
	[tilespmem:$0x1C000] =	vst v63  }
0xab: {  	_ =	swait.ge [sflag:s22], $0x4000  }
0xac: {  	[sflag:s22] =	ssyncset.done $0x0  }
0xad: {  	[sflag:s22] =	ssyncadd.s32 $0xFFFFC000  }
0xae: {  	[spmem:s3] =	stream.indirect.scatter.add.f32 [tilespmem:s18], [sflag:$0x7], $0x80, s28, s17, $0xb8;
	[tilespmem:$0x1C000] =	vst v63  }
0xaf: {  	_ =	swait.ge [sflag:s15], $0x4000  }
0xb0: {  	[sflag:s15] =	ssyncset.done $0x0  }
0xb1: {  	[sflag:s15] =	ssyncadd.s32 $0xFFFFC000  }
0xb2: {  	_ =	swait.ge [sflag:s24], $0x4000  }
0xb3: {  	[sflag:s24] =	ssyncset.done $0x0  }
0xb4: {  	[sflag:s24] =	ssyncadd.s32 $0xFFFFC000  }
0xb5: {  	[spmem:s3] =	stream.indirect.scatter.add.f32 [tilespmem:s20], [sflag:$0x7], $0x80, s30, s17, $0xb8;
	[tilespmem:$0x1C000] =	vst v63  }
0xb6: {  	_ =	swait.ge [sflag:s15], $0x4000  }
0xb7: {  	s0 =	sadd.s32 $0x1, s0;
	[sflag:s15] =	ssyncset.done $0x0  }
0xb8: {  	p0 =	sne.s32 s0, s12;
	[sflag:s15] =	ssyncadd.s32 $0xFFFFC000  }
.Ltmp1:
0xb9: {  	[bflag:$0x0] =	sbarrier.arrive $0xFFFF;
	(pc) =	sbr.rel @p0 .LBB2_1-.Ltmp1, $4  }
0xba: {  	[hbm:s11], [sflag:s6] =	dma.local [spmem:s14], $0x2780  }
0xbb: {  	_ =	swait.ge [sflag:s15], $0x2780  }
0xbc: {  	[sflag:s15] =	ssyncset.done $0x0  }
0xbd: {  	[sflag:s15] =	ssyncadd.s32 $0xFFFFD880  }
0xbe: {  	_ =	sfence.sel $0x180000  }
0xbf: {  	[bflag:$0x0] =	sbarrier.arrive $0xFFFF  }
0xc0: {  	_ =	strace $0x9000004A  }
0xc1: {  	s0 =	stileid.u32;
	[bflag:$0x2] =	sbarrier.arrive $0xFFFF  }
0xc2: {  	p0 =	sne.s32 s0, $0x0;
	s0 =	rddreg [dreg:$0x3]  }
0xc3: {  	s0 =	sadd.s32 @!p0 $0x100000, s0  }
0xc4: {  	[sflag:s0] =	ssyncadd.tile.s32 @!p0 $0x1;
	_ =	shalt  }
.Lfunc_end2:
_tile_overlayer_lowered:
.L_overlay_start_2:
0xc5: {  	(tag) =	ssettag $0x2  }
0xc6: {  	s0 =	rddreg [dreg:$0x0];
	s2 =	stileid.u32  }
0xc7: {  	s1 =	rddreg [dreg:$0x1];
	p0 =	sne.s32 s2, $0x0  }
0xc8: {  	s3 =	rddreg [dreg:$0x2];
	[bflag:$0x3] =	sbarrier.arrive $0xFFFF;
	s2 =	simm.s32 @!p0 $0x1C07  }
0xc9: {  	[timem:s3], [sflag:s2] =	dma.local @!p0 [hbm:s0], s1  }
0xca: {  	s0 =	simm.s32 @!p0 $0x7  }
0xcb: {  	_ =	swait.ge @!p0 [sflag:s0], s1  }
0xcc: {  	s1 =	ssub.s32 @!p0 $0x0, s1;
	[sflag:s0] =	ssyncset.done @!p0 $0x0  }
0xcd: {  	[sflag:s0] =	ssyncadd.s32 @!p0 s1  }
0xce: {  	[bflag:$0x3] =	sbarrier.arrive $0xFFFF  }
0xcf: {  	_ =	shalt  }

// kernel: kernel.15.cloned.1.call-start
scs
__scs_entry_jumppad:
0x0: {  	(pc) =	sbr.rel $0x88, $3  }
0x1: {  	(tag) =	ssettag $0x0;
	lr =	simm.s32 $0x1  }
0x2: {  	[smem:$0x3F9B] =	sst lr;
	_ =	strace $0xD0000000  }
0x3: {  	_ = 	snop  }
0x4: {  	_ = 	snop  }
0x5: {  	_ = 	snop  }
0x6: {  	_ = 	snop  }
0x7: {  	_ = 	snop  }
__scs_overlays_trampoline_lowered:
0x8: {  	[smem:$0x3FAA] =	sst s0  }
0x9: {  	[smem:$0x3FAB] =	sst s1  }
0xa: {  	[smem:$0x3FAC] =	sst s2  }
0xb: {  	[smem:$0x3FAD] =	sst s3  }
0xc: {  	[smem:$0x3FAE] =	sst s4  }
0xd: {  	[smem:$0x3FAF] =	sst s5  }
0xe: {  	[smem:$0x3FB0] =	sst s6  }
0xf: {  	[smem:$0x3FB1] =	sst s7  }
0x10: {  	[smem:$0x3FB2] =	sst s8  }
0x11: {  	[smem:$0x3FB3] =	sst s9;
	s0 =	simm.s32 @!p0 $0x0  }
0x12: {  	s1 =	sld [smem:$0x3F99];
	s0 =	simm.s32 @p0 $0x1  }
0x13: {  	[smem:$0x3FB4] =	sst s0;
	s0 =	simm.s32 @!p1 $0x0  }
0x14: {  	s2 =	sld [smem:$0x3F98];
	s0 =	simm.s32 @p1 $0x1  }
0x15: {  	[smem:$0x3FB5] =	sst s0;
	s0 =	simm.s32 @!p2 $0x0  }
0x16: {  	s3 =	sld [smem:$0x3FDB];
	s0 =	simm.s32 @p2 $0x1  }
0x17: {  	s4 =	simm.s32 $0x1BF5;
	[smem:$0x3FB7] =	sst s0  }
0x18: {  	s0 =	sld [smem:$0x3F9A];
	_ =	swait.ge [sflag:s4], $0x0  }
0x19: {  	s7 =	sld [smem:$0x3F9B]  }
0x1a: {  	s8 =	sadd.s32 $0xFFFFE003, lr  }
0x1b: {  	s9 =	sadd.s32 $0xFFFFFEF7, lr;
	s5 =	simm.s32 $0xFFFFFFFF;
	p2 =	slt.u32 s8, $0xFFFFF086  }
0x1c: {  	p1 =	slt.u32 s9, $0xF7A;
	s5 =	simm.s32 @!p2 $0x0  }
0x1d: {  	s5 =	simm.s32 @p1 $0x1;
	p0 =	seq.s32 s7, s2  }
0x1e: {  	s7 =	smul.u32 @!p0 $0xF7A, s2;
	p2 =	seq.s32 @!p0 s5, $0x0  }
0x1f: {  	s9 =	smul.u32 $0xF7A, s1;
	s8 =	simm.s32 @!p0 $0x1BF5;
	p2 =	por !p2, p0  }
0x20: {  	[sflag:s8] =	ssyncset.s32 @!p0 $0xFFFFF086;
	s6 =	sadd.s32 @!p0 s3, s7;
	s7 =	simm.s32 @!p0 $0x108  }
0x21: {  	s3 =	sadd.s32 s3, s9;
	s6 =	sadd.s32 @!p0 $0x88, s6;
	s7 =	simm.s32 @p2 $0x1082  }
0x22: {  	[simem:s7], [sflag:s8] =	dma.local @!p0 [hbm:s6], $0xF7A  }
0x23: {  	s9 =	sor.u32 $0xD0000000, s2;
	s6 =	simm.s32 $0x108;
	_ =	swait.ge @!p0 [sflag:s8], $0x0  }
0x24: {  	s3 =	sadd.s32 $0x88, s3;
	s6 =	simm.s32 @!p1 $0x1082;
	[sflag:s4] =	ssyncset.s32 $0xFFFFF086  }
0x25: {  	[simem:s6], [sflag:s4] =	dma.local [hbm:s3], $0xF7A  }
0x26: {  	[smem:$0x3F9B] =	sst s1;
	(tag) =	ssettag s2;
	_ =	strace s9  }
0x27: {  	s1 =	sld [smem:$0x3FAB]  }
0x28: {  	s2 =	sld [smem:$0x3FAC]  }
0x29: {  	s4 =	sld [smem:$0x3FAE]  }
0x2a: {  	p0 =	seq.s32 s5, $0x0;
	s5 =	sld [smem:$0x3FAF]  }
0x2b: {  	s6 =	sld [smem:$0x3FB0]  }
0x2c: {  	s7 =	sld [smem:$0x3FB1]  }
0x2d: {  	s3 =	simm.s32 $0x108;
	s8 =	sld [smem:$0x3FB2]  }
0x2e: {  	s3 =	simm.s32 @!p0 $0x1082;
	s9 =	sld [smem:$0x3FB3]  }
0x2f: {  	lr =	sadd.s32 s0, s3;
	s0 =	sld [smem:$0x3FAA]  }
0x30: {  	s3 =	sld [smem:$0x3FAD]  }
0x31: {  	[smem:$0x3FB6] =	sst s10  }
0x32: {  	s10 =	sld [smem:$0x3FB4];
	_ =	sdelay $0x3  }
0x33: {  	p0 =	seq.s32 s10, $0x1;
	s10 =	sld [smem:$0x3FB6];
	_ =	sdelay $0x3  }
0x34: {  	[smem:$0x3FB6] =	sst s10  }
0x35: {  	s10 =	sld [smem:$0x3FB5];
	_ =	sdelay $0x3  }
0x36: {  	p1 =	seq.s32 s10, $0x1;
	s10 =	sld [smem:$0x3FB6];
	_ =	sdelay $0x3  }
0x37: {  	[smem:$0x3FB6] =	sst s10  }
0x38: {  	s10 =	sld [smem:$0x3FB7]  }
0x39: {  	_ = 	snop;
	(pc) =	sbr.ind lr, $3  }
0x3a: {  	_ = 	snop  }
0x3b: {  	_ = 	snop  }
0x3c: {  	p2 =	seq.s32 s10, $0x1;
	s10 =	sld [smem:$0x3FB6]  }
0x3d: {  	_ =	shalt  }
0x3e: {  	_ =	shalt  }
0x3f: {  	_ =	shalt  }
0x40: {  	_ =	shalt  }
0x41: {  	_ =	shalt  }
0x42: {  	_ =	shalt  }
0x43: {  	_ =	shalt  }
0x44: {  	_ =	shalt  }
0x45: {  	_ =	shalt  }
0x46: {  	_ =	shalt  }
0x47: {  	_ =	shalt  }
0x48: {  	_ =	shalt  }
0x49: {  	_ =	shalt  }
0x4a: {  	_ =	shalt  }
0x4b: {  	_ =	shalt  }
0x4c: {  	_ =	shalt  }
0x4d: {  	_ =	shalt  }
0x4e: {  	_ =	shalt  }
0x4f: {  	_ =	shalt  }
0x50: {  	_ =	shalt  }
0x51: {  	_ =	shalt  }
0x52: {  	_ =	shalt  }
0x53: {  	_ =	shalt  }
0x54: {  	_ =	shalt  }
0x55: {  	_ =	shalt  }
0x56: {  	_ =	shalt  }
0x57: {  	_ =	shalt  }
0x58: {  	_ =	shalt  }
0x59: {  	_ =	shalt  }
0x5a: {  	_ =	shalt  }
0x5b: {  	_ =	shalt  }
0x5c: {  	_ =	shalt  }
0x5d: {  	_ =	shalt  }
0x5e: {  	_ =	shalt  }
0x5f: {  	_ =	shalt  }
0x60: {  	_ =	shalt  }
0x61: {  	_ =	shalt  }
0x62: {  	_ =	shalt  }
0x63: {  	_ =	shalt  }
0x64: {  	_ =	shalt  }
0x65: {  	_ =	shalt  }
0x66: {  	_ =	shalt  }
0x67: {  	_ =	shalt  }
0x68: {  	_ =	shalt  }
0x69: {  	_ =	shalt  }
0x6a: {  	_ =	shalt  }
0x6b: {  	_ =	shalt  }
0x6c: {  	_ =	shalt  }
0x6d: {  	_ =	shalt  }
0x6e: {  	_ =	shalt  }
0x6f: {  	_ =	shalt  }
0x70: {  	_ =	shalt  }
0x71: {  	_ =	shalt  }
0x72: {  	_ =	shalt  }
0x73: {  	_ =	shalt  }
0x74: {  	_ =	shalt  }
0x75: {  	_ =	shalt  }
0x76: {  	_ =	shalt  }
0x77: {  	_ =	shalt  }
0x78: {  	_ =	shalt  }
0x79: {  	_ =	shalt  }
0x7a: {  	_ =	shalt  }
0x7b: {  	_ =	shalt  }
0x7c: {  	_ =	shalt  }
0x7d: {  	_ =	shalt  }
0x7e: {  	_ =	shalt  }
0x7f: {  	_ =	shalt  }
0x80: {  	_ =	shalt  }
0x81: {  	_ =	shalt  }
0x82: {  	_ =	shalt  }
0x83: {  	_ =	shalt  }
0x84: {  	_ =	shalt  }
0x85: {  	_ =	shalt  }
0x86: {  	_ =	shalt  }
0x87: {  	_ =	shalt  }
.Lfunc_end0:
.L_simem_size_0:
called_computation.2_lowered:
.L_overlay_start_0:
0x88: {  	s2 =	sld [smem:$0x3FD9]  }
0x89: {  	s3 =	sld [smem:$0x3FFE];
	_ =	sdelay $0x1  }
0x8a: {  	s1 =	srdreg.scid  }
0x8b: {  	s0 =	sand.u32 $0x1, s1  }
0x8c: {  	s17 =	sshll.u32 s0, $0xA;
	s2 =	sadd.s32 s3, s2  }
0x8d: {  	s2 =	sadd.s32 s2, s17  }
0x8e: {  	[smem:$0x3FC2] =	sst s2  }
0x8f: {  	_ = 	snop  }
0x90: {  	s2 =	sld [smem:$0x3FD0];
	(tm) =	ssettm $0x1  }
0x91: {  	s18 =	sld [smem:$0x3FFB];
	_ =	sdelay $0x3  }
0x92: {  	_ =	strace s18  }
0x93: {  	s3 =	sld [smem:$0x3FFC];
	_ =	sdelay $0x3  }
0x94: {  	_ =	strace s3  }
0x95: {  	s3 =	sld [smem:$0x3FFD];
	_ =	sdelay $0x3  }
0x96: {  	_ =	strace s3  }
0x97: {  	_ =	strace $0x8FFFFFFF  }
0x98: {  	s19 =	sld [smem:$0x3FDB];
	_ =	sdelay $0x1  }
0x99: {  	s4 =	simm.s32 $_scs_section_size  }
0x9a: {  	s5 =	simm.s32 $_size__tile_overlayer_lowered;
	s6 =	simm.s32 $_tile_overlayer_lowered  }
0x9b: {  	s22 =	simm.s32 $0x1BFF;
	s21 =	sshll.u32 s6, $0x1;
	s3 =	sadd.s32 s4, s19  }
0x9c: {  	s7 =	simm.s32 $0x0;
	s20 =	sshll.u32 s5, $0x1;
	s5 =	sadd.s32 s21, s3  }
0x9d: {  	[timem:s7], [sflag:s22] =	dma.local [hbm:s5], s20  }
0x9e: {  	_ =	swait.ge [sflag:s22], s20  }
0x9f: {  	s4 =	ssub.s32 $0x0, s20;
	[sflag:s22] =	ssyncset.done $0x0  }
0xa0: {  	[sflag:s22] =	ssyncadd.s32 s4;
	_ =	sdelay $0x1  }
0xa1: {  	s23 =	simm.s32 $0x1B8B  }
0xa2: {  	_ =	swait.ge [sflag:s23], $0x1  }
0xa3: {  	[sflag:s23] =	ssyncset.done $0x0  }
0xa4: {  	s25 =	simm.s32 $0x1B8E;
	s24 =	sld [smem:$0x3FFE];
	[sflag:s23] =	ssyncadd.s32 $0xFFFFFFFF  }
0xa5: {  	s26 =	simm.s32 $execute0_lowered;
	[smem:$0x3FD2] =	sst s25  }
0xa6: {  	s5 =	sshll.u32 s26, $0x1;
	_ =	strace $0x8000004C;
	[dreg:$0x1] =	wrdreg $0xFFFFFFFF  }
0xa7: {  	s28 =	simm.s32 $_size_execute0_lowered;
	s3 =	sadd.s32 s3, s5;
	[dreg:$0x0] =	wrdreg $0x0  }
0xa8: {  	s5 =	sshll.u32 s28, $0x1;
	[dreg:$0x2] =	wrdreg s3  }
0xa9: {  	[dreg:$0x3] =	wrdreg s5  }
0xaa: {  	[dreg:$0x4] =	wrdreg $0xC0  }
0xab: {  	_ =	task [dreg:s7], $0x5FFFF  }
0xac: {  	[dreg:$0x1] =	wrdreg $0xFFFFFFFF  }
0xad: {  	[dreg:$0x0] =	wrdreg $0x60  }
0xae: {  	[dreg:$0x2] =	wrdreg s2  }
0xaf: {  	[dreg:$0x3] =	wrdreg s24  }
0xb0: {  	[dreg:$0x4] =	wrdreg $0x84000  }
0xb1: {  	[dreg:$0x5] =	wrdreg $0x9  }
0xb2: {  	_ =	task.clear_ibuf [dreg:s7], $0x6FFFF;
	_ =	strace $0x9000004C  }
0xb3: {  	s29 =	simm.s32 $0x9;
	_ =	strace $0x8000004E  }
0xb4: {  	_ =	swait.ge [sflag:s29], $0x1  }
0xb5: {  	[sflag:s29] =	ssyncadd.s32 $0xFFFFFFFF  }
0xb6: {  	_ =	strace $0x9000004E  }
0xb7: {  	_ =	sfence  }
0xb8: {  	s30 =	sld [smem:$0x0];
	_ =	sdelay $0x2  }
0xb9: {  	s31 =	sshll.u32 s1, $0xD;
	s1 =	sshrl.u32 s1, $0x2  }
0xba: {  	s3 =	sand.u32 $0x4000, s31;
	s1 =	sadd.s32 s1, s30  }
0xbb: {  	s0 =	sor.u32 s3, s0;
	s1 =	sshll.u32 s1, $0x11  }
0xbc: {  	s0 =	sor.u32 s1, s0  }
0xbd: {  	s0 =	sadd.s32 $0x8F2B, s0  }
0xbe: {  	[sflag:s0] =	ssyncadd.remote.s32 $0x1  }
0xbf: {  	_ =	sfence.sel $0xFFFF  }
0xc0: {  	[dreg:$0x0] =	wrdreg $0xFFFFFFFF;
	(pc) =	sbr.abs _section_cstart, $3  }
0xc1: {  	[dreg:$0x1] =	wrdreg $0xFFFFFFFF  }
0xc2: {  	_ =	task.clear_ibuf [dreg:s7], $0x2FFFF;
	_ =	strace $0x9FFFFFFF  }
0xc3: {  	(tm) =	ssettm $0x7FFFFFFF  }
tec
execute0_lowered:
.L_overlay_start_1:
0x0: {  	(tag) =	ssettag $0x1  }
0x1: {  	s2 =	rddreg [dreg:$0x0]  }
0x2: {  	s0 =	rddreg [dreg:$0x1]  }
0x3: {  	s3 =	rddreg [dreg:$0x2]  }
0x4: {  	s12 =	stileid.u32;
	s1 =	srdreg.scid;
	s4 =	simm.s32 $0x0  }
0x5: {  	s15 =	simm.s32 $0x7;
	s16 =	simm.s32 $0x100;
	s17 =	simm.s32 $0x80  }
0x6: {  	s18 =	simm.s32 $0x200;
	s28 =	simm.s32 $0x8280;
	s29 =	simm.s32 $0x3  }
0x7: {  	s30 =	simm.s32 $0x8380;
	s31 =	simm.s32 $0x4;
	s5 =	smul.u32 $0x13C00, s12  }
0x8: {  	s1 =	sand.u32 $0x1, s1;
	[smem:$0x7FF] =	sst s4;
	s11 =	smul.u32 $0x4F000, s12  }
0x9: {  	s8 =	sadd.s32 $0xC400, s0;
	s23 =	sshll.u32 s12, $0x6;
	s13 =	smul.u32 $0xA00, s12  }
0xa: {  	s6 =	smul.u32 $0x13C000, s1;
	_ =	strace $0x8000004D;
	s19 =	ssub.s32 $0x2, s1  }
0xb: {  	s9 =	sshll.u32 s1, $0x4;
	s1 =	smul.u32 $0xA000, s1;
	s7 =	sshrl.u32 s5, $0x3  }
0xc: {  	s10 =	sshrl.u32 s19, $0x1;
	s9 =	sor.u32 s12, s9;
	s22 =	sshrl.u32 s11, $0x2  }
0xd: {  	s7 =	sadd.s32 s7, s0;
	s5 =	sadd.s32 s5, s6;
	s21 =	smul.u32 $0xA00, s9  }
0xe: {  	s20 =	ssub.s32 s19, s10;
	s9 =	smul.u32 $0x5000, s9;
	s14 =	sadd.s32 s22, s3  }
0xf: {  	s6 =	sor.u32 $0x1C07, s23;
	s1 =	sadd.s32 s1, s8;
	s19 =	simm.s32 $0x8200  }
0x10: {  	s22 =	simm.s32 $0x1;
	s23 =	simm.s32 $0x5;
	s5 =	sshrl.u32 s5, $0x3  }
0x11: {  	s24 =	sadd.s32 $0x20400, s7;
	s12 =	smax.u32 s20, $0x1;
	s13 =	sadd.s32 s13, s1  }
0x12: {  	s14 =	sshrl.u32 s14, $0x3;
	s20 =	simm.s32 $0x4200;
	s0 =	sadd.s32 s5, s0  }
0x13: {  	[dreg:$0x4] =	wrdreg s24;
	s7 =	sadd.s32 s8, s21;
	s9 =	sshrl.u32 s9, $0x3  }
0x14: {  	s21 =	simm.s32 $0x8300;
	s24 =	simm.s32 $0x2;
	s10 =	sadd.s32 $0x20, s7  }
0x15: {  	s25 =	sadd.s32 s8, s9;
	s26 =	sadd.s32 $0x40, s7;
	[dreg:$0x5] =	wrdreg s10  }
0x16: {  	s11 =	sadd.s32 $0x47C00, s0;
	s0 =	simm.s32 $0x0;
	[dreg:$0x6] =	wrdreg s26  }
0x17: {  	s10 =	sadd.s32 $0x9E0, s25;
	s25 =	simm.s32 $0x180;
	s26 =	simm.s32 $0x6  }
.LBB2_1:
0x18: {  	s1 =	rddreg [dreg:$0x4]  }
0x19: {  	[spmem:s14], [sflag:s6] =	dma.local [hbm:s1], $0x2780  }
0x1a: {  	_ =	swait.ge [sflag:s15], $0x2780  }
0x1b: {  	[sflag:s15] =	ssyncset.done $0x0  }
0x1c: {  	[sflag:s15] =	ssyncadd.s32 $0xFFFFD880  }
0x1d: {  	[tilespmem:s4], [sflag:$0x7] =	stream.linear.gather [hbm4b:s7+s4], $0x100, $0x38;
	[tilespmem:$0x1C000] =	vst v63  }
0x1e: {  	_ =	swait.ge [sflag:s15], $0x100  }
0x1f: {  	[sflag:s15] =	ssyncset.done $0x0  }
0x20: {  	s9 =	rddreg [dreg:$0x5];
	[sflag:s15] =	ssyncadd.s32 $0xFFFFFF00  }
0x21: {  	[tilespmem:s16], [sflag:$0x7] =	stream.linear.gather [hbm4b:s9+s4], $0x100, $0x38;
	[tilespmem:$0x1C000] =	vst v63  }
0x22: {  	_ =	swait.ge [sflag:s15], $0x100  }
0x23: {  	[sflag:s15] =	ssyncset.done $0x0  }
0x24: {  	[sflag:s15] =	ssyncadd.s32 $0xFFFFFF00  }
0x25: {  	[bflag:$0x0] =	sbarrier.arrive $0xFFFF  }
0x26: {  	[tilespmem:s18], [sflag:$0x1] =	stream.indirect.gather [hbm4b:s2+s17], $0x80, s4, s17, $0xb8;
	[tilespmem:$0x1C000] =	vst v63  }
0x27: {  	s5 =	rddreg [dreg:$0x6]  }
0x28: {  	[tilespmem:s19], [sflag:$0x5] =	stream.linear.gather [hbm4b:s5+s4], $0x100, $0x38;
	[tilespmem:$0x1C000] =	vst v63  }
0x29: {  	s1 =	sadd.s32 $0x0, s13  }
0x2a: {  	[tilespmem:s20], [sflag:$0x2] =	stream.indirect.gather [hbm4b:s2+s17], $0x80, s16, s17, $0xb8;
	[tilespmem:$0x1C000] =	vst v63  }
0x2b: {  	s5 =	sadd.s32 $0x60, s1  }
0x2c: {  	[tilespmem:s21], [sflag:$0x6] =	stream.linear.gather [hbm4b:s5+s4], $0x100, $0x38;
	[tilespmem:$0x1C000] =	vst v63  }
0x2d: {  	_ =	swait.ge [sflag:s22], $0x4000  }
0x2e: {  	[sflag:s22] =	ssyncset.done $0x0  }
0x2f: {  	[sflag:s22] =	ssyncadd.s32 $0xFFFFC000  }
0x30: {  	[spmem:s3] =	stream.indirect.scatter.add.f32 [tilespmem:s18], [sflag:$0x7], $0x80, s17, s17, $0xb8;
	[tilespmem:$0x1C000] =	vst v63  }
0x31: {  	_ =	swait.ge [sflag:s15], $0x4000  }
0x32: {  	[sflag:s15] =	ssyncset.done $0x0  }
0x33: {  	[sflag:s15] =	ssyncadd.s32 $0xFFFFC000  }
0x34: {  	_ =	swait.ge [sflag:s23], $0x100  }
0x35: {  	[sflag:s23] =	ssyncset.done $0x0  }
0x36: {  	[sflag:s23] =	ssyncadd.s32 $0xFFFFFF00  }
0x37: {  	[tilespmem:s18], [sflag:$0x1] =	stream.indirect.gather [hbm4b:s2+s17], $0x80, s19, s17, $0xb8;
	[tilespmem:$0x1C000] =	vst v63  }
0x38: {  	s8 =	sadd.s32 $0x80, s1  }
0x39: {  	[tilespmem:s4], [sflag:$0x3] =	stream.linear.gather [hbm4b:s8+s4], $0x100, $0x38;
	[tilespmem:$0x1C000] =	vst v63  }
0x3a: {  	_ =	swait.ge [sflag:s24], $0x4000  }
0x3b: {  	[sflag:s24] =	ssyncset.done $0x0  }
0x3c: {  	[sflag:s24] =	ssyncadd.s32 $0xFFFFC000  }
0x3d: {  	[spmem:s3] =	stream.indirect.scatter.add.f32 [tilespmem:s20], [sflag:$0x7], $0x80, s25, s17, $0xb8;
	[tilespmem:$0x1C000] =	vst v63  }
0x3e: {  	_ =	swait.ge [sflag:s15], $0x4000  }
0x3f: {  	[sflag:s15] =	ssyncset.done $0x0  }
0x40: {  	[sflag:s15] =	ssyncadd.s32 $0xFFFFC000  }
0x41: {  	_ =	swait.ge [sflag:s26], $0x100  }
0x42: {  	[sflag:s26] =	ssyncset.done $0x0  }
0x43: {  	[sflag:s26] =	ssyncadd.s32 $0xFFFFFF00  }
0x44: {  	[tilespmem:s20], [sflag:$0x2] =	stream.indirect.gather [hbm4b:s2+s17], $0x80, s21, s17, $0xb8;
	[tilespmem:$0x1C000] =	vst v63  }
0x45: {  	s9 =	sadd.s32 $0xA0, s1  }
0x46: {  	[tilespmem:s16], [sflag:$0x4] =	stream.linear.gather [hbm4b:s9+s4], $0x100, $0x38;
	[tilespmem:$0x1C000] =	vst v63  }
0x47: {  	_ =	swait.ge [sflag:s22], $0x4000  }
0x48: {  	[sflag:s22] =	ssyncset.done $0x0  }
0x49: {  	[sflag:s22] =	ssyncadd.s32 $0xFFFFC000  }
0x4a: {  	[spmem:s3] =	stream.indirect.scatter.add.f32 [tilespmem:s18], [sflag:$0x7], $0x80, s28, s17, $0xb8;
	[tilespmem:$0x1C000] =	vst v63  }
0x4b: {  	_ =	swait.ge [sflag:s15], $0x4000  }
0x4c: {  	[sflag:s15] =	ssyncset.done $0x0  }
0x4d: {  	[sflag:s15] =	ssyncadd.s32 $0xFFFFC000  }
0x4e: {  	_ =	swait.ge [sflag:s29], $0x100  }
0x4f: {  	[sflag:s29] =	ssyncset.done $0x0  }
0x50: {  	[sflag:s29] =	ssyncadd.s32 $0xFFFFFF00  }
0x51: {  	[tilespmem:s18], [sflag:$0x1] =	stream.indirect.gather [hbm4b:s2+s17], $0x80, s4, s17, $0xb8;
	[tilespmem:$0x1C000] =	vst v63  }
0x52: {  	s1 =	sadd.s32 $0xC0, s1  }
0x53: {  	[tilespmem:s19], [sflag:$0x5] =	stream.linear.gather [hbm4b:s1+s4], $0x100, $0x38;
	[tilespmem:$0x1C000] =	vst v63  }
0x54: {  	_ =	swait.ge [sflag:s24], $0x4000  }
0x55: {  	[sflag:s24] =	ssyncset.done $0x0  }
0x56: {  	[sflag:s24] =	ssyncadd.s32 $0xFFFFC000  }
0x57: {  	[spmem:s3] =	stream.indirect.scatter.add.f32 [tilespmem:s20], [sflag:$0x7], $0x80, s30, s17, $0xb8;
	[tilespmem:$0x1C000] =	vst v63  }
0x58: {  	_ =	swait.ge [sflag:s15], $0x4000  }
0x59: {  	[sflag:s15] =	ssyncset.done $0x0  }
0x5a: {  	[sflag:s15] =	ssyncadd.s32 $0xFFFFC000  }
0x5b: {  	_ =	swait.ge [sflag:s31], $0x100  }
0x5c: {  	s1 =	simm.s32 $0x80;
	[sflag:s31] =	ssyncset.done $0x0  }
.LBB2_2:
0x5d: {  	s8 =	smov.u32 s1  }
0x5e: {  	s5 =	sadd.s32 s1, s13;
	[sflag:s31] =	ssyncadd.s32 $0xFFFFFF00;
	s8 =	sadd.s32 $0x80, s1  }
0x5f: {  	[tilespmem:s20], [sflag:$0x2] =	stream.indirect.gather [hbm4b:s2+s17], $0x80, s16, s17, $0xb8;
	[tilespmem:$0x1C000] =	vst v63  }
0x60: {  	p0 =	sne.s32 s1, $0x900;
	s9 =	sadd.s32 $0x60, s5  }
0x61: {  	[tilespmem:s21], [sflag:$0x6] =	stream.linear.gather [hbm4b:s9+s4], $0x100, $0x38;
	[tilespmem:$0x1C000] =	vst v63  }
0x62: {  	_ =	swait.ge [sflag:s22], $0x4000  }
0x63: {  	[sflag:s22] =	ssyncset.done $0x0  }
0x64: {  	[sflag:s22] =	ssyncadd.s32 $0xFFFFC000  }
0x65: {  	[spmem:s3] =	stream.indirect.scatter.add.f32 [tilespmem:s18], [sflag:$0x7], $0x80, s17, s17, $0xb8;
	[tilespmem:$0x1C000] =	vst v63  }
0x66: {  	_ =	swait.ge [sflag:s15], $0x4000  }
0x67: {  	[sflag:s15] =	ssyncset.done $0x0  }
0x68: {  	[sflag:s15] =	ssyncadd.s32 $0xFFFFC000  }
0x69: {  	_ =	swait.ge [sflag:s23], $0x100  }
0x6a: {  	[sflag:s23] =	ssyncset.done $0x0  }
0x6b: {  	[sflag:s23] =	ssyncadd.s32 $0xFFFFFF00  }
0x6c: {  	[tilespmem:s18], [sflag:$0x1] =	stream.indirect.gather [hbm4b:s2+s17], $0x80, s19, s17, $0xb8;
	[tilespmem:$0x1C000] =	vst v63  }
0x6d: {  	s1 =	sadd.s32 $0x80, s5  }
0x6e: {  	[tilespmem:s4], [sflag:$0x3] =	stream.linear.gather [hbm4b:s1+s4], $0x100, $0x38;
	[tilespmem:$0x1C000] =	vst v63  }
0x6f: {  	_ =	swait.ge [sflag:s24], $0x4000  }
0x70: {  	[sflag:s24] =	ssyncset.done $0x0  }
0x71: {  	[sflag:s24] =	ssyncadd.s32 $0xFFFFC000  }
0x72: {  	[spmem:s3] =	stream.indirect.scatter.add.f32 [tilespmem:s20], [sflag:$0x7], $0x80, s25, s17, $0xb8;
	[tilespmem:$0x1C000] =	vst v63  }
0x73: {  	_ =	swait.ge [sflag:s15], $0x4000  }
0x74: {  	[sflag:s15] =	ssyncset.done $0x0  }
0x75: {  	[sflag:s15] =	ssyncadd.s32 $0xFFFFC000  }
0x76: {  	_ =	swait.ge [sflag:s26], $0x100  }
0x77: {  	[sflag:s26] =	ssyncset.done $0x0  }
0x78: {  	[sflag:s26] =	ssyncadd.s32 $0xFFFFFF00  }
0x79: {  	[tilespmem:s20], [sflag:$0x2] =	stream.indirect.gather [hbm4b:s2+s17], $0x80, s21, s17, $0xb8;
	[tilespmem:$0x1C000] =	vst v63  }
0x7a: {  	s1 =	sadd.s32 $0xA0, s5  }
0x7b: {  	[tilespmem:s16], [sflag:$0x4] =	stream.linear.gather [hbm4b:s1+s4], $0x100, $0x38;
	[tilespmem:$0x1C000] =	vst v63  }
0x7c: {  	_ =	swait.ge [sflag:s22], $0x4000  }
0x7d: {  	[sflag:s22] =	ssyncset.done $0x0  }
0x7e: {  	[sflag:s22] =	ssyncadd.s32 $0xFFFFC000  }
0x7f: {  	[spmem:s3] =	stream.indirect.scatter.add.f32 [tilespmem:s18], [sflag:$0x7], $0x80, s28, s17, $0xb8;
	[tilespmem:$0x1C000] =	vst v63  }
0x80: {  	_ =	swait.ge [sflag:s15], $0x4000  }
0x81: {  	[sflag:s15] =	ssyncset.done $0x0  }
0x82: {  	[sflag:s15] =	ssyncadd.s32 $0xFFFFC000  }
0x83: {  	_ =	swait.ge [sflag:s29], $0x100  }
0x84: {  	[sflag:s29] =	ssyncset.done $0x0  }
0x85: {  	[sflag:s29] =	ssyncadd.s32 $0xFFFFFF00  }
0x86: {  	[tilespmem:s18], [sflag:$0x1] =	stream.indirect.gather [hbm4b:s2+s17], $0x80, s4, s17, $0xb8;
	[tilespmem:$0x1C000] =	vst v63  }
0x87: {  	s1 =	sadd.s32 $0xC0, s5  }
0x88: {  	[tilespmem:s19], [sflag:$0x5] =	stream.linear.gather [hbm4b:s1+s4], $0x100, $0x38;
	[tilespmem:$0x1C000] =	vst v63  }
0x89: {  	_ =	swait.ge [sflag:s24], $0x4000  }
0x8a: {  	[sflag:s24] =	ssyncset.done $0x0  }
0x8b: {  	[sflag:s24] =	ssyncadd.s32 $0xFFFFC000  }
0x8c: {  	[spmem:s3] =	stream.indirect.scatter.add.f32 [tilespmem:s20], [sflag:$0x7], $0x80, s30, s17, $0xb8;
	[tilespmem:$0x1C000] =	vst v63  }
.Ltmp0:
0x8d: {  	_ =	swait.ge [sflag:s15], $0x4000;
	(pc) =	sbr.rel @p0 .LBB2_2-.Ltmp0, $4  }
0x8e: {  	[sflag:s15] =	ssyncset.done $0x0  }
0x8f: {  	[sflag:s15] =	ssyncadd.s32 $0xFFFFC000  }
0x90: {  	_ =	swait.ge [sflag:s31], $0x100  }
0x91: {  	s1 =	smov.u32 s8;
	[sflag:s31] =	ssyncset.done $0x0  }
0x92: {  	[sflag:s31] =	ssyncadd.s32 $0xFFFFFF00  }
0x93: {  	[tilespmem:s20], [sflag:$0x2] =	stream.indirect.gather [hbm4b:s2+s17], $0x80, s16, s17, $0xb8;
	[tilespmem:$0x1C000] =	vst v63  }
0x94: {  	_ =	swait.ge [sflag:s22], $0x4000  }
0x95: {  	[sflag:s22] =	ssyncset.done $0x0  }
0x96: {  	[sflag:s22] =	ssyncadd.s32 $0xFFFFC000  }
0x97: {  	[spmem:s3] =	stream.indirect.scatter.add.f32 [tilespmem:s18], [sflag:$0x7], $0x80, s17, s17, $0xb8;
	[tilespmem:$0x1C000] =	vst v63  }
0x98: {  	_ =	swait.ge [sflag:s15], $0x4000  }
0x99: {  	[sflag:s15] =	ssyncset.done $0x0  }
0x9a: {  	[sflag:s15] =	ssyncadd.s32 $0xFFFFC000  }
0x9b: {  	_ =	swait.ge [sflag:s23], $0x100  }
0x9c: {  	[sflag:s23] =	ssyncset.done $0x0  }
0x9d: {  	[sflag:s23] =	ssyncadd.s32 $0xFFFFFF00  }
0x9e: {  	[tilespmem:s18], [sflag:$0x1] =	stream.indirect.gather [hbm4b:s2+s17], $0x80, s19, s17, $0xb8;
	[tilespmem:$0x1C000] =	vst v63  }
0x9f: {  	_ =	swait.ge [sflag:s24], $0x4000  }
0xa0: {  	[sflag:s24] =	ssyncset.done $0x0  }
0xa1: {  	[sflag:s24] =	ssyncadd.s32 $0xFFFFC000  }
0xa2: {  	[spmem:s3] =	stream.indirect.scatter.add.f32 [tilespmem:s20], [sflag:$0x7], $0x80, s25, s17, $0xb8;
	[tilespmem:$0x1C000] =	vst v63  }
0xa3: {  	_ =	swait.ge [sflag:s15], $0x4000  }
0xa4: {  	[sflag:s15] =	ssyncset.done $0x0  }
0xa5: {  	[sflag:s15] =	ssyncadd.s32 $0xFFFFC000  }
0xa6: {  	[tilespmem:s21], [sflag:$0x7] =	stream.linear.gather [hbm4b:s10+s4], $0x100, $0x38;
	[tilespmem:$0x1C000] =	vst v63  }
0xa7: {  	_ =	swait.ge [sflag:s15], $0x100  }
0xa8: {  	[sflag:s15] =	ssyncset.done $0x0  }
0xa9: {  	[sflag:s15] =	ssyncadd.s32 $0xFFFFFF00  }
0xaa: {  	[tilespmem:s20], [sflag:$0x2] =	stream.indirect.gather [hbm4b:s2+s17], $0x80, s21, s17, $0xb8;
	[tilespmem:$0x1C000] =	vst v63  }
0xab: {  	_ =	swait.ge [sflag:s22], $0x4000  }
0xac: {  	[sflag:s22] =	ssyncset.done $0x0  }
0xad: {  	[sflag:s22] =	ssyncadd.s32 $0xFFFFC000  }
0xae: {  	[spmem:s3] =	stream.indirect.scatter.add.f32 [tilespmem:s18], [sflag:$0x7], $0x80, s28, s17, $0xb8;
	[tilespmem:$0x1C000] =	vst v63  }
0xaf: {  	_ =	swait.ge [sflag:s15], $0x4000  }
0xb0: {  	[sflag:s15] =	ssyncset.done $0x0  }
0xb1: {  	[sflag:s15] =	ssyncadd.s32 $0xFFFFC000  }
0xb2: {  	_ =	swait.ge [sflag:s24], $0x4000  }
0xb3: {  	[sflag:s24] =	ssyncset.done $0x0  }
0xb4: {  	[sflag:s24] =	ssyncadd.s32 $0xFFFFC000  }
0xb5: {  	[spmem:s3] =	stream.indirect.scatter.add.f32 [tilespmem:s20], [sflag:$0x7], $0x80, s30, s17, $0xb8;
	[tilespmem:$0x1C000] =	vst v63  }
0xb6: {  	_ =	swait.ge [sflag:s15], $0x4000  }
0xb7: {  	s0 =	sadd.s32 $0x1, s0;
	[sflag:s15] =	ssyncset.done $0x0  }
0xb8: {  	p0 =	sne.s32 s0, s12;
	[sflag:s15] =	ssyncadd.s32 $0xFFFFC000  }
.Ltmp1:
0xb9: {  	[bflag:$0x0] =	sbarrier.arrive $0xFFFF;
	(pc) =	sbr.rel @p0 .LBB2_1-.Ltmp1, $4  }
0xba: {  	[hbm:s11], [sflag:s6] =	dma.local [spmem:s14], $0x2780  }
0xbb: {  	_ =	swait.ge [sflag:s15], $0x2780  }
0xbc: {  	[sflag:s15] =	ssyncset.done $0x0  }
0xbd: {  	[sflag:s15] =	ssyncadd.s32 $0xFFFFD880  }
0xbe: {  	_ =	sfence.sel $0x180000  }
0xbf: {  	[bflag:$0x0] =	sbarrier.arrive $0xFFFF  }
0xc0: {  	_ =	strace $0x9000004D  }
0xc1: {  	s0 =	stileid.u32;
	[bflag:$0x2] =	sbarrier.arrive $0xFFFF  }
0xc2: {  	p0 =	sne.s32 s0, $0x0;
	s0 =	rddreg [dreg:$0x3]  }
0xc3: {  	s0 =	sadd.s32 @!p0 $0x100000, s0  }
0xc4: {  	[sflag:s0] =	ssyncadd.tile.s32 @!p0 $0x1;
	_ =	shalt  }
.Lfunc_end2:
_tile_overlayer_lowered:
.L_overlay_start_2:
0xc5: {  	(tag) =	ssettag $0x2  }
0xc6: {  	s0 =	rddreg [dreg:$0x0];
	s2 =	stileid.u32  }
0xc7: {  	s1 =	rddreg [dreg:$0x1];
	p0 =	sne.s32 s2, $0x0  }
0xc8: {  	s3 =	rddreg [dreg:$0x2];
	[bflag:$0x3] =	sbarrier.arrive $0xFFFF;
	s2 =	simm.s32 @!p0 $0x1C07  }
0xc9: {  	[timem:s3], [sflag:s2] =	dma.local @!p0 [hbm:s0], s1  }
0xca: {  	s0 =	simm.s32 @!p0 $0x7  }
0xcb: {  	_ =	swait.ge @!p0 [sflag:s0], s1  }
0xcc: {  	s1 =	ssub.s32 @!p0 $0x0, s1;
	[sflag:s0] =	ssyncset.done @!p0 $0x0  }
0xcd: {  	[sflag:s0] =	ssyncadd.s32 @!p0 s1  }
0xce: {  	[bflag:$0x3] =	sbarrier.arrive $0xFFFF  }
0xcf: {  	_ =	shalt  }

// kernel: kernel.9.cloned.1.call-start
scs
__scs_entry_jumppad:
0x0: {  	(pc) =	sbr.rel $0x88, $3  }
0x1: {  	(tag) =	ssettag $0x0;
	lr =	simm.s32 $0x1  }
0x2: {  	[smem:$0x3F9B] =	sst lr;
	_ =	strace $0xD0000000  }
0x3: {  	_ = 	snop  }
0x4: {  	_ = 	snop  }
0x5: {  	_ = 	snop  }
0x6: {  	_ = 	snop  }
0x7: {  	_ = 	snop  }
__scs_overlays_trampoline_lowered:
0x8: {  	[smem:$0x3FAA] =	sst s0  }
0x9: {  	[smem:$0x3FAB] =	sst s1  }
0xa: {  	[smem:$0x3FAC] =	sst s2  }
0xb: {  	[smem:$0x3FAD] =	sst s3  }
0xc: {  	[smem:$0x3FAE] =	sst s4  }
0xd: {  	[smem:$0x3FAF] =	sst s5  }
0xe: {  	[smem:$0x3FB0] =	sst s6  }
0xf: {  	[smem:$0x3FB1] =	sst s7  }
0x10: {  	[smem:$0x3FB2] =	sst s8  }
0x11: {  	[smem:$0x3FB3] =	sst s9;
	s0 =	simm.s32 @!p0 $0x0  }
0x12: {  	s1 =	sld [smem:$0x3F99];
	s0 =	simm.s32 @p0 $0x1  }
0x13: {  	[smem:$0x3FB4] =	sst s0;
	s0 =	simm.s32 @!p1 $0x0  }
0x14: {  	s2 =	sld [smem:$0x3F98];
	s0 =	simm.s32 @p1 $0x1  }
0x15: {  	[smem:$0x3FB5] =	sst s0;
	s0 =	simm.s32 @!p2 $0x0  }
0x16: {  	s3 =	sld [smem:$0x3FDB];
	s0 =	simm.s32 @p2 $0x1  }
0x17: {  	s4 =	simm.s32 $0x1BF5;
	[smem:$0x3FB7] =	sst s0  }
0x18: {  	s0 =	sld [smem:$0x3F9A];
	_ =	swait.ge [sflag:s4], $0x0  }
0x19: {  	s7 =	sld [smem:$0x3F9B]  }
0x1a: {  	s8 =	sadd.s32 $0xFFFFE003, lr  }
0x1b: {  	s9 =	sadd.s32 $0xFFFFFEF7, lr;
	s5 =	simm.s32 $0xFFFFFFFF;
	p2 =	slt.u32 s8, $0xFFFFF086  }
0x1c: {  	p1 =	slt.u32 s9, $0xF7A;
	s5 =	simm.s32 @!p2 $0x0  }
0x1d: {  	s5 =	simm.s32 @p1 $0x1;
	p0 =	seq.s32 s7, s2  }
0x1e: {  	s7 =	smul.u32 @!p0 $0xF7A, s2;
	p2 =	seq.s32 @!p0 s5, $0x0  }
0x1f: {  	s9 =	smul.u32 $0xF7A, s1;
	s8 =	simm.s32 @!p0 $0x1BF5;
	p2 =	por !p2, p0  }
0x20: {  	[sflag:s8] =	ssyncset.s32 @!p0 $0xFFFFF086;
	s6 =	sadd.s32 @!p0 s3, s7;
	s7 =	simm.s32 @!p0 $0x108  }
0x21: {  	s3 =	sadd.s32 s3, s9;
	s6 =	sadd.s32 @!p0 $0x88, s6;
	s7 =	simm.s32 @p2 $0x1082  }
0x22: {  	[simem:s7], [sflag:s8] =	dma.local @!p0 [hbm:s6], $0xF7A  }
0x23: {  	s9 =	sor.u32 $0xD0000000, s2;
	s6 =	simm.s32 $0x108;
	_ =	swait.ge @!p0 [sflag:s8], $0x0  }
0x24: {  	s3 =	sadd.s32 $0x88, s3;
	s6 =	simm.s32 @!p1 $0x1082;
	[sflag:s4] =	ssyncset.s32 $0xFFFFF086  }
0x25: {  	[simem:s6], [sflag:s4] =	dma.local [hbm:s3], $0xF7A  }
0x26: {  	[smem:$0x3F9B] =	sst s1;
	(tag) =	ssettag s2;
	_ =	strace s9  }
0x27: {  	s1 =	sld [smem:$0x3FAB]  }
0x28: {  	s2 =	sld [smem:$0x3FAC]  }
0x29: {  	s4 =	sld [smem:$0x3FAE]  }
0x2a: {  	p0 =	seq.s32 s5, $0x0;
	s5 =	sld [smem:$0x3FAF]  }
0x2b: {  	s6 =	sld [smem:$0x3FB0]  }
0x2c: {  	s7 =	sld [smem:$0x3FB1]  }
0x2d: {  	s3 =	simm.s32 $0x108;
	s8 =	sld [smem:$0x3FB2]  }
0x2e: {  	s3 =	simm.s32 @!p0 $0x1082;
	s9 =	sld [smem:$0x3FB3]  }
0x2f: {  	lr =	sadd.s32 s0, s3;
	s0 =	sld [smem:$0x3FAA]  }
0x30: {  	s3 =	sld [smem:$0x3FAD]  }
0x31: {  	[smem:$0x3FB6] =	sst s10  }
0x32: {  	s10 =	sld [smem:$0x3FB4];
	_ =	sdelay $0x3  }
0x33: {  	p0 =	seq.s32 s10, $0x1;
	s10 =	sld [smem:$0x3FB6];
	_ =	sdelay $0x3  }
0x34: {  	[smem:$0x3FB6] =	sst s10  }
0x35: {  	s10 =	sld [smem:$0x3FB5];
	_ =	sdelay $0x3  }
0x36: {  	p1 =	seq.s32 s10, $0x1;
	s10 =	sld [smem:$0x3FB6];
	_ =	sdelay $0x3  }
0x37: {  	[smem:$0x3FB6] =	sst s10  }
0x38: {  	s10 =	sld [smem:$0x3FB7]  }
0x39: {  	_ = 	snop;
	(pc) =	sbr.ind lr, $3  }
0x3a: {  	_ = 	snop  }
0x3b: {  	_ = 	snop  }
0x3c: {  	p2 =	seq.s32 s10, $0x1;
	s10 =	sld [smem:$0x3FB6]  }
0x3d: {  	_ =	shalt  }
0x3e: {  	_ =	shalt  }
0x3f: {  	_ =	shalt  }
0x40: {  	_ =	shalt  }
0x41: {  	_ =	shalt  }
0x42: {  	_ =	shalt  }
0x43: {  	_ =	shalt  }
0x44: {  	_ =	shalt  }
0x45: {  	_ =	shalt  }
0x46: {  	_ =	shalt  }
0x47: {  	_ =	shalt  }
0x48: {  	_ =	shalt  }
0x49: {  	_ =	shalt  }
0x4a: {  	_ =	shalt  }
0x4b: {  	_ =	shalt  }
0x4c: {  	_ =	shalt  }
0x4d: {  	_ =	shalt  }
0x4e: {  	_ =	shalt  }
0x4f: {  	_ =	shalt  }
0x50: {  	_ =	shalt  }
0x51: {  	_ =	shalt  }
0x52: {  	_ =	shalt  }
0x53: {  	_ =	shalt  }
0x54: {  	_ =	shalt  }
0x55: {  	_ =	shalt  }
0x56: {  	_ =	shalt  }
0x57: {  	_ =	shalt  }
0x58: {  	_ =	shalt  }
0x59: {  	_ =	shalt  }
0x5a: {  	_ =	shalt  }
0x5b: {  	_ =	shalt  }
0x5c: {  	_ =	shalt  }
0x5d: {  	_ =	shalt  }
0x5e: {  	_ =	shalt  }
0x5f: {  	_ =	shalt  }
0x60: {  	_ =	shalt  }
0x61: {  	_ =	shalt  }
0x62: {  	_ =	shalt  }
0x63: {  	_ =	shalt  }
0x64: {  	_ =	shalt  }
0x65: {  	_ =	shalt  }
0x66: {  	_ =	shalt  }
0x67: {  	_ =	shalt  }
0x68: {  	_ =	shalt  }
0x69: {  	_ =	shalt  }
0x6a: {  	_ =	shalt  }
0x6b: {  	_ =	shalt  }
0x6c: {  	_ =	shalt  }
0x6d: {  	_ =	shalt  }
0x6e: {  	_ =	shalt  }
0x6f: {  	_ =	shalt  }
0x70: {  	_ =	shalt  }
0x71: {  	_ =	shalt  }
0x72: {  	_ =	shalt  }
0x73: {  	_ =	shalt  }
0x74: {  	_ =	shalt  }
0x75: {  	_ =	shalt  }
0x76: {  	_ =	shalt  }
0x77: {  	_ =	shalt  }
0x78: {  	_ =	shalt  }
0x79: {  	_ =	shalt  }
0x7a: {  	_ =	shalt  }
0x7b: {  	_ =	shalt  }
0x7c: {  	_ =	shalt  }
0x7d: {  	_ =	shalt  }
0x7e: {  	_ =	shalt  }
0x7f: {  	_ =	shalt  }
0x80: {  	_ =	shalt  }
0x81: {  	_ =	shalt  }
0x82: {  	_ =	shalt  }
0x83: {  	_ =	shalt  }
0x84: {  	_ =	shalt  }
0x85: {  	_ =	shalt  }
0x86: {  	_ =	shalt  }
0x87: {  	_ =	shalt  }
.Lfunc_end0:
.L_simem_size_0:
called_computation_lowered:
.L_overlay_start_0:
0x88: {  	s2 =	sld [smem:$0x3FD9]  }
0x89: {  	s3 =	sld [smem:$0x3FFE];
	_ =	sdelay $0x1  }
0x8a: {  	s1 =	srdreg.scid  }
0x8b: {  	s0 =	sand.u32 $0x1, s1  }
0x8c: {  	s17 =	sshll.u32 s0, $0xA;
	s2 =	sadd.s32 s3, s2  }
0x8d: {  	s2 =	sadd.s32 s2, s17  }
0x8e: {  	[smem:$0x3FC2] =	sst s2  }
0x8f: {  	_ = 	snop  }
0x90: {  	s2 =	sld [smem:$0x3FD0];
	(tm) =	ssettm $0x1  }
0x91: {  	s18 =	sld [smem:$0x3FFB];
	_ =	sdelay $0x3  }
0x92: {  	_ =	strace s18  }
0x93: {  	s3 =	sld [smem:$0x3FFC];
	_ =	sdelay $0x3  }
0x94: {  	_ =	strace s3  }
0x95: {  	s3 =	sld [smem:$0x3FFD];
	_ =	sdelay $0x3  }
0x96: {  	_ =	strace s3  }
0x97: {  	_ =	strace $0x8FFFFFFF  }
0x98: {  	s19 =	sld [smem:$0x3FDB];
	_ =	sdelay $0x1  }
0x99: {  	s4 =	simm.s32 $_scs_section_size  }
0x9a: {  	s5 =	simm.s32 $_size__tile_overlayer_lowered;
	s6 =	simm.s32 $_tile_overlayer_lowered  }
0x9b: {  	s22 =	simm.s32 $0x1BFF;
	s21 =	sshll.u32 s6, $0x1;
	s3 =	sadd.s32 s4, s19  }
0x9c: {  	s7 =	simm.s32 $0x0;
	s20 =	sshll.u32 s5, $0x1;
	s5 =	sadd.s32 s21, s3  }
0x9d: {  	[timem:s7], [sflag:s22] =	dma.local [hbm:s5], s20  }
0x9e: {  	_ =	swait.ge [sflag:s22], s20  }
0x9f: {  	s4 =	ssub.s32 $0x0, s20;
	[sflag:s22] =	ssyncset.done $0x0  }
0xa0: {  	[sflag:s22] =	ssyncadd.s32 s4;
	_ =	sdelay $0x1  }
0xa1: {  	s23 =	simm.s32 $0x1B8B  }
0xa2: {  	_ =	swait.ge [sflag:s23], $0x1  }
0xa3: {  	[sflag:s23] =	ssyncset.done $0x0  }
0xa4: {  	s25 =	simm.s32 $0x1B8E;
	s24 =	sld [smem:$0x3FFE];
	[sflag:s23] =	ssyncadd.s32 $0xFFFFFFFF  }
0xa5: {  	s26 =	simm.s32 $execute0_lowered;
	[smem:$0x3FD2] =	sst s25  }
0xa6: {  	s5 =	sshll.u32 s26, $0x1;
	_ =	strace $0x80000046;
	[dreg:$0x1] =	wrdreg $0xFFFFFFFF  }
0xa7: {  	s28 =	simm.s32 $_size_execute0_lowered;
	s3 =	sadd.s32 s3, s5;
	[dreg:$0x0] =	wrdreg $0x0  }
0xa8: {  	s5 =	sshll.u32 s28, $0x1;
	[dreg:$0x2] =	wrdreg s3  }
0xa9: {  	[dreg:$0x3] =	wrdreg s5  }
0xaa: {  	[dreg:$0x4] =	wrdreg $0xC0  }
0xab: {  	_ =	task [dreg:s7], $0x5FFFF  }
0xac: {  	[dreg:$0x1] =	wrdreg $0xFFFFFFFF  }
0xad: {  	[dreg:$0x0] =	wrdreg $0x60  }
0xae: {  	[dreg:$0x2] =	wrdreg s2  }
0xaf: {  	[dreg:$0x3] =	wrdreg s24  }
0xb0: {  	[dreg:$0x4] =	wrdreg $0x9  }
0xb1: {  	_ =	task.clear_ibuf [dreg:s7], $0x5FFFF;
	_ =	strace $0x90000046  }
0xb2: {  	s29 =	simm.s32 $0x9;
	_ =	strace $0x80000048  }
0xb3: {  	_ =	swait.ge [sflag:s29], $0x1  }
0xb4: {  	[sflag:s29] =	ssyncadd.s32 $0xFFFFFFFF  }
0xb5: {  	_ =	strace $0x90000048  }
0xb6: {  	_ =	sfence  }
0xb7: {  	s30 =	sld [smem:$0x0];
	_ =	sdelay $0x2  }
0xb8: {  	s31 =	sshll.u32 s1, $0xD;
	s1 =	sshrl.u32 s1, $0x2  }
0xb9: {  	s3 =	sand.u32 $0x4000, s31;
	s1 =	sadd.s32 s1, s30  }
0xba: {  	s0 =	sor.u32 s3, s0;
	s1 =	sshll.u32 s1, $0x11  }
0xbb: {  	s0 =	sor.u32 s1, s0  }
0xbc: {  	s0 =	sadd.s32 $0x8F2B, s0  }
0xbd: {  	[sflag:s0] =	ssyncadd.remote.s32 $0x1  }
0xbe: {  	_ =	sfence.sel $0xFFFF  }
0xbf: {  	[dreg:$0x0] =	wrdreg $0xFFFFFFFF;
	(pc) =	sbr.abs _section_cstart, $3  }
0xc0: {  	[dreg:$0x1] =	wrdreg $0xFFFFFFFF  }
0xc1: {  	_ =	task.clear_ibuf [dreg:s7], $0x2FFFF;
	_ =	strace $0x9FFFFFFF  }
0xc2: {  	(tm) =	ssettm $0x7FFFFFFF  }
0xc3: {  	_ =	shalt  }
tec
execute0_lowered:
.L_overlay_start_1:
0x0: {  	(tag) =	ssettag $0x1  }
0x1: {  	s0 =	srdreg.scid;
	s3 =	rddreg [dreg:$0x0]  }
0x2: {  	s5 =	rddreg [dreg:$0x1];
	s4 =	sand.u32 $0x1, s0  }
0x3: {  	s1 =	stileid.u32;
	s8 =	simm.s32 $0x0;
	s2 =	sshll.u32 s4, $0x4  }
0x4: {  	s4 =	ssub.s32 $0x2, s4;
	s6 =	sor.u32 s1, s2;
	s2 =	simm.s32 $0x0  }
0x5: {  	s7 =	sshrl.u32 s4, $0x1;
	s6 =	smul.u32 $0x500, s6;
	[smem:$0x7FF] =	sst s2  }
0x6: {  	s0 =	rddreg [dreg:$0x2];
	s7 =	ssub.s32 s4, s7;
	_ =	strace $0x80000047  }
0x7: {  	s5 =	sadd.s32 s6, s5;
	s3 =	sadd.s32 s3, s6;
	s6 =	simm.s32 $0x1  }
0x8: {  	v0 =	vimm.f32 $0.0e+00;
	v1 =	vimm.f32 $1.000000000e+00;
	s4 =	sadd.s32 $0x2400, s5;
	s5 =	smax.u32 s7, $0x1;
	s7 =	simm.s32 $0x2800  }
.LBB2_1:
0x9: {  	s9 =	simm.s32 $0x0;
	s10 =	simm.s32 $0x200  }
.LBB2_2:
0xa: {  	p0 =	sne.s32 s10, $0x9C00;
	[tilespmem:s9+$0x2870] =	vst v0  }
0xb: {  	[tilespmem:s9+$0x2800] =	vst v0  }
0xc: {  	[tilespmem:s9+$0x2810] =	vst v0  }
.Ltmp0:
0xd: {  	[tilespmem:s9+$0x2820] =	vst v0;
	(pc) =	sbr.rel @p0 .LBB2_2-.Ltmp0, $4  }
0xe: {  	[tilespmem:s9+$0x2830] =	vst v0  }
0xf: {  	[tilespmem:s9+$0x2840] =	vst v0  }
0x10: {  	[tilespmem:s9+$0x2850] =	vst v0  }
0x11: {  	[tilespmem:s9+$0x2860] =	vst v0;
	s9 =	sshra.s32 s10, $0x2;
	s10 =	sadd.s32 $0x200, s10  }
0x12: {  	[tilespmem:s9+$0x2870] =	vst v0  }
0x13: {  	[tilespmem:s9+$0x2800] =	vst v0  }
0x14: {  	[tilespmem:s9+$0x2810] =	vst v0  }
0x15: {  	[tilespmem:s9+$0x2820] =	vst v0  }
0x16: {  	[tilespmem:s9+$0x2830] =	vst v0  }
0x17: {  	[tilespmem:s9+$0x2840] =	vst v0  }
0x18: {  	[tilespmem:s9+$0x2850] =	vst v0  }
0x19: {  	[tilespmem:s9+$0x2860] =	vst v0;
	s9 =	simm.s32 $0x0  }
0x1a: {  	[tilespmem:s9], [sflag:$0x1] =	stream.linear.gather [hbm4b:s3+s9], $0x2800, $0x38;
	[tilespmem:$0x5000] =	vst v63  }
0x1b: {  	_ =	swait.ge [sflag:s6], $0x2800  }
0x1c: {  	[sflag:s6] =	ssyncset.done $0x0  }
0x1d: {  	[sflag:s6] =	ssyncadd.s32 $0xFFFFD800  }
.LBB2_4:
0x1e: {  	s10 =	sshra.s32 s9, $0x2  }
0x1f: {  	v2 =	vld [tilespmem:s10+$0x0];
	_ =	sdelay $0x7  }
0x20: {  	[tilespmem:v2+s7+$0x0] =	vst.idx.add.f32.msk $0xffff, v1  }
0x21: {  	v2 =	vld [tilespmem:s10+$0x10];
	_ =	sdelay $0x7  }
0x22: {  	[tilespmem:v2+s7+$0x0] =	vst.idx.add.f32.msk $0xffff, v1  }
0x23: {  	v2 =	vld [tilespmem:s10+$0x20];
	_ =	sdelay $0x7  }
0x24: {  	[tilespmem:v2+s7+$0x0] =	vst.idx.add.f32.msk $0xffff, v1  }
0x25: {  	v2 =	vld [tilespmem:s10+$0x30];
	_ =	sdelay $0x7  }
0x26: {  	[tilespmem:v2+s7+$0x0] =	vst.idx.add.f32.msk $0xffff, v1  }
0x27: {  	v2 =	vld [tilespmem:s10+$0x40];
	_ =	sdelay $0x7  }
0x28: {  	[tilespmem:v2+s7+$0x0] =	vst.idx.add.f32.msk $0xffff, v1  }
0x29: {  	v2 =	vld [tilespmem:s10+$0x50];
	_ =	sdelay $0x7  }
0x2a: {  	[tilespmem:v2+s7+$0x0] =	vst.idx.add.f32.msk $0xffff, v1  }
0x2b: {  	v2 =	vld [tilespmem:s10+$0x60];
	_ =	sdelay $0x7  }
0x2c: {  	[tilespmem:v2+s7+$0x0] =	vst.idx.add.f32.msk $0xffff, v1  }
0x2d: {  	v2 =	vld [tilespmem:s10+$0x70];
	_ =	sdelay $0x2  }
0x2e: {  	p0 =	sne.s32 s9, $0x9E00  }
.Ltmp1:
0x2f: {  	_ = 	snop;
	(pc) =	sbr.rel @p0 .LBB2_4-.Ltmp1, $2  }
0x30: {  	_ =	sdelay $0x2  }
0x31: {  	s9 =	sadd.s32 $0x200, s9;
	[tilespmem:v2+s7+$0x0] =	vst.idx.add.f32.msk $0xffff, v1  }
0x32: {  	s8 =	sadd.s32 $0x1, s8  }
0x33: {  	p0 =	sne.s32 s8, s5  }
.Ltmp2:
0x34: {  	_ = 	snop;
	(pc) =	sbr.rel @p0 .LBB2_1-.Ltmp2, $4  }
0x35: {  	[hbm4b:s4+s2] =	stream.linear.scatter [tilespmem:s7], [sflag:$0x1], $0x2780, $0x38;
	[tilespmem:$0x5000] =	vst v63  }
0x36: {  	_ =	swait.ge [sflag:s6], $0x2780  }
0x37: {  	[sflag:s6] =	ssyncset.done $0x0  }
0x38: {  	[sflag:s6] =	ssyncadd.s32 $0xFFFFD880  }
0x39: {  	_ =	sfence.sel $0x180000  }
0x3a: {  	[bflag:$0x0] =	sbarrier.arrive $0xFFFF  }
0x3b: {  	p0 =	sne.s32 s1, $0x0;
	_ =	strace $0x90000047  }
0x3c: {  	s0 =	sadd.s32 @!p0 $0x100000, s0;
	[bflag:$0x2] =	sbarrier.arrive $0xFFFF  }
0x3d: {  	[sflag:s0] =	ssyncadd.tile.s32 @!p0 $0x1;
	_ =	shalt  }
.Lfunc_end2:
_tile_overlayer_lowered:
.L_overlay_start_2:
0x3e: {  	(tag) =	ssettag $0x2  }
0x3f: {  	s0 =	rddreg [dreg:$0x0];
	s2 =	stileid.u32  }
0x40: {  	s1 =	rddreg [dreg:$0x1];
	p0 =	sne.s32 s2, $0x0  }
0x41: {  	s3 =	rddreg [dreg:$0x2];
	[bflag:$0x3] =	sbarrier.arrive $0xFFFF;
	s2 =	simm.s32 @!p0 $0x1C01  }
0x42: {  	[timem:s3], [sflag:s2] =	dma.local @!p0 [hbm:s0], s1  }
0x43: {  	s0 =	simm.s32 @!p0 $0x1  }
0x44: {  	_ =	swait.ge @!p0 [sflag:s0], s1  }
0x45: {  	s1 =	ssub.s32 @!p0 $0x0, s1;
	[sflag:s0] =	ssyncset.done @!p0 $0x0  }
0x46: {  	[sflag:s0] =	ssyncadd.s32 @!p0 s1  }
0x47: {  	[bflag:$0x3] =	sbarrier.arrive $0xFFFF  }
0x48: {  	_ =	shalt  }

</sc_bundles>
